<compile_context>
chip_gen: v7x
topology: tpu7x:2x2x1
jax: 0.10.2.dev20260603
libtpu: 0.0.44.dev20260713+nightly
codegen_flags: <defaults>
</compile_context>

<pallas_src>
import functools

import jax
import jax.numpy as jnp
from jax import lax
from jax.experimental import pallas as pl
from jax.experimental.pallas import tpu as pltpu
from jax.experimental.pallas import tpu_sc as plsc

N = 10000
D = 128
T = 4
CH = 128
NW = 32
NSUB = 16
NCORE = 2
EPAD_UNIT = NW * CH
NP = ((N + 1 + 127) // 128) * 128
RB = 1000

_mesh = plsc.VectorSubcoreMesh(core_axis_name="c", subcore_axis_name="s")


def _make_deg_kernel(nchunk):
    @functools.partial(
        pl.kernel,
        mesh=_mesh,
        out_type=jax.ShapeDtypeStruct((NCORE, NP, D), jnp.float32),
        scratch_types=[
            pltpu.VMEM((CH,), jnp.int32),
            pltpu.VMEM((CH, D), jnp.float32),
            pltpu.VMEM_SHARED((NP, D), jnp.float32),
        ],
    )
    def degk(dstr, ones_hbm, zeros_hbm, out, dst_v, ones_v, accd):
        c = lax.axis_index("c")
        s = lax.axis_index("s")
        wid = s * NCORE + c
        rows = NP // NSUB
        base = s * rows
        pltpu.sync_copy(ones_hbm, ones_v)
        pltpu.sync_copy(zeros_hbm.at[pl.ds(base, rows)], accd.at[pl.ds(base, rows)])
        plsc.subcore_barrier()

        def body(j, _):
            pltpu.sync_copy(dstr.at[wid * nchunk + j], dst_v)
            pltpu.sync_copy(ones_v, accd.at[dst_v], add=True)
            return ()

        lax.fori_loop(0, nchunk, body, ())
        plsc.subcore_barrier()
        for cc in range(NCORE):
            @pl.when(c == cc)
            def _():
                pltpu.sync_copy(accd.at[pl.ds(base, rows)],
                                out.at[cc, pl.ds(base, rows)])

    return degk


def _make_agg_kernel(tt, nchunk):
    @functools.partial(
        pl.kernel,
        mesh=_mesh,
        out_type=jax.ShapeDtypeStruct((tt, NCORE, NP, D), jnp.float32),
        scratch_types=[
            pltpu.VMEM((CH,), jnp.int32),
            pltpu.VMEM((CH,), jnp.int32),
            pltpu.VMEM((CH, D), jnp.float32),
            pltpu.VMEM_SHARED((NP, D), jnp.float32),
            pltpu.SemaphoreType.DMA,
        ],
    )
    def aggk(*refs):
        hhs = refs[:tt]
        srcr, dstr, zeros_hbm, out = refs[tt:tt + 4]
        src_v, dst_v, rows_v, acc, sem = refs[tt + 4:]
        c = lax.axis_index("c")
        s = lax.axis_index("s")
        wid = s * NCORE + c
        rows = NP // NSUB
        base = s * rows
        for t in range(tt):
            pltpu.sync_copy(zeros_hbm.at[pl.ds(base, rows)],
                            acc.at[pl.ds(base, rows)])
            plsc.subcore_barrier()

            def body(j, _):
                pltpu.sync_copy(srcr.at[wid * nchunk + j], src_v)
                pltpu.sync_copy(dstr.at[wid * nchunk + j], dst_v)
                pltpu.async_copy(hhs[t].at[src_v], rows_v, sem).wait()
                pltpu.sync_copy(rows_v, acc.at[dst_v], add=True)
                return ()

            lax.fori_loop(0, nchunk, body, ())
            plsc.subcore_barrier()
            for cc in range(NCORE):
                @pl.when(c == cc)
                def _():
                    pltpu.sync_copy(acc.at[pl.ds(base, rows)],
                                    out.at[t, cc, pl.ds(base, rows)])
            plsc.subcore_barrier()

    return aggk



def _dis_idiv(degp):
    deg = degp[0, :, 0:1] + degp[1, :, 0:1] + 1.0
    dis = 1.0 / jnp.sqrt(deg)
    return dis, dis * dis


def _prep_body(x_ref, degp_ref, W1_ref, xw_ref, hxw_ref):
    dis, _ = _dis_idiv(degp_ref[...])
    xw = jnp.dot(x_ref[...], W1_ref[...], preferred_element_type=jnp.float32)
    xw_ref[...] = xw
    hxw_ref[...] = dis * xw


def _left_body(xw_ref, degp_ref, p_ref, b1_ref, nW1_ref, nb1_ref, W2_ref,
               sw_ref, hs2_ref):
    xw = xw_ref[...]
    dis, idiv = _dis_idiv(degp_ref[...])
    el = dis * (p_ref[0] + p_ref[1]) + idiv * xw + b1_ref[...]
    mean = jnp.mean(el, axis=1, keepdims=True)
    ctr = el - mean
    S2 = jnp.sum(ctr * ctr, axis=1, keepdims=True)
    nb1 = nb1_ref[...]
    nW1 = nW1_ref[...]
    W2 = W2_ref[...]
    v = jnp.zeros_like(el)
    for t in range(1, T + 1):
        std = jnp.sqrt(t * S2 / (t * D - 1))
        nl = jnp.dot(ctr / (std + 1e-8), nW1,
                     preferred_element_type=jnp.float32) + nb1
        v = v + (nl - v) * 0.5
        s1 = (v - 1.0 >= 0.0).astype(jnp.float32)
        v = v * (1.0 - s1)
        sw = jnp.dot(s1, W2, preferred_element_type=jnp.float32)
        sw_ref[t - 1] = sw
        hs2_ref[t - 1] = dis * sw


def _right_body(q_ref, degp_ref, sw_ref, b2_ref, nW2_ref, nb2_ref, out_ref):
    dis, idiv = _dis_idiv(degp_ref[...])
    b2 = b2_ref[...]
    nW2 = nW2_ref[...]
    nb2 = nb2_ref[...]
    ers = []
    for t in range(T):
        ers.append(dis * (q_ref[t, 0] + q_ref[t, 1]) + idiv * sw_ref[t] + b2)
    v2 = jnp.zeros_like(ers[0])
    acc = jnp.zeros_like(ers[0])
    run_sum = jnp.zeros_like(ers[0][:, 0:1])
    for t in range(1, T + 1):
        run_sum = run_sum + jnp.sum(ers[t - 1], axis=1, keepdims=True)
        mean_t = run_sum / (t * D)
        S = jnp.zeros_like(run_sum)
        for tau in range(t):
            dlt = ers[tau] - mean_t
            S = S + jnp.sum(dlt * dlt, axis=1, keepdims=True)
        std = jnp.sqrt(S / (t * D - 1))
        nr = jnp.dot((ers[t - 1] - mean_t) / (std + 1e-8), nW2,
                     preferred_element_type=jnp.float32) + nb2
        v2 = v2 + (nr - v2) * 0.5
        s2 = (v2 - 1.0 >= 0.0).astype(jnp.float32)
        v2 = v2 * (1.0 - s2)
        acc = acc + s2
    out_ref[...] = acc * (1.0 / T)


def kernel(x, edge_index, W1, b1, W2, b2, nW1, nb1, nW2, nb2):
    src = edge_index[0]
    dst = edge_index[1]
    e = src.shape[0]
    epad = ((e + EPAD_UNIT - 1) // EPAD_UNIT) * EPAD_UNIT
    nchunk = epad // EPAD_UNIT
    pad = epad - e
    srcp = jnp.concatenate([src, jnp.zeros((pad,), jnp.int32)]).reshape(-1, CH)
    dstp = jnp.concatenate([dst, jnp.full((pad,), N, jnp.int32)]).reshape(-1, CH)

    zeros_d = jnp.zeros((NP, D), jnp.float32)
    ones_d = jnp.ones((CH, D), jnp.float32)

    degp = _make_deg_kernel(nchunk)(dstp, ones_d, zeros_d)
    degp_n = degp[:, :N, :16]

    grid = (N // RB,)
    xw, hxw = pl.pallas_call(
        _prep_body,
        grid=grid,
        in_specs=[
            pl.BlockSpec((RB, D), lambda i: (i, 0)),
            pl.BlockSpec((NCORE, RB, 16), lambda i: (0, i, 0)),
            pl.BlockSpec((D, D), lambda i: (0, 0)),
        ],
        out_specs=[
            pl.BlockSpec((RB, D), lambda i: (i, 0)),
            pl.BlockSpec((RB, D), lambda i: (i, 0)),
        ],
        out_shape=[
            jax.ShapeDtypeStruct((N, D), jnp.float32),
            jax.ShapeDtypeStruct((N, D), jnp.float32),
        ],
    )(x, degp_n, W1)

    hxwp = jnp.concatenate([hxw, jnp.zeros((NP - N, D), jnp.float32)], axis=0)
    p = _make_agg_kernel(1, nchunk)(hxwp, srcp, dstp, zeros_d)
    p_n = p[0, :, :N, :]

    b1r = b1.reshape(1, D)
    nb1r = nb1.reshape(1, D)
    sw_all, hs2_all = pl.pallas_call(
        _left_body,
        grid=grid,
        in_specs=[
            pl.BlockSpec((RB, D), lambda i: (i, 0)),
            pl.BlockSpec((NCORE, RB, 16), lambda i: (0, i, 0)),
            pl.BlockSpec((NCORE, RB, D), lambda i: (0, i, 0)),
            pl.BlockSpec((1, D), lambda i: (0, 0)),
            pl.BlockSpec((D, D), lambda i: (0, 0)),
            pl.BlockSpec((1, D), lambda i: (0, 0)),
            pl.BlockSpec((D, D), lambda i: (0, 0)),
        ],
        out_specs=[
            pl.BlockSpec((T, RB, D), lambda i: (0, i, 0)),
            pl.BlockSpec((T, RB, D), lambda i: (0, i, 0)),
        ],
        out_shape=[
            jax.ShapeDtypeStruct((T, N, D), jnp.float32),
            jax.ShapeDtypeStruct((T, N, D), jnp.float32),
        ],
    )(xw, degp_n, p_n, b1r, nW1, nb1r, W2)

    zpad = jnp.zeros((NP - N, D), jnp.float32)
    hs_args = [jnp.concatenate([hs2_all[t], zpad], axis=0) for t in range(T)]
    q = _make_agg_kernel(T, nchunk)(*hs_args, srcp, dstp, zeros_d)
    q_n = q[:, :, :N, :]

    b2r = b2.reshape(1, D)
    nb2r = nb2.reshape(1, D)
    out = pl.pallas_call(
        _right_body,
        grid=grid,
        in_specs=[
            pl.BlockSpec((T, NCORE, RB, D), lambda i: (0, 0, i, 0)),
            pl.BlockSpec((NCORE, RB, 16), lambda i: (0, i, 0)),
            pl.BlockSpec((T, RB, D), lambda i: (0, i, 0)),
            pl.BlockSpec((1, D), lambda i: (0, 0)),
            pl.BlockSpec((D, D), lambda i: (0, 0)),
            pl.BlockSpec((1, D), lambda i: (0, 0)),
        ],
        out_specs=pl.BlockSpec((RB, D), lambda i: (i, 0)),
        out_shape=jax.ShapeDtypeStruct((N, D), jnp.float32),
    )(q_n, degp_n, sw_all, b2r, nW2, nb2r)
    return out

# --- scband reference (transcript-rebuilt; emitter-appended) ---
"""Pipeline reference for scband-stfn-89687507076372 (READ-ONLY COPY).

The authoritative reference and input builder live on the scoring server;
editing this copy changes nothing except your own understanding.
"""

import jax, jax.numpy as jnp
import numpy as np

N = 10000
E_EDGES = 320000
D = 128
T = 4
V_TH = 1.0
TAU = 2.0
ALPHA = 2.0


def _atan_spike(u):
    # Heaviside forward with ATan surrogate gradient (spikingjelly-style)
    sg = (1.0 / jnp.pi) * jnp.arctan(jnp.pi / 2.0 * ALPHA * u) + 0.5
    heav = (u >= 0.0).astype(u.dtype)
    return sg + jax.lax.stop_gradient(heav - sg)


def _gcn_conv(x, W, b, src, dst, n):
    # PyG GCNConv: add self-loops, symmetric normalization, x @ W then scatter-add, + bias
    loop = jnp.arange(n, dtype=src.dtype)
    s = jnp.concatenate([src, loop])
    d = jnp.concatenate([dst, loop])
    ew = jnp.ones(s.shape[0], dtype=x.dtype)
    deg = jnp.zeros((n,), dtype=x.dtype).at[d].add(ew)
    dis = jnp.where(deg > 0, deg ** -0.5, 0.0)
    norm = dis[s] * ew * dis[d]
    xw = x @ W
    msg = xw[s] * norm[:, None]
    out = jnp.zeros((n, W.shape[1]), dtype=x.dtype).at[d].add(msg)
    return out + b


def _stfnorm(stack, W, b):
    # stack: [t, N, d]; normalize last step by per-node stats over t*d, then Linear
    t, n, dch = stack.shape
    out = stack[-1]
    flat = jnp.transpose(stack, (1, 0, 2)).reshape(n, t * dch)
    mean = jnp.mean(flat, axis=-1, keepdims=True)
    std = jnp.std(flat, axis=-1, keepdims=True, ddof=1)  # torch.std is unbiased
    out = V_TH * (out - mean) / (std + 1e-8)
    return out @ W + b


def setup_inputs(seed: int = 0):
    key = jax.random.key(seed)
    ks = jax.random.split(key, 8)
    x = jax.random.normal(ks[0], (N, D), dtype=jnp.float32)
    edge_index = jax.random.randint(ks[1], (2, E_EDGES), 0, N).astype(jnp.int32)
    lim = float(np.sqrt(6.0 / (D + D)))  # glorot uniform
    def gl(k):
        return jax.random.uniform(k, (D, D), dtype=jnp.float32, minval=-lim, maxval=lim)
    return {
        "x": x,
        "edge_index": edge_index,
        "W1": gl(ks[2]), "b1": jnp.zeros((D,), jnp.float32),
        "W2": gl(ks[3]), "b2": jnp.zeros((D,), jnp.float32),
        "nW1": gl(ks[4]), "nb1": jnp.zeros((D,), jnp.float32),
        "nW2": gl(ks[5]), "nb2": jnp.zeros((D,), jnp.float32),
    }


def reference(x, edge_index, W1, b1, W2, b2, nW1, nb1, nW2, nb2):
    src = edge_index[0]
    dst = edge_index[1]
    n = x.shape[0]
    v1 = jnp.zeros((), x.dtype)
    v2 = jnp.zeros((), x.dtype)
    el_list = []
    er_list = []
    spikes = []
    for _ in range(T):
        el = _gcn_conv(x, W1, b1, src, dst, n)
        el_list.append(el)
        nl = _stfnorm(jnp.stack(el_list, axis=0), nW1, nb1)
        # LIF charge (decay_input, tau=2, v_reset=0), fire, hard reset
        v1 = v1 + (nl - v1) / TAU
        s1 = _atan_spike(v1 - V_TH)
        v1 = v1 * (1.0 - s1)
        er = _gcn_conv(s1, W2, b2, src, dst, n)
        er_list.append(er)
        nr = _stfnorm(jnp.stack(er_list, axis=0), nW2, nb2)
        v2 = v2 + (nr - v2) / TAU
        s2 = _atan_spike(v2 - V_TH)
        v2 = v2 * (1.0 - s2)
        spikes.append(s2)
    return jnp.mean(jnp.stack(spikes, axis=0), axis=0)

if __name__ == "__main__":
    import jax
    _d = setup_inputs()
    print(jax.jit(kernel)(*tuple(_d.values())))

</pallas_src>

<mosaic_0001>
#map = affine_map<(d0, d1) -> (0, 0)>
#map1 = affine_map<(d0, d1) -> (0, 0, 0)>
module attributes {stable_mosaic.version = 14 : i64} {
  func.func @degk(%arg0: i32, %arg1: i32, %arg2: memref<2528x128xi32, #tpu.memory_space<hbm>>, %arg3: memref<128x128xf32, #tpu.memory_space<hbm>>, %arg4: memref<10112x128xf32, #tpu.memory_space<hbm>>, %arg5: memref<2x10112x128xf32, #tpu.memory_space<hbm>>, %arg6: memref<128xi32, #tpu.memory_space<vmem>>, %arg7: memref<128x128xf32, #tpu.memory_space<vmem>>, %arg8: memref<10112x128xf32, #tpu.memory_space<vmem_shared>>) attributes {dimension_semantics = [#tpu.dimension_semantics<core_parallel>, #tpu.dimension_semantics<subcore_parallel>], iteration_bounds = array<i64: 2, 16>, scalar_prefetch = 0 : i64, scratch_operands = 3 : i64, tpu.core_type = #tpu.core_type<sc_vector_subcore>, window_params = [{transform_indices = #map}, {transform_indices = #map}, {transform_indices = #map}, {transform_indices = #map1}]} {
    %mul3A = arith.constant 2 : i32
    %mul3A_0 = arith.muli %arg1, %mul3A : i32
    %add3A = arith.addi %mul3A_0, %arg0 : i32
    %mul3A_1 = arith.constant 632 : i32
    %mul3A_2 = arith.muli %arg1, %mul3A_1 : i32
    "tpu.region"() ({
      %run_scoped3A = tpu.sem_alloc : memref<!tpu.dma_semaphore, #tpu.memory_space<semaphore_mem>>
      tpu.enqueue_dma source(%arg3 : memref<128x128xf32, #tpu.memory_space<hbm>>) target(%arg7 : memref<128x128xf32, #tpu.memory_space<vmem>>) target_semaphore(%run_scoped3A : memref<!tpu.dma_semaphore, #tpu.memory_space<semaphore_mem>>)
      tpu.wait_dma2 semaphore(%run_scoped3A : memref<!tpu.dma_semaphore, #tpu.memory_space<semaphore_mem>>) src(%arg3 : memref<128x128xf32, #tpu.memory_space<hbm>>) dst(%arg7 : memref<128x128xf32, #tpu.memory_space<vmem>>)
      tpu.yield
    }) : () -> ()
    "tpu.region"() ({
      %run_scoped3A = tpu.sem_alloc : memref<!tpu.dma_semaphore, #tpu.memory_space<semaphore_mem>>
      %dma_start3A = arith.constant 0 : i32
      %dma_start3A_15 = tpu.memref_slice %arg8[%mul3A_2, %dma_start3A] : memref<10112x128xf32, #tpu.memory_space<vmem_shared>> -> memref<632x128xf32, #tpu.memory_space<vmem_shared>>
      %dma_start3A_16 = arith.constant 0 : i32
      %dma_start3A_17 = tpu.memref_slice %arg4[%mul3A_2, %dma_start3A_16] : memref<10112x128xf32, #tpu.memory_space<hbm>> -> memref<632x128xf32, #tpu.memory_space<hbm>>
      tpu.enqueue_dma source(%dma_start3A_17 : memref<632x128xf32, #tpu.memory_space<hbm>>) target(%dma_start3A_15 : memref<632x128xf32, #tpu.memory_space<vmem_shared>>) target_semaphore(%run_scoped3A : memref<!tpu.dma_semaphore, #tpu.memory_space<semaphore_mem>>)
      %dma_wait3A = arith.constant 0 : i32
      %dma_wait3A_18 = tpu.memref_slice %arg8[%mul3A_2, %dma_wait3A] : memref<10112x128xf32, #tpu.memory_space<vmem_shared>> -> memref<632x128xf32, #tpu.memory_space<vmem_shared>>
      %dma_wait3A_19 = arith.constant 0 : i32
      %dma_wait3A_20 = tpu.memref_slice %arg4[%mul3A_2, %dma_wait3A_19] : memref<10112x128xf32, #tpu.memory_space<hbm>> -> memref<632x128xf32, #tpu.memory_space<hbm>>
      tpu.wait_dma2 semaphore(%run_scoped3A : memref<!tpu.dma_semaphore, #tpu.memory_space<semaphore_mem>>) src(%dma_wait3A_20 : memref<632x128xf32, #tpu.memory_space<hbm>>) dst(%dma_wait3A_18 : memref<632x128xf32, #tpu.memory_space<vmem_shared>>)
      tpu.yield
    }) : () -> ()
    %barrier3A = arith.constant 0 : index
    tpu.barrier barrier_id(%barrier3A)
    %scan3A = arith.constant 0 : i32
    %scan3A_3 = arith.constant 79 : i32
    %scan3A_4 = arith.addi %scan3A, %scan3A_3 : i32
    %scan3A_5 = arith.constant 1 : i32
    scf.for %scan3A_15 = %scan3A to %scan3A_4 step %scan3A_5  : i32 {
      %mul3A_16 = arith.constant 79 : i32
      %mul3A_17 = arith.muli %add3A, %mul3A_16 : i32
      %add3A_18 = arith.addi %mul3A_17, %scan3A_15 : i32
      "tpu.region"() ({
        %run_scoped3A = tpu.sem_alloc : memref<!tpu.dma_semaphore, #tpu.memory_space<semaphore_mem>>
        %dma_start3A = arith.constant 0 : i32
        %dma_start3A_19 = tpu.memref_slice %arg2[%add3A_18, %dma_start3A] : memref<2528x128xi32, #tpu.memory_space<hbm>> -> memref<1x128xi32, #tpu.memory_space<hbm>>
        %dma_start3A_20 = tpu.memref_squeeze %dma_start3A_19 : memref<1x128xi32, #tpu.memory_space<hbm>> -> memref<128xi32, #tpu.memory_space<hbm>>
        %dma_start3A_21 = arith.constant 0 : i32
        %dma_start3A_22 = tpu.memref_slice %arg2[%add3A_18, %dma_start3A_21] : memref<2528x128xi32, #tpu.memory_space<hbm>> -> memref<1x128xi32, #tpu.memory_space<hbm>>
        %dma_start3A_23 = tpu.memref_squeeze %dma_start3A_22 : memref<1x128xi32, #tpu.memory_space<hbm>> -> memref<128xi32, #tpu.memory_space<hbm>>
        tpu.enqueue_dma source(%dma_start3A_23 : memref<128xi32, #tpu.memory_space<hbm>>) target(%arg6 : memref<128xi32, #tpu.memory_space<vmem>>) target_semaphore(%run_scoped3A : memref<!tpu.dma_semaphore, #tpu.memory_space<semaphore_mem>>)
        %dma_wait3A = arith.constant 0 : i32
        %dma_wait3A_24 = tpu.memref_slice %arg2[%add3A_18, %dma_wait3A] : memref<2528x128xi32, #tpu.memory_space<hbm>> -> memref<1x128xi32, #tpu.memory_space<hbm>>
        %dma_wait3A_25 = tpu.memref_squeeze %dma_wait3A_24 : memref<1x128xi32, #tpu.memory_space<hbm>> -> memref<128xi32, #tpu.memory_space<hbm>>
        %dma_wait3A_26 = arith.constant 0 : i32
        %dma_wait3A_27 = tpu.memref_slice %arg2[%add3A_18, %dma_wait3A_26] : memref<2528x128xi32, #tpu.memory_space<hbm>> -> memref<1x128xi32, #tpu.memory_space<hbm>>
        %dma_wait3A_28 = tpu.memref_squeeze %dma_wait3A_27 : memref<1x128xi32, #tpu.memory_space<hbm>> -> memref<128xi32, #tpu.memory_space<hbm>>
        tpu.wait_dma2 semaphore(%run_scoped3A : memref<!tpu.dma_semaphore, #tpu.memory_space<semaphore_mem>>) src(%dma_wait3A_28 : memref<128xi32, #tpu.memory_space<hbm>>) dst(%arg6 : memref<128xi32, #tpu.memory_space<vmem>>)
        tpu.yield
      }) : () -> ()
      "tpu.region"() ({
        %run_scoped3A = tpu.sem_alloc : memref<!tpu.dma_semaphore, #tpu.memory_space<semaphore_mem>>
        %dma_start3A = arith.constant 0 : i32
        %dma_start3A_19 = arith.constant 0 : i32
        %dma_start3A_20 = tpu.memref_slice %arg8[%dma_start3A, %dma_start3A_19] : memref<10112x128xf32, #tpu.memory_space<vmem_shared>> -> memref<10112x128xf32, #tpu.memory_space<vmem_shared>>
        tpu.enqueue_indirect_dma source(%arg7 : memref<128x128xf32, #tpu.memory_space<vmem>>) target(%dma_start3A_20 : memref<10112x128xf32, #tpu.memory_space<vmem_shared>>) offsets(%arg6 : memref<128xi32, #tpu.memory_space<vmem>>) semaphore(%run_scoped3A : memref<!tpu.dma_semaphore, #tpu.memory_space<semaphore_mem>>) {add = true}
        %dma_wait3A = arith.constant 0 : i32
        %dma_wait3A_21 = arith.constant 0 : i32
        %dma_wait3A_22 = tpu.memref_slice %arg8[%dma_wait3A, %dma_wait3A_21] : memref<10112x128xf32, #tpu.memory_space<vmem_shared>> -> memref<10112x128xf32, #tpu.memory_space<vmem_shared>>
        tpu.wait_indirect_dma semaphore(%run_scoped3A : memref<!tpu.dma_semaphore, #tpu.memory_space<semaphore_mem>>) src(%arg7 : memref<128x128xf32, #tpu.memory_space<vmem>>) dst(%dma_wait3A_22 : memref<10112x128xf32, #tpu.memory_space<vmem_shared>>)
        tpu.yield
      }) : () -> ()
    }
    %scan3A_6 = arith.constant 79 : i32
    %barrier3A_7 = arith.constant 0 : index
    tpu.barrier barrier_id(%barrier3A_7)
    %eq3A = arith.constant 0 : i32
    %eq3A_8 = arith.cmpi eq, %arg0, %eq3A : i32
    %convert_element_type3A = arith.extui %eq3A_8 : i1 to i32
    %cond3A = arith.constant 0 : i32
    %cond3A_9 = arith.cmpi ne, %convert_element_type3A, %cond3A : i32
    scf.if %cond3A_9 {
      %run_scoped3A = arith.constant 0 : i32
      "tpu.region"() ({
        %run_scoped3A_15 = tpu.sem_alloc : memref<!tpu.dma_semaphore, #tpu.memory_space<semaphore_mem>>
        %dma_start3A = arith.constant 0 : i32
        %dma_start3A_16 = tpu.memref_slice %arg5[%run_scoped3A, %mul3A_2, %dma_start3A] : memref<2x10112x128xf32, #tpu.memory_space<hbm>> -> memref<1x632x128xf32, #tpu.memory_space<hbm>>
        %dma_start3A_17 = tpu.memref_squeeze %dma_start3A_16 : memref<1x632x128xf32, #tpu.memory_space<hbm>> -> memref<632x128xf32, #tpu.memory_space<hbm>>
        %dma_start3A_18 = arith.constant 0 : i32
        %dma_start3A_19 = tpu.memref_slice %arg8[%mul3A_2, %dma_start3A_18] : memref<10112x128xf32, #tpu.memory_space<vmem_shared>> -> memref<632x128xf32, #tpu.memory_space<vmem_shared>>
        tpu.enqueue_dma source(%dma_start3A_19 : memref<632x128xf32, #tpu.memory_space<vmem_shared>>) target(%dma_start3A_17 : memref<632x128xf32, #tpu.memory_space<hbm>>) target_semaphore(%run_scoped3A_15 : memref<!tpu.dma_semaphore, #tpu.memory_space<semaphore_mem>>)
        %dma_wait3A = arith.constant 0 : i32
        %dma_wait3A_20 = tpu.memref_slice %arg5[%run_scoped3A, %mul3A_2, %dma_wait3A] : memref<2x10112x128xf32, #tpu.memory_space<hbm>> -> memref<1x632x128xf32, #tpu.memory_space<hbm>>
        %dma_wait3A_21 = tpu.memref_squeeze %dma_wait3A_20 : memref<1x632x128xf32, #tpu.memory_space<hbm>> -> memref<632x128xf32, #tpu.memory_space<hbm>>
        %dma_wait3A_22 = arith.constant 0 : i32
        %dma_wait3A_23 = tpu.memref_slice %arg8[%mul3A_2, %dma_wait3A_22] : memref<10112x128xf32, #tpu.memory_space<vmem_shared>> -> memref<632x128xf32, #tpu.memory_space<vmem_shared>>
        tpu.wait_dma2 semaphore(%run_scoped3A_15 : memref<!tpu.dma_semaphore, #tpu.memory_space<semaphore_mem>>) src(%dma_wait3A_23 : memref<632x128xf32, #tpu.memory_space<vmem_shared>>) dst(%dma_wait3A_21 : memref<632x128xf32, #tpu.memory_space<hbm>>)
        tpu.yield
      }) : () -> ()
    } else {
    }
    %eq3A_10 = arith.constant 1 : i32
    %eq3A_11 = arith.cmpi eq, %arg0, %eq3A_10 : i32
    %convert_element_type3A_12 = arith.extui %eq3A_11 : i1 to i32
    %cond3A_13 = arith.constant 0 : i32
    %cond3A_14 = arith.cmpi ne, %convert_element_type3A_12, %cond3A_13 : i32
    scf.if %cond3A_14 {
      %run_scoped3A = arith.constant 1 : i32
      "tpu.region"() ({
        %run_scoped3A_15 = tpu.sem_alloc : memref<!tpu.dma_semaphore, #tpu.memory_space<semaphore_mem>>
        %dma_start3A = arith.constant 0 : i32
        %dma_start3A_16 = tpu.memref_slice %arg5[%run_scoped3A, %mul3A_2, %dma_start3A] : memref<2x10112x128xf32, #tpu.memory_space<hbm>> -> memref<1x632x128xf32, #tpu.memory_space<hbm>>
        %dma_start3A_17 = tpu.memref_squeeze %dma_start3A_16 : memref<1x632x128xf32, #tpu.memory_space<hbm>> -> memref<632x128xf32, #tpu.memory_space<hbm>>
        %dma_start3A_18 = arith.constant 0 : i32
        %dma_start3A_19 = tpu.memref_slice %arg8[%mul3A_2, %dma_start3A_18] : memref<10112x128xf32, #tpu.memory_space<vmem_shared>> -> memref<632x128xf32, #tpu.memory_space<vmem_shared>>
        tpu.enqueue_dma source(%dma_start3A_19 : memref<632x128xf32, #tpu.memory_space<vmem_shared>>) target(%dma_start3A_17 : memref<632x128xf32, #tpu.memory_space<hbm>>) target_semaphore(%run_scoped3A_15 : memref<!tpu.dma_semaphore, #tpu.memory_space<semaphore_mem>>)
        %dma_wait3A = arith.constant 0 : i32
        %dma_wait3A_20 = tpu.memref_slice %arg5[%run_scoped3A, %mul3A_2, %dma_wait3A] : memref<2x10112x128xf32, #tpu.memory_space<hbm>> -> memref<1x632x128xf32, #tpu.memory_space<hbm>>
        %dma_wait3A_21 = tpu.memref_squeeze %dma_wait3A_20 : memref<1x632x128xf32, #tpu.memory_space<hbm>> -> memref<632x128xf32, #tpu.memory_space<hbm>>
        %dma_wait3A_22 = arith.constant 0 : i32
        %dma_wait3A_23 = tpu.memref_slice %arg8[%mul3A_2, %dma_wait3A_22] : memref<10112x128xf32, #tpu.memory_space<vmem_shared>> -> memref<632x128xf32, #tpu.memory_space<vmem_shared>>
        tpu.wait_dma2 semaphore(%run_scoped3A_15 : memref<!tpu.dma_semaphore, #tpu.memory_space<semaphore_mem>>) src(%dma_wait3A_23 : memref<632x128xf32, #tpu.memory_space<vmem_shared>>) dst(%dma_wait3A_21 : memref<632x128xf32, #tpu.memory_space<hbm>>)
        tpu.yield
      }) : () -> ()
    } else {
    }
    return
  }
}

#map = affine_map<(d0, d1) -> (0, 0)>
#map1 = affine_map<(d0, d1) -> (0, 0, 0, 0)>
module attributes {stable_mosaic.version = 14 : i64} {
  func.func @aggk(%arg0: i32, %arg1: i32, %arg2: memref<10112x128xf32, #tpu.memory_space<hbm>>, %arg3: memref<2528x128xi32, #tpu.memory_space<hbm>>, %arg4: memref<2528x128xi32, #tpu.memory_space<hbm>>, %arg5: memref<10112x128xf32, #tpu.memory_space<hbm>>, %arg6: memref<1x2x10112x128xf32, #tpu.memory_space<hbm>>, %arg7: memref<128xi32, #tpu.memory_space<vmem>>, %arg8: memref<128xi32, #tpu.memory_space<vmem>>, %arg9: memref<128x128xf32, #tpu.memory_space<vmem>>, %arg10: memref<10112x128xf32, #tpu.memory_space<vmem_shared>>, %arg11: memref<!tpu.dma_semaphore, #tpu.memory_space<semaphore_mem>>) attributes {dimension_semantics = [#tpu.dimension_semantics<core_parallel>, #tpu.dimension_semantics<subcore_parallel>], iteration_bounds = array<i64: 2, 16>, scalar_prefetch = 0 : i64, scratch_operands = 5 : i64, tpu.core_type = #tpu.core_type<sc_vector_subcore>, window_params = [{transform_indices = #map}, {transform_indices = #map}, {transform_indices = #map}, {transform_indices = #map}, {transform_indices = #map1}]} {
    %mul3A = arith.constant 2 : i32
    %mul3A_0 = arith.muli %arg1, %mul3A : i32
    %add3A = arith.addi %mul3A_0, %arg0 : i32
    %mul3A_1 = arith.constant 632 : i32
    %mul3A_2 = arith.muli %arg1, %mul3A_1 : i32
    "tpu.region"() ({
      %run_scoped3A = tpu.sem_alloc : memref<!tpu.dma_semaphore, #tpu.memory_space<semaphore_mem>>
      %dma_start3A = arith.constant 0 : i32
      %dma_start3A_16 = tpu.memref_slice %arg10[%mul3A_2, %dma_start3A] : memref<10112x128xf32, #tpu.memory_space<vmem_shared>> -> memref<632x128xf32, #tpu.memory_space<vmem_shared>>
      %dma_start3A_17 = arith.constant 0 : i32
      %dma_start3A_18 = tpu.memref_slice %arg5[%mul3A_2, %dma_start3A_17] : memref<10112x128xf32, #tpu.memory_space<hbm>> -> memref<632x128xf32, #tpu.memory_space<hbm>>
      tpu.enqueue_dma source(%dma_start3A_18 : memref<632x128xf32, #tpu.memory_space<hbm>>) target(%dma_start3A_16 : memref<632x128xf32, #tpu.memory_space<vmem_shared>>) target_semaphore(%run_scoped3A : memref<!tpu.dma_semaphore, #tpu.memory_space<semaphore_mem>>)
      %dma_wait3A = arith.constant 0 : i32
      %dma_wait3A_19 = tpu.memref_slice %arg10[%mul3A_2, %dma_wait3A] : memref<10112x128xf32, #tpu.memory_space<vmem_shared>> -> memref<632x128xf32, #tpu.memory_space<vmem_shared>>
      %dma_wait3A_20 = arith.constant 0 : i32
      %dma_wait3A_21 = tpu.memref_slice %arg5[%mul3A_2, %dma_wait3A_20] : memref<10112x128xf32, #tpu.memory_space<hbm>> -> memref<632x128xf32, #tpu.memory_space<hbm>>
      tpu.wait_dma2 semaphore(%run_scoped3A : memref<!tpu.dma_semaphore, #tpu.memory_space<semaphore_mem>>) src(%dma_wait3A_21 : memref<632x128xf32, #tpu.memory_space<hbm>>) dst(%dma_wait3A_19 : memref<632x128xf32, #tpu.memory_space<vmem_shared>>)
      tpu.yield
    }) : () -> ()
    %barrier3A = arith.constant 0 : index
    tpu.barrier barrier_id(%barrier3A)
    %scan3A = arith.constant 0 : i32
    %scan3A_3 = arith.constant 79 : i32
    %scan3A_4 = arith.addi %scan3A, %scan3A_3 : i32
    %scan3A_5 = arith.constant 1 : i32
    scf.for %scan3A_16 = %scan3A to %scan3A_4 step %scan3A_5  : i32 {
      %mul3A_17 = arith.constant 79 : i32
      %mul3A_18 = arith.muli %add3A, %mul3A_17 : i32
      %add3A_19 = arith.addi %mul3A_18, %scan3A_16 : i32
      "tpu.region"() ({
        %run_scoped3A = tpu.sem_alloc : memref<!tpu.dma_semaphore, #tpu.memory_space<semaphore_mem>>
        %dma_start3A_27 = arith.constant 0 : i32
        %dma_start3A_28 = tpu.memref_slice %arg3[%add3A_19, %dma_start3A_27] : memref<2528x128xi32, #tpu.memory_space<hbm>> -> memref<1x128xi32, #tpu.memory_space<hbm>>
        %dma_start3A_29 = tpu.memref_squeeze %dma_start3A_28 : memref<1x128xi32, #tpu.memory_space<hbm>> -> memref<128xi32, #tpu.memory_space<hbm>>
        %dma_start3A_30 = arith.constant 0 : i32
        %dma_start3A_31 = tpu.memref_slice %arg3[%add3A_19, %dma_start3A_30] : memref<2528x128xi32, #tpu.memory_space<hbm>> -> memref<1x128xi32, #tpu.memory_space<hbm>>
        %dma_start3A_32 = tpu.memref_squeeze %dma_start3A_31 : memref<1x128xi32, #tpu.memory_space<hbm>> -> memref<128xi32, #tpu.memory_space<hbm>>
        tpu.enqueue_dma source(%dma_start3A_32 : memref<128xi32, #tpu.memory_space<hbm>>) target(%arg7 : memref<128xi32, #tpu.memory_space<vmem>>) target_semaphore(%run_scoped3A : memref<!tpu.dma_semaphore, #tpu.memory_space<semaphore_mem>>)
        %dma_wait3A_33 = arith.constant 0 : i32
        %dma_wait3A_34 = tpu.memref_slice %arg3[%add3A_19, %dma_wait3A_33] : memref<2528x128xi32, #tpu.memory_space<hbm>> -> memref<1x128xi32, #tpu.memory_space<hbm>>
        %dma_wait3A_35 = tpu.memref_squeeze %dma_wait3A_34 : memref<1x128xi32, #tpu.memory_space<hbm>> -> memref<128xi32, #tpu.memory_space<hbm>>
        %dma_wait3A_36 = arith.constant 0 : i32
        %dma_wait3A_37 = tpu.memref_slice %arg3[%add3A_19, %dma_wait3A_36] : memref<2528x128xi32, #tpu.memory_space<hbm>> -> memref<1x128xi32, #tpu.memory_space<hbm>>
        %dma_wait3A_38 = tpu.memref_squeeze %dma_wait3A_37 : memref<1x128xi32, #tpu.memory_space<hbm>> -> memref<128xi32, #tpu.memory_space<hbm>>
        tpu.wait_dma2 semaphore(%run_scoped3A : memref<!tpu.dma_semaphore, #tpu.memory_space<semaphore_mem>>) src(%dma_wait3A_38 : memref<128xi32, #tpu.memory_space<hbm>>) dst(%arg7 : memref<128xi32, #tpu.memory_space<vmem>>)
        tpu.yield
      }) : () -> ()
      %mul3A_20 = arith.constant 79 : i32
      %mul3A_21 = arith.muli %add3A, %mul3A_20 : i32
      %add3A_22 = arith.addi %mul3A_21, %scan3A_16 : i32
      "tpu.region"() ({
        %run_scoped3A = tpu.sem_alloc : memref<!tpu.dma_semaphore, #tpu.memory_space<semaphore_mem>>
        %dma_start3A_27 = arith.constant 0 : i32
        %dma_start3A_28 = tpu.memref_slice %arg4[%add3A_22, %dma_start3A_27] : memref<2528x128xi32, #tpu.memory_space<hbm>> -> memref<1x128xi32, #tpu.memory_space<hbm>>
        %dma_start3A_29 = tpu.memref_squeeze %dma_start3A_28 : memref<1x128xi32, #tpu.memory_space<hbm>> -> memref<128xi32, #tpu.memory_space<hbm>>
        %dma_start3A_30 = arith.constant 0 : i32
        %dma_start3A_31 = tpu.memref_slice %arg4[%add3A_22, %dma_start3A_30] : memref<2528x128xi32, #tpu.memory_space<hbm>> -> memref<1x128xi32, #tpu.memory_space<hbm>>
        %dma_start3A_32 = tpu.memref_squeeze %dma_start3A_31 : memref<1x128xi32, #tpu.memory_space<hbm>> -> memref<128xi32, #tpu.memory_space<hbm>>
        tpu.enqueue_dma source(%dma_start3A_32 : memref<128xi32, #tpu.memory_space<hbm>>) target(%arg8 : memref<128xi32, #tpu.memory_space<vmem>>) target_semaphore(%run_scoped3A : memref<!tpu.dma_semaphore, #tpu.memory_space<semaphore_mem>>)
        %dma_wait3A_33 = arith.constant 0 : i32
        %dma_wait3A_34 = tpu.memref_slice %arg4[%add3A_22, %dma_wait3A_33] : memref<2528x128xi32, #tpu.memory_space<hbm>> -> memref<1x128xi32, #tpu.memory_space<hbm>>
        %dma_wait3A_35 = tpu.memref_squeeze %dma_wait3A_34 : memref<1x128xi32, #tpu.memory_space<hbm>> -> memref<128xi32, #tpu.memory_space<hbm>>
        %dma_wait3A_36 = arith.constant 0 : i32
        %dma_wait3A_37 = tpu.memref_slice %arg4[%add3A_22, %dma_wait3A_36] : memref<2528x128xi32, #tpu.memory_space<hbm>> -> memref<1x128xi32, #tpu.memory_space<hbm>>
        %dma_wait3A_38 = tpu.memref_squeeze %dma_wait3A_37 : memref<1x128xi32, #tpu.memory_space<hbm>> -> memref<128xi32, #tpu.memory_space<hbm>>
        tpu.wait_dma2 semaphore(%run_scoped3A : memref<!tpu.dma_semaphore, #tpu.memory_space<semaphore_mem>>) src(%dma_wait3A_38 : memref<128xi32, #tpu.memory_space<hbm>>) dst(%arg8 : memref<128xi32, #tpu.memory_space<vmem>>)
        tpu.yield
      }) : () -> ()
      %dma_start3A = arith.constant 0 : i32
      %dma_start3A_23 = arith.constant 0 : i32
      %dma_start3A_24 = tpu.memref_slice %arg2[%dma_start3A, %dma_start3A_23] : memref<10112x128xf32, #tpu.memory_space<hbm>> -> memref<10112x128xf32, #tpu.memory_space<hbm>>
      tpu.enqueue_indirect_dma source(%dma_start3A_24 : memref<10112x128xf32, #tpu.memory_space<hbm>>) target(%arg9 : memref<128x128xf32, #tpu.memory_space<vmem>>) offsets(%arg7 : memref<128xi32, #tpu.memory_space<vmem>>) semaphore(%arg11 : memref<!tpu.dma_semaphore, #tpu.memory_space<semaphore_mem>>)
      %dma_wait3A = arith.constant 0 : i32
      %dma_wait3A_25 = arith.constant 0 : i32
      %dma_wait3A_26 = tpu.memref_slice %arg2[%dma_wait3A, %dma_wait3A_25] : memref<10112x128xf32, #tpu.memory_space<hbm>> -> memref<10112x128xf32, #tpu.memory_space<hbm>>
      tpu.wait_indirect_dma semaphore(%arg11 : memref<!tpu.dma_semaphore, #tpu.memory_space<semaphore_mem>>) src(%dma_wait3A_26 : memref<10112x128xf32, #tpu.memory_space<hbm>>) dst(%arg9 : memref<128x128xf32, #tpu.memory_space<vmem>>)
      "tpu.region"() ({
        %run_scoped3A = tpu.sem_alloc : memref<!tpu.dma_semaphore, #tpu.memory_space<semaphore_mem>>
        %dma_start3A_27 = arith.constant 0 : i32
        %dma_start3A_28 = arith.constant 0 : i32
        %dma_start3A_29 = tpu.memref_slice %arg10[%dma_start3A_27, %dma_start3A_28] : memref<10112x128xf32, #tpu.memory_space<vmem_shared>> -> memref<10112x128xf32, #tpu.memory_space<vmem_shared>>
        tpu.enqueue_indirect_dma source(%arg9 : memref<128x128xf32, #tpu.memory_space<vmem>>) target(%dma_start3A_29 : memref<10112x128xf32, #tpu.memory_space<vmem_shared>>) offsets(%arg8 : memref<128xi32, #tpu.memory_space<vmem>>) semaphore(%run_scoped3A : memref<!tpu.dma_semaphore, #tpu.memory_space<semaphore_mem>>) {add = true}
        %dma_wait3A_30 = arith.constant 0 : i32
        %dma_wait3A_31 = arith.constant 0 : i32
        %dma_wait3A_32 = tpu.memref_slice %arg10[%dma_wait3A_30, %dma_wait3A_31] : memref<10112x128xf32, #tpu.memory_space<vmem_shared>> -> memref<10112x128xf32, #tpu.memory_space<vmem_shared>>
        tpu.wait_indirect_dma semaphore(%run_scoped3A : memref<!tpu.dma_semaphore, #tpu.memory_space<semaphore_mem>>) src(%arg9 : memref<128x128xf32, #tpu.memory_space<vmem>>) dst(%dma_wait3A_32 : memref<10112x128xf32, #tpu.memory_space<vmem_shared>>)
        tpu.yield
      }) : () -> ()
    }
    %scan3A_6 = arith.constant 79 : i32
    %barrier3A_7 = arith.constant 0 : index
    tpu.barrier barrier_id(%barrier3A_7)
    %eq3A = arith.constant 0 : i32
    %eq3A_8 = arith.cmpi eq, %arg0, %eq3A : i32
    %convert_element_type3A = arith.extui %eq3A_8 : i1 to i32
    %cond3A = arith.constant 0 : i32
    %cond3A_9 = arith.cmpi ne, %convert_element_type3A, %cond3A : i32
    scf.if %cond3A_9 {
      %run_scoped3A = arith.constant 0 : i32
      %run_scoped3A_16 = arith.constant 0 : i32
      "tpu.region"() ({
        %run_scoped3A_17 = tpu.sem_alloc : memref<!tpu.dma_semaphore, #tpu.memory_space<semaphore_mem>>
        %dma_start3A = arith.constant 0 : i32
        %dma_start3A_18 = tpu.memref_slice %arg6[%run_scoped3A, %run_scoped3A_16, %mul3A_2, %dma_start3A] : memref<1x2x10112x128xf32, #tpu.memory_space<hbm>> -> memref<1x1x632x128xf32, #tpu.memory_space<hbm>>
        %dma_start3A_19 = tpu.memref_squeeze %dma_start3A_18 : memref<1x1x632x128xf32, #tpu.memory_space<hbm>> -> memref<632x128xf32, #tpu.memory_space<hbm>>
        %dma_start3A_20 = arith.constant 0 : i32
        %dma_start3A_21 = tpu.memref_slice %arg10[%mul3A_2, %dma_start3A_20] : memref<10112x128xf32, #tpu.memory_space<vmem_shared>> -> memref<632x128xf32, #tpu.memory_space<vmem_shared>>
        tpu.enqueue_dma source(%dma_start3A_21 : memref<632x128xf32, #tpu.memory_space<vmem_shared>>) target(%dma_start3A_19 : memref<632x128xf32, #tpu.memory_space<hbm>>) target_semaphore(%run_scoped3A_17 : memref<!tpu.dma_semaphore, #tpu.memory_space<semaphore_mem>>)
        %dma_wait3A = arith.constant 0 : i32
        %dma_wait3A_22 = tpu.memref_slice %arg6[%run_scoped3A, %run_scoped3A_16, %mul3A_2, %dma_wait3A] : memref<1x2x10112x128xf32, #tpu.memory_space<hbm>> -> memref<1x1x632x128xf32, #tpu.memory_space<hbm>>
        %dma_wait3A_23 = tpu.memref_squeeze %dma_wait3A_22 : memref<1x1x632x128xf32, #tpu.memory_space<hbm>> -> memref<632x128xf32, #tpu.memory_space<hbm>>
        %dma_wait3A_24 = arith.constant 0 : i32
        %dma_wait3A_25 = tpu.memref_slice %arg10[%mul3A_2, %dma_wait3A_24] : memref<10112x128xf32, #tpu.memory_space<vmem_shared>> -> memref<632x128xf32, #tpu.memory_space<vmem_shared>>
        tpu.wait_dma2 semaphore(%run_scoped3A_17 : memref<!tpu.dma_semaphore, #tpu.memory_space<semaphore_mem>>) src(%dma_wait3A_25 : memref<632x128xf32, #tpu.memory_space<vmem_shared>>) dst(%dma_wait3A_23 : memref<632x128xf32, #tpu.memory_space<hbm>>)
        tpu.yield
      }) : () -> ()
    } else {
    }
    %eq3A_10 = arith.constant 1 : i32
    %eq3A_11 = arith.cmpi eq, %arg0, %eq3A_10 : i32
    %convert_element_type3A_12 = arith.extui %eq3A_11 : i1 to i32
    %cond3A_13 = arith.constant 0 : i32
    %cond3A_14 = arith.cmpi ne, %convert_element_type3A_12, %cond3A_13 : i32
    scf.if %cond3A_14 {
      %run_scoped3A = arith.constant 0 : i32
      %run_scoped3A_16 = arith.constant 1 : i32
      "tpu.region"() ({
        %run_scoped3A_17 = tpu.sem_alloc : memref<!tpu.dma_semaphore, #tpu.memory_space<semaphore_mem>>
        %dma_start3A = arith.constant 0 : i32
        %dma_start3A_18 = tpu.memref_slice %arg6[%run_scoped3A, %run_scoped3A_16, %mul3A_2, %dma_start3A] : memref<1x2x10112x128xf32, #tpu.memory_space<hbm>> -> memref<1x1x632x128xf32, #tpu.memory_space<hbm>>
        %dma_start3A_19 = tpu.memref_squeeze %dma_start3A_18 : memref<1x1x632x128xf32, #tpu.memory_space<hbm>> -> memref<632x128xf32, #tpu.memory_space<hbm>>
        %dma_start3A_20 = arith.constant 0 : i32
        %dma_start3A_21 = tpu.memref_slice %arg10[%mul3A_2, %dma_start3A_20] : memref<10112x128xf32, #tpu.memory_space<vmem_shared>> -> memref<632x128xf32, #tpu.memory_space<vmem_shared>>
        tpu.enqueue_dma source(%dma_start3A_21 : memref<632x128xf32, #tpu.memory_space<vmem_shared>>) target(%dma_start3A_19 : memref<632x128xf32, #tpu.memory_space<hbm>>) target_semaphore(%run_scoped3A_17 : memref<!tpu.dma_semaphore, #tpu.memory_space<semaphore_mem>>)
        %dma_wait3A = arith.constant 0 : i32
        %dma_wait3A_22 = tpu.memref_slice %arg6[%run_scoped3A, %run_scoped3A_16, %mul3A_2, %dma_wait3A] : memref<1x2x10112x128xf32, #tpu.memory_space<hbm>> -> memref<1x1x632x128xf32, #tpu.memory_space<hbm>>
        %dma_wait3A_23 = tpu.memref_squeeze %dma_wait3A_22 : memref<1x1x632x128xf32, #tpu.memory_space<hbm>> -> memref<632x128xf32, #tpu.memory_space<hbm>>
        %dma_wait3A_24 = arith.constant 0 : i32
        %dma_wait3A_25 = tpu.memref_slice %arg10[%mul3A_2, %dma_wait3A_24] : memref<10112x128xf32, #tpu.memory_space<vmem_shared>> -> memref<632x128xf32, #tpu.memory_space<vmem_shared>>
        tpu.wait_dma2 semaphore(%run_scoped3A_17 : memref<!tpu.dma_semaphore, #tpu.memory_space<semaphore_mem>>) src(%dma_wait3A_25 : memref<632x128xf32, #tpu.memory_space<vmem_shared>>) dst(%dma_wait3A_23 : memref<632x128xf32, #tpu.memory_space<hbm>>)
        tpu.yield
      }) : () -> ()
    } else {
    }
    %barrier3A_15 = arith.constant 0 : index
    tpu.barrier barrier_id(%barrier3A_15)
    return
  }
}

#map = affine_map<(d0, d1) -> (0, 0)>
#map1 = affine_map<(d0, d1) -> (0, 0, 0, 0)>
module attributes {stable_mosaic.version = 14 : i64} {
  func.func @aggk(%arg0: i32, %arg1: i32, %arg2: memref<10112x128xf32, #tpu.memory_space<hbm>>, %arg3: memref<10112x128xf32, #tpu.memory_space<hbm>>, %arg4: memref<10112x128xf32, #tpu.memory_space<hbm>>, %arg5: memref<10112x128xf32, #tpu.memory_space<hbm>>, %arg6: memref<2528x128xi32, #tpu.memory_space<hbm>>, %arg7: memref<2528x128xi32, #tpu.memory_space<hbm>>, %arg8: memref<10112x128xf32, #tpu.memory_space<hbm>>, %arg9: memref<4x2x10112x128xf32, #tpu.memory_space<hbm>>, %arg10: memref<128xi32, #tpu.memory_space<vmem>>, %arg11: memref<128xi32, #tpu.memory_space<vmem>>, %arg12: memref<128x128xf32, #tpu.memory_space<vmem>>, %arg13: memref<10112x128xf32, #tpu.memory_space<vmem_shared>>, %arg14: memref<!tpu.dma_semaphore, #tpu.memory_space<semaphore_mem>>) attributes {dimension_semantics = [#tpu.dimension_semantics<core_parallel>, #tpu.dimension_semantics<subcore_parallel>], iteration_bounds = array<i64: 2, 16>, scalar_prefetch = 0 : i64, scratch_operands = 5 : i64, tpu.core_type = #tpu.core_type<sc_vector_subcore>, window_params = [{transform_indices = #map}, {transform_indices = #map}, {transform_indices = #map}, {transform_indices = #map}, {transform_indices = #map}, {transform_indices = #map}, {transform_indices = #map}, {transform_indices = #map1}]} {
    %mul3A = arith.constant 2 : i32
    %mul3A_0 = arith.muli %arg1, %mul3A : i32
    %add3A = arith.addi %mul3A_0, %arg0 : i32
    %mul3A_1 = arith.constant 632 : i32
    %mul3A_2 = arith.muli %arg1, %mul3A_1 : i32
    "tpu.region"() ({
      %run_scoped3A = tpu.sem_alloc : memref<!tpu.dma_semaphore, #tpu.memory_space<semaphore_mem>>
      %dma_start3A = arith.constant 0 : i32
      %dma_start3A_70 = tpu.memref_slice %arg13[%mul3A_2, %dma_start3A] : memref<10112x128xf32, #tpu.memory_space<vmem_shared>> -> memref<632x128xf32, #tpu.memory_space<vmem_shared>>
      %dma_start3A_71 = arith.constant 0 : i32
      %dma_start3A_72 = tpu.memref_slice %arg8[%mul3A_2, %dma_start3A_71] : memref<10112x128xf32, #tpu.memory_space<hbm>> -> memref<632x128xf32, #tpu.memory_space<hbm>>
      tpu.enqueue_dma source(%dma_start3A_72 : memref<632x128xf32, #tpu.memory_space<hbm>>) target(%dma_start3A_70 : memref<632x128xf32, #tpu.memory_space<vmem_shared>>) target_semaphore(%run_scoped3A : memref<!tpu.dma_semaphore, #tpu.memory_space<semaphore_mem>>)
      %dma_wait3A = arith.constant 0 : i32
      %dma_wait3A_73 = tpu.memref_slice %arg13[%mul3A_2, %dma_wait3A] : memref<10112x128xf32, #tpu.memory_space<vmem_shared>> -> memref<632x128xf32, #tpu.memory_space<vmem_shared>>
      %dma_wait3A_74 = arith.constant 0 : i32
      %dma_wait3A_75 = tpu.memref_slice %arg8[%mul3A_2, %dma_wait3A_74] : memref<10112x128xf32, #tpu.memory_space<hbm>> -> memref<632x128xf32, #tpu.memory_space<hbm>>
      tpu.wait_dma2 semaphore(%run_scoped3A : memref<!tpu.dma_semaphore, #tpu.memory_space<semaphore_mem>>) src(%dma_wait3A_75 : memref<632x128xf32, #tpu.memory_space<hbm>>) dst(%dma_wait3A_73 : memref<632x128xf32, #tpu.memory_space<vmem_shared>>)
      tpu.yield
    }) : () -> ()
    %barrier3A = arith.constant 0 : index
    tpu.barrier barrier_id(%barrier3A)
    %scan3A = arith.constant 0 : i32
    %scan3A_3 = arith.constant 79 : i32
    %scan3A_4 = arith.addi %scan3A, %scan3A_3 : i32
    %scan3A_5 = arith.constant 1 : i32
    scf.for %scan3A_70 = %scan3A to %scan3A_4 step %scan3A_5  : i32 {
      %mul3A_71 = arith.constant 79 : i32
      %mul3A_72 = arith.muli %add3A, %mul3A_71 : i32
      %add3A_73 = arith.addi %mul3A_72, %scan3A_70 : i32
      "tpu.region"() ({
        %run_scoped3A = tpu.sem_alloc : memref<!tpu.dma_semaphore, #tpu.memory_space<semaphore_mem>>
        %dma_start3A_81 = arith.constant 0 : i32
        %dma_start3A_82 = tpu.memref_slice %arg6[%add3A_73, %dma_start3A_81] : memref<2528x128xi32, #tpu.memory_space<hbm>> -> memref<1x128xi32, #tpu.memory_space<hbm>>
        %dma_start3A_83 = tpu.memref_squeeze %dma_start3A_82 : memref<1x128xi32, #tpu.memory_space<hbm>> -> memref<128xi32, #tpu.memory_space<hbm>>
        %dma_start3A_84 = arith.constant 0 : i32
        %dma_start3A_85 = tpu.memref_slice %arg6[%add3A_73, %dma_start3A_84] : memref<2528x128xi32, #tpu.memory_space<hbm>> -> memref<1x128xi32, #tpu.memory_space<hbm>>
        %dma_start3A_86 = tpu.memref_squeeze %dma_start3A_85 : memref<1x128xi32, #tpu.memory_space<hbm>> -> memref<128xi32, #tpu.memory_space<hbm>>
        tpu.enqueue_dma source(%dma_start3A_86 : memref<128xi32, #tpu.memory_space<hbm>>) target(%arg10 : memref<128xi32, #tpu.memory_space<vmem>>) target_semaphore(%run_scoped3A : memref<!tpu.dma_semaphore, #tpu.memory_space<semaphore_mem>>)
        %dma_wait3A_87 = arith.constant 0 : i32
        %dma_wait3A_88 = tpu.memref_slice %arg6[%add3A_73, %dma_wait3A_87] : memref<2528x128xi32, #tpu.memory_space<hbm>> -> memref<1x128xi32, #tpu.memory_space<hbm>>
        %dma_wait3A_89 = tpu.memref_squeeze %dma_wait3A_88 : memref<1x128xi32, #tpu.memory_space<hbm>> -> memref<128xi32, #tpu.memory_space<hbm>>
        %dma_wait3A_90 = arith.constant 0 : i32
        %dma_wait3A_91 = tpu.memref_slice %arg6[%add3A_73, %dma_wait3A_90] : memref<2528x128xi32, #tpu.memory_space<hbm>> -> memref<1x128xi32, #tpu.memory_space<hbm>>
        %dma_wait3A_92 = tpu.memref_squeeze %dma_wait3A_91 : memref<1x128xi32, #tpu.memory_space<hbm>> -> memref<128xi32, #tpu.memory_space<hbm>>
        tpu.wait_dma2 semaphore(%run_scoped3A : memref<!tpu.dma_semaphore, #tpu.memory_space<semaphore_mem>>) src(%dma_wait3A_92 : memref<128xi32, #tpu.memory_space<hbm>>) dst(%arg10 : memref<128xi32, #tpu.memory_space<vmem>>)
        tpu.yield
      }) : () -> ()
      %mul3A_74 = arith.constant 79 : i32
      %mul3A_75 = arith.muli %add3A, %mul3A_74 : i32
      %add3A_76 = arith.addi %mul3A_75, %scan3A_70 : i32
      "tpu.region"() ({
        %run_scoped3A = tpu.sem_alloc : memref<!tpu.dma_semaphore, #tpu.memory_space<semaphore_mem>>
        %dma_start3A_81 = arith.constant 0 : i32
        %dma_start3A_82 = tpu.memref_slice %arg7[%add3A_76, %dma_start3A_81] : memref<2528x128xi32, #tpu.memory_space<hbm>> -> memref<1x128xi32, #tpu.memory_space<hbm>>
        %dma_start3A_83 = tpu.memref_squeeze %dma_start3A_82 : memref<1x128xi32, #tpu.memory_space<hbm>> -> memref<128xi32, #tpu.memory_space<hbm>>
        %dma_start3A_84 = arith.constant 0 : i32
        %dma_start3A_85 = tpu.memref_slice %arg7[%add3A_76, %dma_start3A_84] : memref<2528x128xi32, #tpu.memory_space<hbm>> -> memref<1x128xi32, #tpu.memory_space<hbm>>
        %dma_start3A_86 = tpu.memref_squeeze %dma_start3A_85 : memref<1x128xi32, #tpu.memory_space<hbm>> -> memref<128xi32, #tpu.memory_space<hbm>>
        tpu.enqueue_dma source(%dma_start3A_86 : memref<128xi32, #tpu.memory_space<hbm>>) target(%arg11 : memref<128xi32, #tpu.memory_space<vmem>>) target_semaphore(%run_scoped3A : memref<!tpu.dma_semaphore, #tpu.memory_space<semaphore_mem>>)
        %dma_wait3A_87 = arith.constant 0 : i32
        %dma_wait3A_88 = tpu.memref_slice %arg7[%add3A_76, %dma_wait3A_87] : memref<2528x128xi32, #tpu.memory_space<hbm>> -> memref<1x128xi32, #tpu.memory_space<hbm>>
        %dma_wait3A_89 = tpu.memref_squeeze %dma_wait3A_88 : memref<1x128xi32, #tpu.memory_space<hbm>> -> memref<128xi32, #tpu.memory_space<hbm>>
        %dma_wait3A_90 = arith.constant 0 : i32
        %dma_wait3A_91 = tpu.memref_slice %arg7[%add3A_76, %dma_wait3A_90] : memref<2528x128xi32, #tpu.memory_space<hbm>> -> memref<1x128xi32, #tpu.memory_space<hbm>>
        %dma_wait3A_92 = tpu.memref_squeeze %dma_wait3A_91 : memref<1x128xi32, #tpu.memory_space<hbm>> -> memref<128xi32, #tpu.memory_space<hbm>>
        tpu.wait_dma2 semaphore(%run_scoped3A : memref<!tpu.dma_semaphore, #tpu.memory_space<semaphore_mem>>) src(%dma_wait3A_92 : memref<128xi32, #tpu.memory_space<hbm>>) dst(%arg11 : memref<128xi32, #tpu.memory_space<vmem>>)
        tpu.yield
      }) : () -> ()
      %dma_start3A = arith.constant 0 : i32
      %dma_start3A_77 = arith.constant 0 : i32
      %dma_start3A_78 = tpu.memref_slice %arg2[%dma_start3A, %dma_start3A_77] : memref<10112x128xf32, #tpu.memory_space<hbm>> -> memref<10112x128xf32, #tpu.memory_space<hbm>>
      tpu.enqueue_indirect_dma source(%dma_start3A_78 : memref<10112x128xf32, #tpu.memory_space<hbm>>) target(%arg12 : memref<128x128xf32, #tpu.memory_space<vmem>>) offsets(%arg10 : memref<128xi32, #tpu.memory_space<vmem>>) semaphore(%arg14 : memref<!tpu.dma_semaphore, #tpu.memory_space<semaphore_mem>>)
      %dma_wait3A = arith.constant 0 : i32
      %dma_wait3A_79 = arith.constant 0 : i32
      %dma_wait3A_80 = tpu.memref_slice %arg2[%dma_wait3A, %dma_wait3A_79] : memref<10112x128xf32, #tpu.memory_space<hbm>> -> memref<10112x128xf32, #tpu.memory_space<hbm>>
      tpu.wait_indirect_dma semaphore(%arg14 : memref<!tpu.dma_semaphore, #tpu.memory_space<semaphore_mem>>) src(%dma_wait3A_80 : memref<10112x128xf32, #tpu.memory_space<hbm>>) dst(%arg12 : memref<128x128xf32, #tpu.memory_space<vmem>>)
      "tpu.region"() ({
        %run_scoped3A = tpu.sem_alloc : memref<!tpu.dma_semaphore, #tpu.memory_space<semaphore_mem>>
        %dma_start3A_81 = arith.constant 0 : i32
        %dma_start3A_82 = arith.constant 0 : i32
        %dma_start3A_83 = tpu.memref_slice %arg13[%dma_start3A_81, %dma_start3A_82] : memref<10112x128xf32, #tpu.memory_space<vmem_shared>> -> memref<10112x128xf32, #tpu.memory_space<vmem_shared>>
        tpu.enqueue_indirect_dma source(%arg12 : memref<128x128xf32, #tpu.memory_space<vmem>>) target(%dma_start3A_83 : memref<10112x128xf32, #tpu.memory_space<vmem_shared>>) offsets(%arg11 : memref<128xi32, #tpu.memory_space<vmem>>) semaphore(%run_scoped3A : memref<!tpu.dma_semaphore, #tpu.memory_space<semaphore_mem>>) {add = true}
        %dma_wait3A_84 = arith.constant 0 : i32
        %dma_wait3A_85 = arith.constant 0 : i32
        %dma_wait3A_86 = tpu.memref_slice %arg13[%dma_wait3A_84, %dma_wait3A_85] : memref<10112x128xf32, #tpu.memory_space<vmem_shared>> -> memref<10112x128xf32, #tpu.memory_space<vmem_shared>>
        tpu.wait_indirect_dma semaphore(%run_scoped3A : memref<!tpu.dma_semaphore, #tpu.memory_space<semaphore_mem>>) src(%arg12 : memref<128x128xf32, #tpu.memory_space<vmem>>) dst(%dma_wait3A_86 : memref<10112x128xf32, #tpu.memory_space<vmem_shared>>)
        tpu.yield
      }) : () -> ()
    }
    %scan3A_6 = arith.constant 79 : i32
    %barrier3A_7 = arith.constant 0 : index
    tpu.barrier barrier_id(%barrier3A_7)
    %eq3A = arith.constant 0 : i32
    %eq3A_8 = arith.cmpi eq, %arg0, %eq3A : i32
    %convert_element_type3A = arith.extui %eq3A_8 : i1 to i32
    %cond3A = arith.constant 0 : i32
    %cond3A_9 = arith.cmpi ne, %convert_element_type3A, %cond3A : i32
    scf.if %cond3A_9 {
      %run_scoped3A = arith.constant 0 : i32
      %run_scoped3A_70 = arith.constant 0 : i32
      "tpu.region"() ({
        %run_scoped3A_71 = tpu.sem_alloc : memref<!tpu.dma_semaphore, #tpu.memory_space<semaphore_mem>>
        %dma_start3A = arith.constant 0 : i32
        %dma_start3A_72 = tpu.memref_slice %arg9[%run_scoped3A, %run_scoped3A_70, %mul3A_2, %dma_start3A] : memref<4x2x10112x128xf32, #tpu.memory_space<hbm>> -> memref<1x1x632x128xf32, #tpu.memory_space<hbm>>
        %dma_start3A_73 = tpu.memref_squeeze %dma_start3A_72 : memref<1x1x632x128xf32, #tpu.memory_space<hbm>> -> memref<632x128xf32, #tpu.memory_space<hbm>>
        %dma_start3A_74 = arith.constant 0 : i32
        %dma_start3A_75 = tpu.memref_slice %arg13[%mul3A_2, %dma_start3A_74] : memref<10112x128xf32, #tpu.memory_space<vmem_shared>> -> memref<632x128xf32, #tpu.memory_space<vmem_shared>>
        tpu.enqueue_dma source(%dma_start3A_75 : memref<632x128xf32, #tpu.memory_space<vmem_shared>>) target(%dma_start3A_73 : memref<632x128xf32, #tpu.memory_space<hbm>>) target_semaphore(%run_scoped3A_71 : memref<!tpu.dma_semaphore, #tpu.memory_space<semaphore_mem>>)
        %dma_wait3A = arith.constant 0 : i32
        %dma_wait3A_76 = tpu.memref_slice %arg9[%run_scoped3A, %run_scoped3A_70, %mul3A_2, %dma_wait3A] : memref<4x2x10112x128xf32, #tpu.memory_space<hbm>> -> memref<1x1x632x128xf32, #tpu.memory_space<hbm>>
        %dma_wait3A_77 = tpu.memref_squeeze %dma_wait3A_76 : memref<1x1x632x128xf32, #tpu.memory_space<hbm>> -> memref<632x128xf32, #tpu.memory_space<hbm>>
        %dma_wait3A_78 = arith.constant 0 : i32
        %dma_wait3A_79 = tpu.memref_slice %arg13[%mul3A_2, %dma_wait3A_78] : memref<10112x128xf32, #tpu.memory_space<vmem_shared>> -> memref<632x128xf32, #tpu.memory_space<vmem_shared>>
        tpu.wait_dma2 semaphore(%run_scoped3A_71 : memref<!tpu.dma_semaphore, #tpu.memory_space<semaphore_mem>>) src(%dma_wait3A_79 : memref<632x128xf32, #tpu.memory_space<vmem_shared>>) dst(%dma_wait3A_77 : memref<632x128xf32, #tpu.memory_space<hbm>>)
        tpu.yield
      }) : () -> ()
    } else {
    }
    %eq3A_10 = arith.constant 1 : i32
    %eq3A_11 = arith.cmpi eq, %arg0, %eq3A_10 : i32
    %convert_element_type3A_12 = arith.extui %eq3A_11 : i1 to i32
    %cond3A_13 = arith.constant 0 : i32
    %cond3A_14 = arith.cmpi ne, %convert_element_type3A_12, %cond3A_13 : i32
    scf.if %cond3A_14 {
      %run_scoped3A = arith.constant 0 : i32
      %run_scoped3A_70 = arith.constant 1 : i32
      "tpu.region"() ({
        %run_scoped3A_71 = tpu.sem_alloc : memref<!tpu.dma_semaphore, #tpu.memory_space<semaphore_mem>>
        %dma_start3A = arith.constant 0 : i32
        %dma_start3A_72 = tpu.memref_slice %arg9[%run_scoped3A, %run_scoped3A_70, %mul3A_2, %dma_start3A] : memref<4x2x10112x128xf32, #tpu.memory_space<hbm>> -> memref<1x1x632x128xf32, #tpu.memory_space<hbm>>
        %dma_start3A_73 = tpu.memref_squeeze %dma_start3A_72 : memref<1x1x632x128xf32, #tpu.memory_space<hbm>> -> memref<632x128xf32, #tpu.memory_space<hbm>>
        %dma_start3A_74 = arith.constant 0 : i32
        %dma_start3A_75 = tpu.memref_slice %arg13[%mul3A_2, %dma_start3A_74] : memref<10112x128xf32, #tpu.memory_space<vmem_shared>> -> memref<632x128xf32, #tpu.memory_space<vmem_shared>>
        tpu.enqueue_dma source(%dma_start3A_75 : memref<632x128xf32, #tpu.memory_space<vmem_shared>>) target(%dma_start3A_73 : memref<632x128xf32, #tpu.memory_space<hbm>>) target_semaphore(%run_scoped3A_71 : memref<!tpu.dma_semaphore, #tpu.memory_space<semaphore_mem>>)
        %dma_wait3A = arith.constant 0 : i32
        %dma_wait3A_76 = tpu.memref_slice %arg9[%run_scoped3A, %run_scoped3A_70, %mul3A_2, %dma_wait3A] : memref<4x2x10112x128xf32, #tpu.memory_space<hbm>> -> memref<1x1x632x128xf32, #tpu.memory_space<hbm>>
        %dma_wait3A_77 = tpu.memref_squeeze %dma_wait3A_76 : memref<1x1x632x128xf32, #tpu.memory_space<hbm>> -> memref<632x128xf32, #tpu.memory_space<hbm>>
        %dma_wait3A_78 = arith.constant 0 : i32
        %dma_wait3A_79 = tpu.memref_slice %arg13[%mul3A_2, %dma_wait3A_78] : memref<10112x128xf32, #tpu.memory_space<vmem_shared>> -> memref<632x128xf32, #tpu.memory_space<vmem_shared>>
        tpu.wait_dma2 semaphore(%run_scoped3A_71 : memref<!tpu.dma_semaphore, #tpu.memory_space<semaphore_mem>>) src(%dma_wait3A_79 : memref<632x128xf32, #tpu.memory_space<vmem_shared>>) dst(%dma_wait3A_77 : memref<632x128xf32, #tpu.memory_space<hbm>>)
        tpu.yield
      }) : () -> ()
    } else {
    }
    %barrier3A_15 = arith.constant 0 : index
    tpu.barrier barrier_id(%barrier3A_15)
    "tpu.region"() ({
      %run_scoped3A = tpu.sem_alloc : memref<!tpu.dma_semaphore, #tpu.memory_space<semaphore_mem>>
      %dma_start3A = arith.constant 0 : i32
      %dma_start3A_70 = tpu.memref_slice %arg13[%mul3A_2, %dma_start3A] : memref<10112x128xf32, #tpu.memory_space<vmem_shared>> -> memref<632x128xf32, #tpu.memory_space<vmem_shared>>
      %dma_start3A_71 = arith.constant 0 : i32
      %dma_start3A_72 = tpu.memref_slice %arg8[%mul3A_2, %dma_start3A_71] : memref<10112x128xf32, #tpu.memory_space<hbm>> -> memref<632x128xf32, #tpu.memory_space<hbm>>
      tpu.enqueue_dma source(%dma_start3A_72 : memref<632x128xf32, #tpu.memory_space<hbm>>) target(%dma_start3A_70 : memref<632x128xf32, #tpu.memory_space<vmem_shared>>) target_semaphore(%run_scoped3A : memref<!tpu.dma_semaphore, #tpu.memory_space<semaphore_mem>>)
      %dma_wait3A = arith.constant 0 : i32
      %dma_wait3A_73 = tpu.memref_slice %arg13[%mul3A_2, %dma_wait3A] : memref<10112x128xf32, #tpu.memory_space<vmem_shared>> -> memref<632x128xf32, #tpu.memory_space<vmem_shared>>
      %dma_wait3A_74 = arith.constant 0 : i32
      %dma_wait3A_75 = tpu.memref_slice %arg8[%mul3A_2, %dma_wait3A_74] : memref<10112x128xf32, #tpu.memory_space<hbm>> -> memref<632x128xf32, #tpu.memory_space<hbm>>
      tpu.wait_dma2 semaphore(%run_scoped3A : memref<!tpu.dma_semaphore, #tpu.memory_space<semaphore_mem>>) src(%dma_wait3A_75 : memref<632x128xf32, #tpu.memory_space<hbm>>) dst(%dma_wait3A_73 : memref<632x128xf32, #tpu.memory_space<vmem_shared>>)
      tpu.yield
    }) : () -> ()
    %barrier3A_16 = arith.constant 0 : index
    tpu.barrier barrier_id(%barrier3A_16)
    %scan3A_17 = arith.constant 0 : i32
    %scan3A_18 = arith.constant 79 : i32
    %scan3A_19 = arith.addi %scan3A_17, %scan3A_18 : i32
    %scan3A_20 = arith.constant 1 : i32
    scf.for %scan3A_70 = %scan3A_17 to %scan3A_19 step %scan3A_20  : i32 {
      %mul3A_71 = arith.constant 79 : i32
      %mul3A_72 = arith.muli %add3A, %mul3A_71 : i32
      %add3A_73 = arith.addi %mul3A_72, %scan3A_70 : i32
      "tpu.region"() ({
        %run_scoped3A = tpu.sem_alloc : memref<!tpu.dma_semaphore, #tpu.memory_space<semaphore_mem>>
        %dma_start3A_81 = arith.constant 0 : i32
        %dma_start3A_82 = tpu.memref_slice %arg6[%add3A_73, %dma_start3A_81] : memref<2528x128xi32, #tpu.memory_space<hbm>> -> memref<1x128xi32, #tpu.memory_space<hbm>>
        %dma_start3A_83 = tpu.memref_squeeze %dma_start3A_82 : memref<1x128xi32, #tpu.memory_space<hbm>> -> memref<128xi32, #tpu.memory_space<hbm>>
        %dma_start3A_84 = arith.constant 0 : i32
        %dma_start3A_85 = tpu.memref_slice %arg6[%add3A_73, %dma_start3A_84] : memref<2528x128xi32, #tpu.memory_space<hbm>> -> memref<1x128xi32, #tpu.memory_space<hbm>>
        %dma_start3A_86 = tpu.memref_squeeze %dma_start3A_85 : memref<1x128xi32, #tpu.memory_space<hbm>> -> memref<128xi32, #tpu.memory_space<hbm>>
        tpu.enqueue_dma source(%dma_start3A_86 : memref<128xi32, #tpu.memory_space<hbm>>) target(%arg10 : memref<128xi32, #tpu.memory_space<vmem>>) target_semaphore(%run_scoped3A : memref<!tpu.dma_semaphore, #tpu.memory_space<semaphore_mem>>)
        %dma_wait3A_87 = arith.constant 0 : i32
        %dma_wait3A_88 = tpu.memref_slice %arg6[%add3A_73, %dma_wait3A_87] : memref<2528x128xi32, #tpu.memory_space<hbm>> -> memref<1x128xi32, #tpu.memory_space<hbm>>
        %dma_wait3A_89 = tpu.memref_squeeze %dma_wait3A_88 : memref<1x128xi32, #tpu.memory_space<hbm>> -> memref<128xi32, #tpu.memory_space<hbm>>
        %dma_wait3A_90 = arith.constant 0 : i32
        %dma_wait3A_91 = tpu.memref_slice %arg6[%add3A_73, %dma_wait3A_90] : memref<2528x128xi32, #tpu.memory_space<hbm>> -> memref<1x128xi32, #tpu.memory_space<hbm>>
        %dma_wait3A_92 = tpu.memref_squeeze %dma_wait3A_91 : memref<1x128xi32, #tpu.memory_space<hbm>> -> memref<128xi32, #tpu.memory_space<hbm>>
        tpu.wait_dma2 semaphore(%run_scoped3A : memref<!tpu.dma_semaphore, #tpu.memory_space<semaphore_mem>>) src(%dma_wait3A_92 : memref<128xi32, #tpu.memory_space<hbm>>) dst(%arg10 : memref<128xi32, #tpu.memory_space<vmem>>)
        tpu.yield
      }) : () -> ()
      %mul3A_74 = arith.constant 79 : i32
      %mul3A_75 = arith.muli %add3A, %mul3A_74 : i32
      %add3A_76 = arith.addi %mul3A_75, %scan3A_70 : i32
      "tpu.region"() ({
        %run_scoped3A = tpu.sem_alloc : memref<!tpu.dma_semaphore, #tpu.memory_space<semaphore_mem>>
        %dma_start3A_81 = arith.constant 0 : i32
        %dma_start3A_82 = tpu.memref_slice %arg7[%add3A_76, %dma_start3A_81] : memref<2528x128xi32, #tpu.memory_space<hbm>> -> memref<1x128xi32, #tpu.memory_space<hbm>>
        %dma_start3A_83 = tpu.memref_squeeze %dma_start3A_82 : memref<1x128xi32, #tpu.memory_space<hbm>> -> memref<128xi32, #tpu.memory_space<hbm>>
        %dma_start3A_84 = arith.constant 0 : i32
        %dma_start3A_85 = tpu.memref_slice %arg7[%add3A_76, %dma_start3A_84] : memref<2528x128xi32, #tpu.memory_space<hbm>> -> memref<1x128xi32, #tpu.memory_space<hbm>>
        %dma_start3A_86 = tpu.memref_squeeze %dma_start3A_85 : memref<1x128xi32, #tpu.memory_space<hbm>> -> memref<128xi32, #tpu.memory_space<hbm>>
        tpu.enqueue_dma source(%dma_start3A_86 : memref<128xi32, #tpu.memory_space<hbm>>) target(%arg11 : memref<128xi32, #tpu.memory_space<vmem>>) target_semaphore(%run_scoped3A : memref<!tpu.dma_semaphore, #tpu.memory_space<semaphore_mem>>)
        %dma_wait3A_87 = arith.constant 0 : i32
        %dma_wait3A_88 = tpu.memref_slice %arg7[%add3A_76, %dma_wait3A_87] : memref<2528x128xi32, #tpu.memory_space<hbm>> -> memref<1x128xi32, #tpu.memory_space<hbm>>
        %dma_wait3A_89 = tpu.memref_squeeze %dma_wait3A_88 : memref<1x128xi32, #tpu.memory_space<hbm>> -> memref<128xi32, #tpu.memory_space<hbm>>
        %dma_wait3A_90 = arith.constant 0 : i32
        %dma_wait3A_91 = tpu.memref_slice %arg7[%add3A_76, %dma_wait3A_90] : memref<2528x128xi32, #tpu.memory_space<hbm>> -> memref<1x128xi32, #tpu.memory_space<hbm>>
        %dma_wait3A_92 = tpu.memref_squeeze %dma_wait3A_91 : memref<1x128xi32, #tpu.memory_space<hbm>> -> memref<128xi32, #tpu.memory_space<hbm>>
        tpu.wait_dma2 semaphore(%run_scoped3A : memref<!tpu.dma_semaphore, #tpu.memory_space<semaphore_mem>>) src(%dma_wait3A_92 : memref<128xi32, #tpu.memory_space<hbm>>) dst(%arg11 : memref<128xi32, #tpu.memory_space<vmem>>)
        tpu.yield
      }) : () -> ()
      %dma_start3A = arith.constant 0 : i32
      %dma_start3A_77 = arith.constant 0 : i32
      %dma_start3A_78 = tpu.memref_slice %arg3[%dma_start3A, %dma_start3A_77] : memref<10112x128xf32, #tpu.memory_space<hbm>> -> memref<10112x128xf32, #tpu.memory_space<hbm>>
      tpu.enqueue_indirect_dma source(%dma_start3A_78 : memref<10112x128xf32, #tpu.memory_space<hbm>>) target(%arg12 : memref<128x128xf32, #tpu.memory_space<vmem>>) offsets(%arg10 : memref<128xi32, #tpu.memory_space<vmem>>) semaphore(%arg14 : memref<!tpu.dma_semaphore, #tpu.memory_space<semaphore_mem>>)
      %dma_wait3A = arith.constant 0 : i32
      %dma_wait3A_79 = arith.constant 0 : i32
      %dma_wait3A_80 = tpu.memref_slice %arg3[%dma_wait3A, %dma_wait3A_79] : memref<10112x128xf32, #tpu.memory_space<hbm>> -> memref<10112x128xf32, #tpu.memory_space<hbm>>
      tpu.wait_indirect_dma semaphore(%arg14 : memref<!tpu.dma_semaphore, #tpu.memory_space<semaphore_mem>>) src(%dma_wait3A_80 : memref<10112x128xf32, #tpu.memory_space<hbm>>) dst(%arg12 : memref<128x128xf32, #tpu.memory_space<vmem>>)
      "tpu.region"() ({
        %run_scoped3A = tpu.sem_alloc : memref<!tpu.dma_semaphore, #tpu.memory_space<semaphore_mem>>
        %dma_start3A_81 = arith.constant 0 : i32
        %dma_start3A_82 = arith.constant 0 : i32
        %dma_start3A_83 = tpu.memref_slice %arg13[%dma_start3A_81, %dma_start3A_82] : memref<10112x128xf32, #tpu.memory_space<vmem_shared>> -> memref<10112x128xf32, #tpu.memory_space<vmem_shared>>
        tpu.enqueue_indirect_dma source(%arg12 : memref<128x128xf32, #tpu.memory_space<vmem>>) target(%dma_start3A_83 : memref<10112x128xf32, #tpu.memory_space<vmem_shared>>) offsets(%arg11 : memref<128xi32, #tpu.memory_space<vmem>>) semaphore(%run_scoped3A : memref<!tpu.dma_semaphore, #tpu.memory_space<semaphore_mem>>) {add = true}
        %dma_wait3A_84 = arith.constant 0 : i32
        %dma_wait3A_85 = arith.constant 0 : i32
        %dma_wait3A_86 = tpu.memref_slice %arg13[%dma_wait3A_84, %dma_wait3A_85] : memref<10112x128xf32, #tpu.memory_space<vmem_shared>> -> memref<10112x128xf32, #tpu.memory_space<vmem_shared>>
        tpu.wait_indirect_dma semaphore(%run_scoped3A : memref<!tpu.dma_semaphore, #tpu.memory_space<semaphore_mem>>) src(%arg12 : memref<128x128xf32, #tpu.memory_space<vmem>>) dst(%dma_wait3A_86 : memref<10112x128xf32, #tpu.memory_space<vmem_shared>>)
        tpu.yield
      }) : () -> ()
    }
    %scan3A_21 = arith.constant 79 : i32
    %barrier3A_22 = arith.constant 0 : index
    tpu.barrier barrier_id(%barrier3A_22)
    %eq3A_23 = arith.constant 0 : i32
    %eq3A_24 = arith.cmpi eq, %arg0, %eq3A_23 : i32
    %convert_element_type3A_25 = arith.extui %eq3A_24 : i1 to i32
    %cond3A_26 = arith.constant 0 : i32
    %cond3A_27 = arith.cmpi ne, %convert_element_type3A_25, %cond3A_26 : i32
    scf.if %cond3A_27 {
      %run_scoped3A = arith.constant 1 : i32
      %run_scoped3A_70 = arith.constant 0 : i32
      "tpu.region"() ({
        %run_scoped3A_71 = tpu.sem_alloc : memref<!tpu.dma_semaphore, #tpu.memory_space<semaphore_mem>>
        %dma_start3A = arith.constant 0 : i32
        %dma_start3A_72 = tpu.memref_slice %arg9[%run_scoped3A, %run_scoped3A_70, %mul3A_2, %dma_start3A] : memref<4x2x10112x128xf32, #tpu.memory_space<hbm>> -> memref<1x1x632x128xf32, #tpu.memory_space<hbm>>
        %dma_start3A_73 = tpu.memref_squeeze %dma_start3A_72 : memref<1x1x632x128xf32, #tpu.memory_space<hbm>> -> memref<632x128xf32, #tpu.memory_space<hbm>>
        %dma_start3A_74 = arith.constant 0 : i32
        %dma_start3A_75 = tpu.memref_slice %arg13[%mul3A_2, %dma_start3A_74] : memref<10112x128xf32, #tpu.memory_space<vmem_shared>> -> memref<632x128xf32, #tpu.memory_space<vmem_shared>>
        tpu.enqueue_dma source(%dma_start3A_75 : memref<632x128xf32, #tpu.memory_space<vmem_shared>>) target(%dma_start3A_73 : memref<632x128xf32, #tpu.memory_space<hbm>>) target_semaphore(%run_scoped3A_71 : memref<!tpu.dma_semaphore, #tpu.memory_space<semaphore_mem>>)
        %dma_wait3A = arith.constant 0 : i32
        %dma_wait3A_76 = tpu.memref_slice %arg9[%run_scoped3A, %run_scoped3A_70, %mul3A_2, %dma_wait3A] : memref<4x2x10112x128xf32, #tpu.memory_space<hbm>> -> memref<1x1x632x128xf32, #tpu.memory_space<hbm>>
        %dma_wait3A_77 = tpu.memref_squeeze %dma_wait3A_76 : memref<1x1x632x128xf32, #tpu.memory_space<hbm>> -> memref<632x128xf32, #tpu.memory_space<hbm>>
        %dma_wait3A_78 = arith.constant 0 : i32
        %dma_wait3A_79 = tpu.memref_slice %arg13[%mul3A_2, %dma_wait3A_78] : memref<10112x128xf32, #tpu.memory_space<vmem_shared>> -> memref<632x128xf32, #tpu.memory_space<vmem_shared>>
        tpu.wait_dma2 semaphore(%run_scoped3A_71 : memref<!tpu.dma_semaphore, #tpu.memory_space<semaphore_mem>>) src(%dma_wait3A_79 : memref<632x128xf32, #tpu.memory_space<vmem_shared>>) dst(%dma_wait3A_77 : memref<632x128xf32, #tpu.memory_space<hbm>>)
        tpu.yield
      }) : () -> ()
    } else {
    }
    %eq3A_28 = arith.constant 1 : i32
    %eq3A_29 = arith.cmpi eq, %arg0, %eq3A_28 : i32
    %convert_element_type3A_30 = arith.extui %eq3A_29 : i1 to i32
    %cond3A_31 = arith.constant 0 : i32
    %cond3A_32 = arith.cmpi ne, %convert_element_type3A_30, %cond3A_31 : i32
    scf.if %cond3A_32 {
      %run_scoped3A = arith.constant 1 : i32
      %run_scoped3A_70 = arith.constant 1 : i32
      "tpu.region"() ({
        %run_scoped3A_71 = tpu.sem_alloc : memref<!tpu.dma_semaphore, #tpu.memory_space<semaphore_mem>>
        %dma_start3A = arith.constant 0 : i32
        %dma_start3A_72 = tpu.memref_slice %arg9[%run_scoped3A, %run_scoped3A_70, %mul3A_2, %dma_start3A] : memref<4x2x10112x128xf32, #tpu.memory_space<hbm>> -> memref<1x1x632x128xf32, #tpu.memory_space<hbm>>
        %dma_start3A_73 = tpu.memref_squeeze %dma_start3A_72 : memref<1x1x632x128xf32, #tpu.memory_space<hbm>> -> memref<632x128xf32, #tpu.memory_space<hbm>>
        %dma_start3A_74 = arith.constant 0 : i32
        %dma_start3A_75 = tpu.memref_slice %arg13[%mul3A_2, %dma_start3A_74] : memref<10112x128xf32, #tpu.memory_space<vmem_shared>> -> memref<632x128xf32, #tpu.memory_space<vmem_shared>>
        tpu.enqueue_dma source(%dma_start3A_75 : memref<632x128xf32, #tpu.memory_space<vmem_shared>>) target(%dma_start3A_73 : memref<632x128xf32, #tpu.memory_space<hbm>>) target_semaphore(%run_scoped3A_71 : memref<!tpu.dma_semaphore, #tpu.memory_space<semaphore_mem>>)
        %dma_wait3A = arith.constant 0 : i32
        %dma_wait3A_76 = tpu.memref_slice %arg9[%run_scoped3A, %run_scoped3A_70, %mul3A_2, %dma_wait3A] : memref<4x2x10112x128xf32, #tpu.memory_space<hbm>> -> memref<1x1x632x128xf32, #tpu.memory_space<hbm>>
        %dma_wait3A_77 = tpu.memref_squeeze %dma_wait3A_76 : memref<1x1x632x128xf32, #tpu.memory_space<hbm>> -> memref<632x128xf32, #tpu.memory_space<hbm>>
        %dma_wait3A_78 = arith.constant 0 : i32
        %dma_wait3A_79 = tpu.memref_slice %arg13[%mul3A_2, %dma_wait3A_78] : memref<10112x128xf32, #tpu.memory_space<vmem_shared>> -> memref<632x128xf32, #tpu.memory_space<vmem_shared>>
        tpu.wait_dma2 semaphore(%run_scoped3A_71 : memref<!tpu.dma_semaphore, #tpu.memory_space<semaphore_mem>>) src(%dma_wait3A_79 : memref<632x128xf32, #tpu.memory_space<vmem_shared>>) dst(%dma_wait3A_77 : memref<632x128xf32, #tpu.memory_space<hbm>>)
        tpu.yield
      }) : () -> ()
    } else {
    }
    %barrier3A_33 = arith.constant 0 : index
    tpu.barrier barrier_id(%barrier3A_33)
    "tpu.region"() ({
      %run_scoped3A = tpu.sem_alloc : memref<!tpu.dma_semaphore, #tpu.memory_space<semaphore_mem>>
      %dma_start3A = arith.constant 0 : i32
      %dma_start3A_70 = tpu.memref_slice %arg13[%mul3A_2, %dma_start3A] : memref<10112x128xf32, #tpu.memory_space<vmem_shared>> -> memref<632x128xf32, #tpu.memory_space<vmem_shared>>
      %dma_start3A_71 = arith.constant 0 : i32
      %dma_start3A_72 = tpu.memref_slice %arg8[%mul3A_2, %dma_start3A_71] : memref<10112x128xf32, #tpu.memory_space<hbm>> -> memref<632x128xf32, #tpu.memory_space<hbm>>
      tpu.enqueue_dma source(%dma_start3A_72 : memref<632x128xf32, #tpu.memory_space<hbm>>) target(%dma_start3A_70 : memref<632x128xf32, #tpu.memory_space<vmem_shared>>) target_semaphore(%run_scoped3A : memref<!tpu.dma_semaphore, #tpu.memory_space<semaphore_mem>>)
      %dma_wait3A = arith.constant 0 : i32
      %dma_wait3A_73 = tpu.memref_slice %arg13[%mul3A_2, %dma_wait3A] : memref<10112x128xf32, #tpu.memory_space<vmem_shared>> -> memref<632x128xf32, #tpu.memory_space<vmem_shared>>
      %dma_wait3A_74 = arith.constant 0 : i32
      %dma_wait3A_75 = tpu.memref_slice %arg8[%mul3A_2, %dma_wait3A_74] : memref<10112x128xf32, #tpu.memory_space<hbm>> -> memref<632x128xf32, #tpu.memory_space<hbm>>
      tpu.wait_dma2 semaphore(%run_scoped3A : memref<!tpu.dma_semaphore, #tpu.memory_space<semaphore_mem>>) src(%dma_wait3A_75 : memref<632x128xf32, #tpu.memory_space<hbm>>) dst(%dma_wait3A_73 : memref<632x128xf32, #tpu.memory_space<vmem_shared>>)
      tpu.yield
    }) : () -> ()
    %barrier3A_34 = arith.constant 0 : index
    tpu.barrier barrier_id(%barrier3A_34)
    %scan3A_35 = arith.constant 0 : i32
    %scan3A_36 = arith.constant 79 : i32
    %scan3A_37 = arith.addi %scan3A_35, %scan3A_36 : i32
    %scan3A_38 = arith.constant 1 : i32
    scf.for %scan3A_70 = %scan3A_35 to %scan3A_37 step %scan3A_38  : i32 {
      %mul3A_71 = arith.constant 79 : i32
      %mul3A_72 = arith.muli %add3A, %mul3A_71 : i32
      %add3A_73 = arith.addi %mul3A_72, %scan3A_70 : i32
      "tpu.region"() ({
        %run_scoped3A = tpu.sem_alloc : memref<!tpu.dma_semaphore, #tpu.memory_space<semaphore_mem>>
        %dma_start3A_81 = arith.constant 0 : i32
        %dma_start3A_82 = tpu.memref_slice %arg6[%add3A_73, %dma_start3A_81] : memref<2528x128xi32, #tpu.memory_space<hbm>> -> memref<1x128xi32, #tpu.memory_space<hbm>>
        %dma_start3A_83 = tpu.memref_squeeze %dma_start3A_82 : memref<1x128xi32, #tpu.memory_space<hbm>> -> memref<128xi32, #tpu.memory_space<hbm>>
        %dma_start3A_84 = arith.constant 0 : i32
        %dma_start3A_85 = tpu.memref_slice %arg6[%add3A_73, %dma_start3A_84] : memref<2528x128xi32, #tpu.memory_space<hbm>> -> memref<1x128xi32, #tpu.memory_space<hbm>>
        %dma_start3A_86 = tpu.memref_squeeze %dma_start3A_85 : memref<1x128xi32, #tpu.memory_space<hbm>> -> memref<128xi32, #tpu.memory_space<hbm>>
        tpu.enqueue_dma source(%dma_start3A_86 : memref<128xi32, #tpu.memory_space<hbm>>) target(%arg10 : memref<128xi32, #tpu.memory_space<vmem>>) target_semaphore(%run_scoped3A : memref<!tpu.dma_semaphore, #tpu.memory_space<semaphore_mem>>)
        %dma_wait3A_87 = arith.constant 0 : i32
        %dma_wait3A_88 = tpu.memref_slice %arg6[%add3A_73, %dma_wait3A_87] : memref<2528x128xi32, #tpu.memory_space<hbm>> -> memref<1x128xi32, #tpu.memory_space<hbm>>
        %dma_wait3A_89 = tpu.memref_squeeze %dma_wait3A_88 : memref<1x128xi32, #tpu.memory_space<hbm>> -> memref<128xi32, #tpu.memory_space<hbm>>
        %dma_wait3A_90 = arith.constant 0 : i32
        %dma_wait3A_91 = tpu.memref_slice %arg6[%add3A_73, %dma_wait3A_90] : memref<2528x128xi32, #tpu.memory_space<hbm>> -> memref<1x128xi32, #tpu.memory_space<hbm>>
        %dma_wait3A_92 = tpu.memref_squeeze %dma_wait3A_91 : memref<1x128xi32, #tpu.memory_space<hbm>> -> memref<128xi32, #tpu.memory_space<hbm>>
        tpu.wait_dma2 semaphore(%run_scoped3A : memref<!tpu.dma_semaphore, #tpu.memory_space<semaphore_mem>>) src(%dma_wait3A_92 : memref<128xi32, #tpu.memory_space<hbm>>) dst(%arg10 : memref<128xi32, #tpu.memory_space<vmem>>)
        tpu.yield
      }) : () -> ()
      %mul3A_74 = arith.constant 79 : i32
      %mul3A_75 = arith.muli %add3A, %mul3A_74 : i32
      %add3A_76 = arith.addi %mul3A_75, %scan3A_70 : i32
      "tpu.region"() ({
        %run_scoped3A = tpu.sem_alloc : memref<!tpu.dma_semaphore, #tpu.memory_space<semaphore_mem>>
        %dma_start3A_81 = arith.constant 0 : i32
        %dma_start3A_82 = tpu.memref_slice %arg7[%add3A_76, %dma_start3A_81] : memref<2528x128xi32, #tpu.memory_space<hbm>> -> memref<1x128xi32, #tpu.memory_space<hbm>>
        %dma_start3A_83 = tpu.memref_squeeze %dma_start3A_82 : memref<1x128xi32, #tpu.memory_space<hbm>> -> memref<128xi32, #tpu.memory_space<hbm>>
        %dma_start3A_84 = arith.constant 0 : i32
        %dma_start3A_85 = tpu.memref_slice %arg7[%add3A_76, %dma_start3A_84] : memref<2528x128xi32, #tpu.memory_space<hbm>> -> memref<1x128xi32, #tpu.memory_space<hbm>>
        %dma_start3A_86 = tpu.memref_squeeze %dma_start3A_85 : memref<1x128xi32, #tpu.memory_space<hbm>> -> memref<128xi32, #tpu.memory_space<hbm>>
        tpu.enqueue_dma source(%dma_start3A_86 : memref<128xi32, #tpu.memory_space<hbm>>) target(%arg11 : memref<128xi32, #tpu.memory_space<vmem>>) target_semaphore(%run_scoped3A : memref<!tpu.dma_semaphore, #tpu.memory_space<semaphore_mem>>)
        %dma_wait3A_87 = arith.constant 0 : i32
        %dma_wait3A_88 = tpu.memref_slice %arg7[%add3A_76, %dma_wait3A_87] : memref<2528x128xi32, #tpu.memory_space<hbm>> -> memref<1x128xi32, #tpu.memory_space<hbm>>
        %dma_wait3A_89 = tpu.memref_squeeze %dma_wait3A_88 : memref<1x128xi32, #tpu.memory_space<hbm>> -> memref<128xi32, #tpu.memory_space<hbm>>
        %dma_wait3A_90 = arith.constant 0 : i32
        %dma_wait3A_91 = tpu.memref_slice %arg7[%add3A_76, %dma_wait3A_90] : memref<2528x128xi32, #tpu.memory_space<hbm>> -> memref<1x128xi32, #tpu.memory_space<hbm>>
        %dma_wait3A_92 = tpu.memref_squeeze %dma_wait3A_91 : memref<1x128xi32, #tpu.memory_space<hbm>> -> memref<128xi32, #tpu.memory_space<hbm>>
        tpu.wait_dma2 semaphore(%run_scoped3A : memref<!tpu.dma_semaphore, #tpu.memory_space<semaphore_mem>>) src(%dma_wait3A_92 : memref<128xi32, #tpu.memory_space<hbm>>) dst(%arg11 : memref<128xi32, #tpu.memory_space<vmem>>)
        tpu.yield
      }) : () -> ()
      %dma_start3A = arith.constant 0 : i32
      %dma_start3A_77 = arith.constant 0 : i32
      %dma_start3A_78 = tpu.memref_slice %arg4[%dma_start3A, %dma_start3A_77] : memref<10112x128xf32, #tpu.memory_space<hbm>> -> memref<10112x128xf32, #tpu.memory_space<hbm>>
      tpu.enqueue_indirect_dma source(%dma_start3A_78 : memref<10112x128xf32, #tpu.memory_space<hbm>>) target(%arg12 : memref<128x128xf32, #tpu.memory_space<vmem>>) offsets(%arg10 : memref<128xi32, #tpu.memory_space<vmem>>) semaphore(%arg14 : memref<!tpu.dma_semaphore, #tpu.memory_space<semaphore_mem>>)
      %dma_wait3A = arith.constant 0 : i32
      %dma_wait3A_79 = arith.constant 0 : i32
      %dma_wait3A_80 = tpu.memref_slice %arg4[%dma_wait3A, %dma_wait3A_79] : memref<10112x128xf32, #tpu.memory_space<hbm>> -> memref<10112x128xf32, #tpu.memory_space<hbm>>
      tpu.wait_indirect_dma semaphore(%arg14 : memref<!tpu.dma_semaphore, #tpu.memory_space<semaphore_mem>>) src(%dma_wait3A_80 : memref<10112x128xf32, #tpu.memory_space<hbm>>) dst(%arg12 : memref<128x128xf32, #tpu.memory_space<vmem>>)
      "tpu.region"() ({
        %run_scoped3A = tpu.sem_alloc : memref<!tpu.dma_semaphore, #tpu.memory_space<semaphore_mem>>
        %dma_start3A_81 = arith.constant 0 : i32
        %dma_start3A_82 = arith.constant 0 : i32
        %dma_start3A_83 = tpu.memref_slice %arg13[%dma_start3A_81, %dma_start3A_82] : memref<10112x128xf32, #tpu.memory_space<vmem_shared>> -> memref<10112x128xf32, #tpu.memory_space<vmem_shared>>
        tpu.enqueue_indirect_dma source(%arg12 : memref<128x128xf32, #tpu.memory_space<vmem>>) target(%dma_start3A_83 : memref<10112x128xf32, #tpu.memory_space<vmem_shared>>) offsets(%arg11 : memref<128xi32, #tpu.memory_space<vmem>>) semaphore(%run_scoped3A : memref<!tpu.dma_semaphore, #tpu.memory_space<semaphore_mem>>) {add = true}
        %dma_wait3A_84 = arith.constant 0 : i32
        %dma_wait3A_85 = arith.constant 0 : i32
        %dma_wait3A_86 = tpu.memref_slice %arg13[%dma_wait3A_84, %dma_wait3A_85] : memref<10112x128xf32, #tpu.memory_space<vmem_shared>> -> memref<10112x128xf32, #tpu.memory_space<vmem_shared>>
        tpu.wait_indirect_dma semaphore(%run_scoped3A : memref<!tpu.dma_semaphore, #tpu.memory_space<semaphore_mem>>) src(%arg12 : memref<128x128xf32, #tpu.memory_space<vmem>>) dst(%dma_wait3A_86 : memref<10112x128xf32, #tpu.memory_space<vmem_shared>>)
        tpu.yield
      }) : () -> ()
    }
    %scan3A_39 = arith.constant 79 : i32
    %barrier3A_40 = arith.constant 0 : index
    tpu.barrier barrier_id(%barrier3A_40)
    %eq3A_41 = arith.constant 0 : i32
    %eq3A_42 = arith.cmpi eq, %arg0, %eq3A_41 : i32
    %convert_element_type3A_43 = arith.extui %eq3A_42 : i1 to i32
    %cond3A_44 = arith.constant 0 : i32
    %cond3A_45 = arith.cmpi ne, %convert_element_type3A_43, %cond3A_44 : i32
    scf.if %cond3A_45 {
      %run_scoped3A = arith.constant 2 : i32
      %run_scoped3A_70 = arith.constant 0 : i32
      "tpu.region"() ({
        %run_scoped3A_71 = tpu.sem_alloc : memref<!tpu.dma_semaphore, #tpu.memory_space<semaphore_mem>>
        %dma_start3A = arith.constant 0 : i32
        %dma_start3A_72 = tpu.memref_slice %arg9[%run_scoped3A, %run_scoped3A_70, %mul3A_2, %dma_start3A] : memref<4x2x10112x128xf32, #tpu.memory_space<hbm>> -> memref<1x1x632x128xf32, #tpu.memory_space<hbm>>
        %dma_start3A_73 = tpu.memref_squeeze %dma_start3A_72 : memref<1x1x632x128xf32, #tpu.memory_space<hbm>> -> memref<632x128xf32, #tpu.memory_space<hbm>>
        %dma_start3A_74 = arith.constant 0 : i32
        %dma_start3A_75 = tpu.memref_slice %arg13[%mul3A_2, %dma_start3A_74] : memref<10112x128xf32, #tpu.memory_space<vmem_shared>> -> memref<632x128xf32, #tpu.memory_space<vmem_shared>>
        tpu.enqueue_dma source(%dma_start3A_75 : memref<632x128xf32, #tpu.memory_space<vmem_shared>>) target(%dma_start3A_73 : memref<632x128xf32, #tpu.memory_space<hbm>>) target_semaphore(%run_scoped3A_71 : memref<!tpu.dma_semaphore, #tpu.memory_space<semaphore_mem>>)
        %dma_wait3A = arith.constant 0 : i32
        %dma_wait3A_76 = tpu.memref_slice %arg9[%run_scoped3A, %run_scoped3A_70, %mul3A_2, %dma_wait3A] : memref<4x2x10112x128xf32, #tpu.memory_space<hbm>> -> memref<1x1x632x128xf32, #tpu.memory_space<hbm>>
        %dma_wait3A_77 = tpu.memref_squeeze %dma_wait3A_76 : memref<1x1x632x128xf32, #tpu.memory_space<hbm>> -> memref<632x128xf32, #tpu.memory_space<hbm>>
        %dma_wait3A_78 = arith.constant 0 : i32
        %dma_wait3A_79 = tpu.memref_slice %arg13[%mul3A_2, %dma_wait3A_78] : memref<10112x128xf32, #tpu.memory_space<vmem_shared>> -> memref<632x128xf32, #tpu.memory_space<vmem_shared>>
        tpu.wait_dma2 semaphore(%run_scoped3A_71 : memref<!tpu.dma_semaphore, #tpu.memory_space<semaphore_mem>>) src(%dma_wait3A_79 : memref<632x128xf32, #tpu.memory_space<vmem_shared>>) dst(%dma_wait3A_77 : memref<632x128xf32, #tpu.memory_space<hbm>>)
        tpu.yield
      }) : () -> ()
    } else {
    }
    %eq3A_46 = arith.constant 1 : i32
    %eq3A_47 = arith.cmpi eq, %arg0, %eq3A_46 : i32
    %convert_element_type3A_48 = arith.extui %eq3A_47 : i1 to i32
    %cond3A_49 = arith.constant 0 : i32
    %cond3A_50 = arith.cmpi ne, %convert_element_type3A_48, %cond3A_49 : i32
    scf.if %cond3A_50 {
      %run_scoped3A = arith.constant 2 : i32
      %run_scoped3A_70 = arith.constant 1 : i32
      "tpu.region"() ({
        %run_scoped3A_71 = tpu.sem_alloc : memref<!tpu.dma_semaphore, #tpu.memory_space<semaphore_mem>>
        %dma_start3A = arith.constant 0 : i32
        %dma_start3A_72 = tpu.memref_slice %arg9[%run_scoped3A, %run_scoped3A_70, %mul3A_2, %dma_start3A] : memref<4x2x10112x128xf32, #tpu.memory_space<hbm>> -> memref<1x1x632x128xf32, #tpu.memory_space<hbm>>
        %dma_start3A_73 = tpu.memref_squeeze %dma_start3A_72 : memref<1x1x632x128xf32, #tpu.memory_space<hbm>> -> memref<632x128xf32, #tpu.memory_space<hbm>>
        %dma_start3A_74 = arith.constant 0 : i32
        %dma_start3A_75 = tpu.memref_slice %arg13[%mul3A_2, %dma_start3A_74] : memref<10112x128xf32, #tpu.memory_space<vmem_shared>> -> memref<632x128xf32, #tpu.memory_space<vmem_shared>>
        tpu.enqueue_dma source(%dma_start3A_75 : memref<632x128xf32, #tpu.memory_space<vmem_shared>>) target(%dma_start3A_73 : memref<632x128xf32, #tpu.memory_space<hbm>>) target_semaphore(%run_scoped3A_71 : memref<!tpu.dma_semaphore, #tpu.memory_space<semaphore_mem>>)
        %dma_wait3A = arith.constant 0 : i32
        %dma_wait3A_76 = tpu.memref_slice %arg9[%run_scoped3A, %run_scoped3A_70, %mul3A_2, %dma_wait3A] : memref<4x2x10112x128xf32, #tpu.memory_space<hbm>> -> memref<1x1x632x128xf32, #tpu.memory_space<hbm>>
        %dma_wait3A_77 = tpu.memref_squeeze %dma_wait3A_76 : memref<1x1x632x128xf32, #tpu.memory_space<hbm>> -> memref<632x128xf32, #tpu.memory_space<hbm>>
        %dma_wait3A_78 = arith.constant 0 : i32
        %dma_wait3A_79 = tpu.memref_slice %arg13[%mul3A_2, %dma_wait3A_78] : memref<10112x128xf32, #tpu.memory_space<vmem_shared>> -> memref<632x128xf32, #tpu.memory_space<vmem_shared>>
        tpu.wait_dma2 semaphore(%run_scoped3A_71 : memref<!tpu.dma_semaphore, #tpu.memory_space<semaphore_mem>>) src(%dma_wait3A_79 : memref<632x128xf32, #tpu.memory_space<vmem_shared>>) dst(%dma_wait3A_77 : memref<632x128xf32, #tpu.memory_space<hbm>>)
        tpu.yield
      }) : () -> ()
    } else {
    }
    %barrier3A_51 = arith.constant 0 : index
    tpu.barrier barrier_id(%barrier3A_51)
    "tpu.region"() ({
      %run_scoped3A = tpu.sem_alloc : memref<!tpu.dma_semaphore, #tpu.memory_space<semaphore_mem>>
      %dma_start3A = arith.constant 0 : i32
      %dma_start3A_70 = tpu.memref_slice %arg13[%mul3A_2, %dma_start3A] : memref<10112x128xf32, #tpu.memory_space<vmem_shared>> -> memref<632x128xf32, #tpu.memory_space<vmem_shared>>
      %dma_start3A_71 = arith.constant 0 : i32
      %dma_start3A_72 = tpu.memref_slice %arg8[%mul3A_2, %dma_start3A_71] : memref<10112x128xf32, #tpu.memory_space<hbm>> -> memref<632x128xf32, #tpu.memory_space<hbm>>
      tpu.enqueue_dma source(%dma_start3A_72 : memref<632x128xf32, #tpu.memory_space<hbm>>) target(%dma_start3A_70 : memref<632x128xf32, #tpu.memory_space<vmem_shared>>) target_semaphore(%run_scoped3A : memref<!tpu.dma_semaphore, #tpu.memory_space<semaphore_mem>>)
      %dma_wait3A = arith.constant 0 : i32
      %dma_wait3A_73 = tpu.memref_slice %arg13[%mul3A_2, %dma_wait3A] : memref<10112x128xf32, #tpu.memory_space<vmem_shared>> -> memref<632x128xf32, #tpu.memory_space<vmem_shared>>
      %dma_wait3A_74 = arith.constant 0 : i32
      %dma_wait3A_75 = tpu.memref_slice %arg8[%mul3A_2, %dma_wait3A_74] : memref<10112x128xf32, #tpu.memory_space<hbm>> -> memref<632x128xf32, #tpu.memory_space<hbm>>
      tpu.wait_dma2 semaphore(%run_scoped3A : memref<!tpu.dma_semaphore, #tpu.memory_space<semaphore_mem>>) src(%dma_wait3A_75 : memref<632x128xf32, #tpu.memory_space<hbm>>) dst(%dma_wait3A_73 : memref<632x128xf32, #tpu.memory_space<vmem_shared>>)
      tpu.yield
    }) : () -> ()
    %barrier3A_52 = arith.constant 0 : index
    tpu.barrier barrier_id(%barrier3A_52)
    %scan3A_53 = arith.constant 0 : i32
    %scan3A_54 = arith.constant 79 : i32
    %scan3A_55 = arith.addi %scan3A_53, %scan3A_54 : i32
    %scan3A_56 = arith.constant 1 : i32
    scf.for %scan3A_70 = %scan3A_53 to %scan3A_55 step %scan3A_56  : i32 {
      %mul3A_71 = arith.constant 79 : i32
      %mul3A_72 = arith.muli %add3A, %mul3A_71 : i32
      %add3A_73 = arith.addi %mul3A_72, %scan3A_70 : i32
      "tpu.region"() ({
        %run_scoped3A = tpu.sem_alloc : memref<!tpu.dma_semaphore, #tpu.memory_space<semaphore_mem>>
        %dma_start3A_81 = arith.constant 0 : i32
        %dma_start3A_82 = tpu.memref_slice %arg6[%add3A_73, %dma_start3A_81] : memref<2528x128xi32, #tpu.memory_space<hbm>> -> memref<1x128xi32, #tpu.memory_space<hbm>>
        %dma_start3A_83 = tpu.memref_squeeze %dma_start3A_82 : memref<1x128xi32, #tpu.memory_space<hbm>> -> memref<128xi32, #tpu.memory_space<hbm>>
        %dma_start3A_84 = arith.constant 0 : i32
        %dma_start3A_85 = tpu.memref_slice %arg6[%add3A_73, %dma_start3A_84] : memref<2528x128xi32, #tpu.memory_space<hbm>> -> memref<1x128xi32, #tpu.memory_space<hbm>>
        %dma_start3A_86 = tpu.memref_squeeze %dma_start3A_85 : memref<1x128xi32, #tpu.memory_space<hbm>> -> memref<128xi32, #tpu.memory_space<hbm>>
        tpu.enqueue_dma source(%dma_start3A_86 : memref<128xi32, #tpu.memory_space<hbm>>) target(%arg10 : memref<128xi32, #tpu.memory_space<vmem>>) target_semaphore(%run_scoped3A : memref<!tpu.dma_semaphore, #tpu.memory_space<semaphore_mem>>)
        %dma_wait3A_87 = arith.constant 0 : i32
        %dma_wait3A_88 = tpu.memref_slice %arg6[%add3A_73, %dma_wait3A_87] : memref<2528x128xi32, #tpu.memory_space<hbm>> -> memref<1x128xi32, #tpu.memory_space<hbm>>
        %dma_wait3A_89 = tpu.memref_squeeze %dma_wait3A_88 : memref<1x128xi32, #tpu.memory_space<hbm>> -> memref<128xi32, #tpu.memory_space<hbm>>
        %dma_wait3A_90 = arith.constant 0 : i32
        %dma_wait3A_91 = tpu.memref_slice %arg6[%add3A_73, %dma_wait3A_90] : memref<2528x128xi32, #tpu.memory_space<hbm>> -> memref<1x128xi32, #tpu.memory_space<hbm>>
        %dma_wait3A_92 = tpu.memref_squeeze %dma_wait3A_91 : memref<1x128xi32, #tpu.memory_space<hbm>> -> memref<128xi32, #tpu.memory_space<hbm>>
        tpu.wait_dma2 semaphore(%run_scoped3A : memref<!tpu.dma_semaphore, #tpu.memory_space<semaphore_mem>>) src(%dma_wait3A_92 : memref<128xi32, #tpu.memory_space<hbm>>) dst(%arg10 : memref<128xi32, #tpu.memory_space<vmem>>)
        tpu.yield
      }) : () -> ()
      %mul3A_74 = arith.constant 79 : i32
      %mul3A_75 = arith.muli %add3A, %mul3A_74 : i32
      %add3A_76 = arith.addi %mul3A_75, %scan3A_70 : i32
      "tpu.region"() ({
        %run_scoped3A = tpu.sem_alloc : memref<!tpu.dma_semaphore, #tpu.memory_space<semaphore_mem>>
        %dma_start3A_81 = arith.constant 0 : i32
        %dma_start3A_82 = tpu.memref_slice %arg7[%add3A_76, %dma_start3A_81] : memref<2528x128xi32, #tpu.memory_space<hbm>> -> memref<1x128xi32, #tpu.memory_space<hbm>>
        %dma_start3A_83 = tpu.memref_squeeze %dma_start3A_82 : memref<1x128xi32, #tpu.memory_space<hbm>> -> memref<128xi32, #tpu.memory_space<hbm>>
        %dma_start3A_84 = arith.constant 0 : i32
        %dma_start3A_85 = tpu.memref_slice %arg7[%add3A_76, %dma_start3A_84] : memref<2528x128xi32, #tpu.memory_space<hbm>> -> memref<1x128xi32, #tpu.memory_space<hbm>>
        %dma_start3A_86 = tpu.memref_squeeze %dma_start3A_85 : memref<1x128xi32, #tpu.memory_space<hbm>> -> memref<128xi32, #tpu.memory_space<hbm>>
        tpu.enqueue_dma source(%dma_start3A_86 : memref<128xi32, #tpu.memory_space<hbm>>) target(%arg11 : memref<128xi32, #tpu.memory_space<vmem>>) target_semaphore(%run_scoped3A : memref<!tpu.dma_semaphore, #tpu.memory_space<semaphore_mem>>)
        %dma_wait3A_87 = arith.constant 0 : i32
        %dma_wait3A_88 = tpu.memref_slice %arg7[%add3A_76, %dma_wait3A_87] : memref<2528x128xi32, #tpu.memory_space<hbm>> -> memref<1x128xi32, #tpu.memory_space<hbm>>
        %dma_wait3A_89 = tpu.memref_squeeze %dma_wait3A_88 : memref<1x128xi32, #tpu.memory_space<hbm>> -> memref<128xi32, #tpu.memory_space<hbm>>
        %dma_wait3A_90 = arith.constant 0 : i32
        %dma_wait3A_91 = tpu.memref_slice %arg7[%add3A_76, %dma_wait3A_90] : memref<2528x128xi32, #tpu.memory_space<hbm>> -> memref<1x128xi32, #tpu.memory_space<hbm>>
        %dma_wait3A_92 = tpu.memref_squeeze %dma_wait3A_91 : memref<1x128xi32, #tpu.memory_space<hbm>> -> memref<128xi32, #tpu.memory_space<hbm>>
        tpu.wait_dma2 semaphore(%run_scoped3A : memref<!tpu.dma_semaphore, #tpu.memory_space<semaphore_mem>>) src(%dma_wait3A_92 : memref<128xi32, #tpu.memory_space<hbm>>) dst(%arg11 : memref<128xi32, #tpu.memory_space<vmem>>)
        tpu.yield
      }) : () -> ()
      %dma_start3A = arith.constant 0 : i32
      %dma_start3A_77 = arith.constant 0 : i32
      %dma_start3A_78 = tpu.memref_slice %arg5[%dma_start3A, %dma_start3A_77] : memref<10112x128xf32, #tpu.memory_space<hbm>> -> memref<10112x128xf32, #tpu.memory_space<hbm>>
      tpu.enqueue_indirect_dma source(%dma_start3A_78 : memref<10112x128xf32, #tpu.memory_space<hbm>>) target(%arg12 : memref<128x128xf32, #tpu.memory_space<vmem>>) offsets(%arg10 : memref<128xi32, #tpu.memory_space<vmem>>) semaphore(%arg14 : memref<!tpu.dma_semaphore, #tpu.memory_space<semaphore_mem>>)
      %dma_wait3A = arith.constant 0 : i32
      %dma_wait3A_79 = arith.constant 0 : i32
      %dma_wait3A_80 = tpu.memref_slice %arg5[%dma_wait3A, %dma_wait3A_79] : memref<10112x128xf32, #tpu.memory_space<hbm>> -> memref<10112x128xf32, #tpu.memory_space<hbm>>
      tpu.wait_indirect_dma semaphore(%arg14 : memref<!tpu.dma_semaphore, #tpu.memory_space<semaphore_mem>>) src(%dma_wait3A_80 : memref<10112x128xf32, #tpu.memory_space<hbm>>) dst(%arg12 : memref<128x128xf32, #tpu.memory_space<vmem>>)
      "tpu.region"() ({
        %run_scoped3A = tpu.sem_alloc : memref<!tpu.dma_semaphore, #tpu.memory_space<semaphore_mem>>
        %dma_start3A_81 = arith.constant 0 : i32
        %dma_start3A_82 = arith.constant 0 : i32
        %dma_start3A_83 = tpu.memref_slice %arg13[%dma_start3A_81, %dma_start3A_82] : memref<10112x128xf32, #tpu.memory_space<vmem_shared>> -> memref<10112x128xf32, #tpu.memory_space<vmem_shared>>
        tpu.enqueue_indirect_dma source(%arg12 : memref<128x128xf32, #tpu.memory_space<vmem>>) target(%dma_start3A_83 : memref<10112x128xf32, #tpu.memory_space<vmem_shared>>) offsets(%arg11 : memref<128xi32, #tpu.memory_space<vmem>>) semaphore(%run_scoped3A : memref<!tpu.dma_semaphore, #tpu.memory_space<semaphore_mem>>) {add = true}
        %dma_wait3A_84 = arith.constant 0 : i32
        %dma_wait3A_85 = arith.constant 0 : i32
        %dma_wait3A_86 = tpu.memref_slice %arg13[%dma_wait3A_84, %dma_wait3A_85] : memref<10112x128xf32, #tpu.memory_space<vmem_shared>> -> memref<10112x128xf32, #tpu.memory_space<vmem_shared>>
        tpu.wait_indirect_dma semaphore(%run_scoped3A : memref<!tpu.dma_semaphore, #tpu.memory_space<semaphore_mem>>) src(%arg12 : memref<128x128xf32, #tpu.memory_space<vmem>>) dst(%dma_wait3A_86 : memref<10112x128xf32, #tpu.memory_space<vmem_shared>>)
        tpu.yield
      }) : () -> ()
    }
    %scan3A_57 = arith.constant 79 : i32
    %barrier3A_58 = arith.constant 0 : index
    tpu.barrier barrier_id(%barrier3A_58)
    %eq3A_59 = arith.constant 0 : i32
    %eq3A_60 = arith.cmpi eq, %arg0, %eq3A_59 : i32
    %convert_element_type3A_61 = arith.extui %eq3A_60 : i1 to i32
    %cond3A_62 = arith.constant 0 : i32
    %cond3A_63 = arith.cmpi ne, %convert_element_type3A_61, %cond3A_62 : i32
    scf.if %cond3A_63 {
      %run_scoped3A = arith.constant 3 : i32
      %run_scoped3A_70 = arith.constant 0 : i32
      "tpu.region"() ({
        %run_scoped3A_71 = tpu.sem_alloc : memref<!tpu.dma_semaphore, #tpu.memory_space<semaphore_mem>>
        %dma_start3A = arith.constant 0 : i32
        %dma_start3A_72 = tpu.memref_slice %arg9[%run_scoped3A, %run_scoped3A_70, %mul3A_2, %dma_start3A] : memref<4x2x10112x128xf32, #tpu.memory_space<hbm>> -> memref<1x1x632x128xf32, #tpu.memory_space<hbm>>
        %dma_start3A_73 = tpu.memref_squeeze %dma_start3A_72 : memref<1x1x632x128xf32, #tpu.memory_space<hbm>> -> memref<632x128xf32, #tpu.memory_space<hbm>>
        %dma_start3A_74 = arith.constant 0 : i32
        %dma_start3A_75 = tpu.memref_slice %arg13[%mul3A_2, %dma_start3A_74] : memref<10112x128xf32, #tpu.memory_space<vmem_shared>> -> memref<632x128xf32, #tpu.memory_space<vmem_shared>>
        tpu.enqueue_dma source(%dma_start3A_75 : memref<632x128xf32, #tpu.memory_space<vmem_shared>>) target(%dma_start3A_73 : memref<632x128xf32, #tpu.memory_space<hbm>>) target_semaphore(%run_scoped3A_71 : memref<!tpu.dma_semaphore, #tpu.memory_space<semaphore_mem>>)
        %dma_wait3A = arith.constant 0 : i32
        %dma_wait3A_76 = tpu.memref_slice %arg9[%run_scoped3A, %run_scoped3A_70, %mul3A_2, %dma_wait3A] : memref<4x2x10112x128xf32, #tpu.memory_space<hbm>> -> memref<1x1x632x128xf32, #tpu.memory_space<hbm>>
        %dma_wait3A_77 = tpu.memref_squeeze %dma_wait3A_76 : memref<1x1x632x128xf32, #tpu.memory_space<hbm>> -> memref<632x128xf32, #tpu.memory_space<hbm>>
        %dma_wait3A_78 = arith.constant 0 : i32
        %dma_wait3A_79 = tpu.memref_slice %arg13[%mul3A_2, %dma_wait3A_78] : memref<10112x128xf32, #tpu.memory_space<vmem_shared>> -> memref<632x128xf32, #tpu.memory_space<vmem_shared>>
        tpu.wait_dma2 semaphore(%run_scoped3A_71 : memref<!tpu.dma_semaphore, #tpu.memory_space<semaphore_mem>>) src(%dma_wait3A_79 : memref<632x128xf32, #tpu.memory_space<vmem_shared>>) dst(%dma_wait3A_77 : memref<632x128xf32, #tpu.memory_space<hbm>>)
        tpu.yield
      }) : () -> ()
    } else {
    }
    %eq3A_64 = arith.constant 1 : i32
    %eq3A_65 = arith.cmpi eq, %arg0, %eq3A_64 : i32
    %convert_element_type3A_66 = arith.extui %eq3A_65 : i1 to i32
    %cond3A_67 = arith.constant 0 : i32
    %cond3A_68 = arith.cmpi ne, %convert_element_type3A_66, %cond3A_67 : i32
    scf.if %cond3A_68 {
      %run_scoped3A = arith.constant 3 : i32
      %run_scoped3A_70 = arith.constant 1 : i32
      "tpu.region"() ({
        %run_scoped3A_71 = tpu.sem_alloc : memref<!tpu.dma_semaphore, #tpu.memory_space<semaphore_mem>>
        %dma_start3A = arith.constant 0 : i32
        %dma_start3A_72 = tpu.memref_slice %arg9[%run_scoped3A, %run_scoped3A_70, %mul3A_2, %dma_start3A] : memref<4x2x10112x128xf32, #tpu.memory_space<hbm>> -> memref<1x1x632x128xf32, #tpu.memory_space<hbm>>
        %dma_start3A_73 = tpu.memref_squeeze %dma_start3A_72 : memref<1x1x632x128xf32, #tpu.memory_space<hbm>> -> memref<632x128xf32, #tpu.memory_space<hbm>>
        %dma_start3A_74 = arith.constant 0 : i32
        %dma_start3A_75 = tpu.memref_slice %arg13[%mul3A_2, %dma_start3A_74] : memref<10112x128xf32, #tpu.memory_space<vmem_shared>> -> memref<632x128xf32, #tpu.memory_space<vmem_shared>>
        tpu.enqueue_dma source(%dma_start3A_75 : memref<632x128xf32, #tpu.memory_space<vmem_shared>>) target(%dma_start3A_73 : memref<632x128xf32, #tpu.memory_space<hbm>>) target_semaphore(%run_scoped3A_71 : memref<!tpu.dma_semaphore, #tpu.memory_space<semaphore_mem>>)
        %dma_wait3A = arith.constant 0 : i32
        %dma_wait3A_76 = tpu.memref_slice %arg9[%run_scoped3A, %run_scoped3A_70, %mul3A_2, %dma_wait3A] : memref<4x2x10112x128xf32, #tpu.memory_space<hbm>> -> memref<1x1x632x128xf32, #tpu.memory_space<hbm>>
        %dma_wait3A_77 = tpu.memref_squeeze %dma_wait3A_76 : memref<1x1x632x128xf32, #tpu.memory_space<hbm>> -> memref<632x128xf32, #tpu.memory_space<hbm>>
        %dma_wait3A_78 = arith.constant 0 : i32
        %dma_wait3A_79 = tpu.memref_slice %arg13[%mul3A_2, %dma_wait3A_78] : memref<10112x128xf32, #tpu.memory_space<vmem_shared>> -> memref<632x128xf32, #tpu.memory_space<vmem_shared>>
        tpu.wait_dma2 semaphore(%run_scoped3A_71 : memref<!tpu.dma_semaphore, #tpu.memory_space<semaphore_mem>>) src(%dma_wait3A_79 : memref<632x128xf32, #tpu.memory_space<vmem_shared>>) dst(%dma_wait3A_77 : memref<632x128xf32, #tpu.memory_space<hbm>>)
        tpu.yield
      }) : () -> ()
    } else {
    }
    %barrier3A_69 = arith.constant 0 : index
    tpu.barrier barrier_id(%barrier3A_69)
    return
  }
}

module attributes {stable_mosaic.version = 14 : i64} {
  func.func @_prep_body(%arg0: i32, %arg1: memref<1000x128xf32, #tpu.memory_space<vmem>>, %arg2: memref<2x1000x16xf32, #tpu.memory_space<vmem>>, %arg3: memref<128x128xf32, #tpu.memory_space<vmem>>, %arg4: memref<1000x128xf32, #tpu.memory_space<vmem>>, %arg5: memref<1000x128xf32, #tpu.memory_space<vmem>>) attributes {dimension_semantics = [#tpu.dimension_semantics<arbitrary>], iteration_bounds = array<i64: 10>, scalar_prefetch = 0 : i64, scratch_operands = 0 : i64, tpu.core_type = #tpu.core_type<tc>, window_params = [{transform_indices = @transform_0, window_bounds = array<i64: 1000, 128>}, {transform_indices = @transform_1, window_bounds = array<i64: 2, 1000, 16>}, {pipeline_mode = #tpu.pipeline_mode<synchronous>, transform_indices = @transform_2, window_bounds = array<i64: 128, 128>}, {transform_indices = @transform_3, window_bounds = array<i64: 1000, 128>}, {transform_indices = @transform_4, window_bounds = array<i64: 1000, 128>}]} {
    %get3A = arith.constant 0 : index
    %get3A_0 = arith.constant 0 : index
    %get3A_1 = arith.constant 0 : index
    %get3A_2 = vector.load %arg2[%get3A, %get3A_0, %get3A_1] : memref<2x1000x16xf32, #tpu.memory_space<vmem>>, vector<2x1000x16xf32>
    %slice3A = vector.extract_strided_slice %get3A_2 {offsets = [0, 0, 0], sizes = [1, 1000, 1], strides = [1, 1, 1]} : vector<2x1000x16xf32> to vector<1x1000x1xf32>
    %squeeze3A = vector.shape_cast %slice3A : vector<1x1000x1xf32> to vector<1000x1xf32>
    %slice3A_3 = vector.extract_strided_slice %get3A_2 {offsets = [1, 0, 0], sizes = [1, 1000, 1], strides = [1, 1, 1]} : vector<2x1000x16xf32> to vector<1x1000x1xf32>
    %squeeze3A_4 = vector.shape_cast %slice3A_3 : vector<1x1000x1xf32> to vector<1000x1xf32>
    %add3A = arith.addf %squeeze3A, %squeeze3A_4 : vector<1000x1xf32>
    %add3A_5 = arith.constant 1.000000e+00 : f32
    %add3A_6 = vector.broadcast %add3A_5 : f32 to vector<1000x1xf32>
    %add3A_7 = arith.addf %add3A, %add3A_6 : vector<1000x1xf32>
    %sqrt3A = math.sqrt %add3A_7 : vector<1000x1xf32>
    %div3A = arith.constant 1.000000e+00 : f32
    %div3A_8 = vector.broadcast %div3A : f32 to vector<1000x1xf32>
    %div3A_9 = arith.divf %div3A_8, %sqrt3A : vector<1000x1xf32>
    %get3A_10 = arith.constant 0 : index
    %get3A_11 = arith.constant 0 : index
    %get3A_12 = vector.load %arg1[%get3A_10, %get3A_11] : memref<1000x128xf32, #tpu.memory_space<vmem>>, vector<1000x128xf32>
    %get3A_13 = arith.constant 0 : index
    %get3A_14 = arith.constant 0 : index
    %get3A_15 = vector.load %arg3[%get3A_13, %get3A_14] : memref<128x128xf32, #tpu.memory_space<vmem>>, vector<128x128xf32>
    %dot_general3A = arith.constant dense<0.000000e+00> : vector<1000x128xf32>
    %dot_general3A_16 = tpu.matmul %get3A_12, %get3A_15, %dot_general3A {dimension_numbers = #tpu.dot_dimension_numbers<[1], [0], [0], [1], [0, 0, 1, 1], [], []>, transpose_lhs_hint = false} : vector<1000x128xf32>, vector<128x128xf32>, vector<1000x128xf32> -> vector<1000x128xf32>
    %swap3A = arith.constant 0 : index
    %swap3A_17 = arith.constant 0 : index
    %swap3A_18 = vector.load %arg4[%swap3A, %swap3A_17] : memref<1000x128xf32, #tpu.memory_space<vmem>>, vector<1000x128xf32>
    tpu.vector_store %arg4[%swap3A, %swap3A_17], %dot_general3A_16 {strides = array<i32>} : memref<1000x128xf32, #tpu.memory_space<vmem>>, vector<1000x128xf32>,
    %mul3A = vector.broadcast %div3A_9 : vector<1000x1xf32> to vector<1000x128xf32>
    %mul3A_19 = arith.mulf %mul3A, %dot_general3A_16 : vector<1000x128xf32>
    %swap3A_20 = arith.constant 0 : index
    %swap3A_21 = arith.constant 0 : index
    %swap3A_22 = vector.load %arg5[%swap3A_20, %swap3A_21] : memref<1000x128xf32, #tpu.memory_space<vmem>>, vector<1000x128xf32>
    tpu.vector_store %arg5[%swap3A_20, %swap3A_21], %mul3A_19 {strides = array<i32>} : memref<1000x128xf32, #tpu.memory_space<vmem>>, vector<1000x128xf32>,
    return
  }
  func.func @transform_0(%arg0: i32) -> (i32, i32) {
    %c0_i32 = arith.constant 0 : i32
    %c0_i32_0 = arith.constant 0 : i32
    return %arg0, %c0_i32 : i32, i32
  }
  func.func @transform_1(%arg0: i32) -> (i32, i32, i32) {
    %c0_i32 = arith.constant 0 : i32
    %c0_i32_0 = arith.constant 0 : i32
    %c0_i32_1 = arith.constant 0 : i32
    return %c0_i32, %arg0, %c0_i32_0 : i32, i32, i32
  }
  func.func @transform_2(%arg0: i32) -> (i32, i32) {
    %c0_i32 = arith.constant 0 : i32
    %c0_i32_0 = arith.constant 0 : i32
    %c0_i32_1 = arith.constant 0 : i32
    return %c0_i32, %c0_i32_0 : i32, i32
  }
  func.func @transform_3(%arg0: i32) -> (i32, i32) {
    %c0_i32 = arith.constant 0 : i32
    %c0_i32_0 = arith.constant 0 : i32
    return %arg0, %c0_i32 : i32, i32
  }
  func.func @transform_4(%arg0: i32) -> (i32, i32) {
    %c0_i32 = arith.constant 0 : i32
    %c0_i32_0 = arith.constant 0 : i32
    return %arg0, %c0_i32 : i32, i32
  }
}

module attributes {stable_mosaic.version = 14 : i64} {
  func.func @_left_body(%arg0: i32, %arg1: memref<1000x128xf32, #tpu.memory_space<vmem>>, %arg2: memref<2x1000x16xf32, #tpu.memory_space<vmem>>, %arg3: memref<2x1000x128xf32, #tpu.memory_space<vmem>>, %arg4: memref<1x128xf32, #tpu.memory_space<vmem>>, %arg5: memref<128x128xf32, #tpu.memory_space<vmem>>, %arg6: memref<1x128xf32, #tpu.memory_space<vmem>>, %arg7: memref<128x128xf32, #tpu.memory_space<vmem>>, %arg8: memref<4x1000x128xf32, #tpu.memory_space<vmem>>, %arg9: memref<4x1000x128xf32, #tpu.memory_space<vmem>>) attributes {dimension_semantics = [#tpu.dimension_semantics<arbitrary>], iteration_bounds = array<i64: 10>, scalar_prefetch = 0 : i64, scratch_operands = 0 : i64, tpu.core_type = #tpu.core_type<tc>, window_params = [{transform_indices = @transform_0, window_bounds = array<i64: 1000, 128>}, {transform_indices = @transform_1, window_bounds = array<i64: 2, 1000, 16>}, {transform_indices = @transform_2, window_bounds = array<i64: 2, 1000, 128>}, {pipeline_mode = #tpu.pipeline_mode<synchronous>, transform_indices = @transform_3, window_bounds = array<i64: 1, 128>}, {pipeline_mode = #tpu.pipeline_mode<synchronous>, transform_indices = @transform_4, window_bounds = array<i64: 128, 128>}, {pipeline_mode = #tpu.pipeline_mode<synchronous>, transform_indices = @transform_5, window_bounds = array<i64: 1, 128>}, {pipeline_mode = #tpu.pipeline_mode<synchronous>, transform_indices = @transform_6, window_bounds = array<i64: 128, 128>}, {transform_indices = @transform_7, window_bounds = array<i64: 4, 1000, 128>}, {transform_indices = @transform_8, window_bounds = array<i64: 4, 1000, 128>}]} {
    %get3A = arith.constant 0 : index
    %get3A_0 = arith.constant 0 : index
    %get3A_1 = vector.load %arg1[%get3A, %get3A_0] : memref<1000x128xf32, #tpu.memory_space<vmem>>, vector<1000x128xf32>
    %get3A_2 = arith.constant 0 : index
    %get3A_3 = arith.constant 0 : index
    %get3A_4 = arith.constant 0 : index
    %get3A_5 = vector.load %arg2[%get3A_2, %get3A_3, %get3A_4] : memref<2x1000x16xf32, #tpu.memory_space<vmem>>, vector<2x1000x16xf32>
    %slice3A = vector.extract_strided_slice %get3A_5 {offsets = [0, 0, 0], sizes = [1, 1000, 1], strides = [1, 1, 1]} : vector<2x1000x16xf32> to vector<1x1000x1xf32>
    %squeeze3A = vector.shape_cast %slice3A : vector<1x1000x1xf32> to vector<1000x1xf32>
    %slice3A_6 = vector.extract_strided_slice %get3A_5 {offsets = [1, 0, 0], sizes = [1, 1000, 1], strides = [1, 1, 1]} : vector<2x1000x16xf32> to vector<1x1000x1xf32>
    %squeeze3A_7 = vector.shape_cast %slice3A_6 : vector<1x1000x1xf32> to vector<1000x1xf32>
    %add3A = arith.addf %squeeze3A, %squeeze3A_7 : vector<1000x1xf32>
    %add3A_8 = arith.constant 1.000000e+00 : f32
    %add3A_9 = vector.broadcast %add3A_8 : f32 to vector<1000x1xf32>
    %add3A_10 = arith.addf %add3A, %add3A_9 : vector<1000x1xf32>
    %sqrt3A = math.sqrt %add3A_10 : vector<1000x1xf32>
    %div3A = arith.constant 1.000000e+00 : f32
    %div3A_11 = vector.broadcast %div3A : f32 to vector<1000x1xf32>
    %div3A_12 = arith.divf %div3A_11, %sqrt3A : vector<1000x1xf32>
    %mul3A = arith.mulf %div3A_12, %div3A_12 : vector<1000x1xf32>
    %get3A_13 = arith.constant 0 : index
    %get3A_14 = arith.constant 0 : index
    %get3A_15 = arith.constant 0 : index
    %get3A_16 = vector.load %arg3[%get3A_13, %get3A_14, %get3A_15] : memref<2x1000x128xf32, #tpu.memory_space<vmem>>, vector<1x1000x128xf32>
    %get3A_17 = vector.shape_cast %get3A_16 : vector<1x1000x128xf32> to vector<1000x128xf32>
    %get3A_18 = arith.constant 1 : index
    %get3A_19 = arith.constant 0 : index
    %get3A_20 = arith.constant 0 : index
    %get3A_21 = vector.load %arg3[%get3A_18, %get3A_19, %get3A_20] : memref<2x1000x128xf32, #tpu.memory_space<vmem>>, vector<1x1000x128xf32>
    %get3A_22 = vector.shape_cast %get3A_21 : vector<1x1000x128xf32> to vector<1000x128xf32>
    %add3A_23 = arith.addf %get3A_17, %get3A_22 : vector<1000x128xf32>
    %mul3A_24 = vector.broadcast %div3A_12 : vector<1000x1xf32> to vector<1000x128xf32>
    %mul3A_25 = arith.mulf %mul3A_24, %add3A_23 : vector<1000x128xf32>
    %mul3A_26 = vector.broadcast %mul3A : vector<1000x1xf32> to vector<1000x128xf32>
    %mul3A_27 = arith.mulf %mul3A_26, %get3A_1 : vector<1000x128xf32>
    %add3A_28 = arith.addf %mul3A_25, %mul3A_27 : vector<1000x128xf32>
    %get3A_29 = arith.constant 0 : index
    %get3A_30 = arith.constant 0 : index
    %get3A_31 = vector.load %arg4[%get3A_29, %get3A_30] : memref<1x128xf32, #tpu.memory_space<vmem>>, vector<1x128xf32>
    %add3A_32 = vector.broadcast %get3A_31 : vector<1x128xf32> to vector<1000x128xf32>
    %add3A_33 = arith.addf %add3A_28, %add3A_32 : vector<1000x128xf32>
    %reduce_sum3A = arith.constant dense<0.000000e+00> : vector<1000xf32>
    %reduce_sum3A_34 = vector.multi_reduction <add>, %add3A_33, %reduce_sum3A [1] : vector<1000x128xf32> to vector<1000xf32>
    %broadcast_in_dim3A = vector.shape_cast %reduce_sum3A_34 : vector<1000xf32> to vector<1000x1xf32>
    %div3A_35 = arith.constant 1.280000e+02 : f32
    %div3A_36 = vector.broadcast %div3A_35 : f32 to vector<1000x1xf32>
    %div3A_37 = arith.divf %broadcast_in_dim3A, %div3A_36 : vector<1000x1xf32>
    %sub3A = vector.broadcast %div3A_37 : vector<1000x1xf32> to vector<1000x128xf32>
    %sub3A_38 = arith.subf %add3A_33, %sub3A : vector<1000x128xf32>
    %mul3A_39 = arith.mulf %sub3A_38, %sub3A_38 : vector<1000x128xf32>
    %reduce_sum3A_40 = arith.constant dense<0.000000e+00> : vector<1000xf32>
    %reduce_sum3A_41 = vector.multi_reduction <add>, %mul3A_39, %reduce_sum3A_40 [1] : vector<1000x128xf32> to vector<1000xf32>
    %broadcast_in_dim3A_42 = vector.shape_cast %reduce_sum3A_41 : vector<1000xf32> to vector<1000x1xf32>
    %get3A_43 = arith.constant 0 : index
    %get3A_44 = arith.constant 0 : index
    %get3A_45 = vector.load %arg6[%get3A_43, %get3A_44] : memref<1x128xf32, #tpu.memory_space<vmem>>, vector<1x128xf32>
    %get3A_46 = arith.constant 0 : index
    %get3A_47 = arith.constant 0 : index
    %get3A_48 = vector.load %arg5[%get3A_46, %get3A_47] : memref<128x128xf32, #tpu.memory_space<vmem>>, vector<128x128xf32>
    %get3A_49 = arith.constant 0 : index
    %get3A_50 = arith.constant 0 : index
    %get3A_51 = vector.load %arg7[%get3A_49, %get3A_50] : memref<128x128xf32, #tpu.memory_space<vmem>>, vector<128x128xf32>
    %broadcast_in_dim3A_52 = arith.constant 0.000000e+00 : f32
    %broadcast_in_dim3A_53 = vector.broadcast %broadcast_in_dim3A_52 : f32 to vector<1000x128xf32>
    %mul3A_54 = arith.constant 1.000000e+00 : f32
    %mul3A_55 = vector.broadcast %mul3A_54 : f32 to vector<1000x1xf32>
    %mul3A_56 = arith.mulf %mul3A_55, %broadcast_in_dim3A_42 : vector<1000x1xf32>
    %div3A_57 = arith.constant 1.270000e+02 : f32
    %div3A_58 = vector.broadcast %div3A_57 : f32 to vector<1000x1xf32>
    %div3A_59 = arith.divf %mul3A_56, %div3A_58 : vector<1000x1xf32>
    %sqrt3A_60 = math.sqrt %div3A_59 : vector<1000x1xf32>
    %add3A_61 = arith.constant 9.99999993E-9 : f32
    %add3A_62 = vector.broadcast %add3A_61 : f32 to vector<1000x1xf32>
    %add3A_63 = arith.addf %sqrt3A_60, %add3A_62 : vector<1000x1xf32>
    %div3A_64 = vector.broadcast %add3A_63 : vector<1000x1xf32> to vector<1000x128xf32>
    %div3A_65 = arith.divf %sub3A_38, %div3A_64 : vector<1000x128xf32>
    %dot_general3A = arith.constant dense<0.000000e+00> : vector<1000x128xf32>
    %dot_general3A_66 = tpu.matmul %div3A_65, %get3A_48, %dot_general3A {dimension_numbers = #tpu.dot_dimension_numbers<[1], [0], [0], [1], [0, 0, 1, 1], [], []>, transpose_lhs_hint = false} : vector<1000x128xf32>, vector<128x128xf32>, vector<1000x128xf32> -> vector<1000x128xf32>
    %add3A_67 = vector.broadcast %get3A_45 : vector<1x128xf32> to vector<1000x128xf32>
    %add3A_68 = arith.addf %dot_general3A_66, %add3A_67 : vector<1000x128xf32>
    %sub3A_69 = arith.subf %add3A_68, %broadcast_in_dim3A_53 : vector<1000x128xf32>
    %mul3A_70 = arith.constant 5.000000e-01 : f32
    %mul3A_71 = vector.broadcast %mul3A_70 : f32 to vector<1000x128xf32>
    %mul3A_72 = arith.mulf %sub3A_69, %mul3A_71 : vector<1000x128xf32>
    %add3A_73 = arith.addf %broadcast_in_dim3A_53, %mul3A_72 : vector<1000x128xf32>
    %sub3A_74 = arith.constant 1.000000e+00 : f32
    %sub3A_75 = vector.broadcast %sub3A_74 : f32 to vector<1000x128xf32>
    %sub3A_76 = arith.subf %add3A_73, %sub3A_75 : vector<1000x128xf32>
    %ge3A = arith.constant 0.000000e+00 : f32
    %ge3A_77 = vector.broadcast %ge3A : f32 to vector<1000x128xf32>
    %ge3A_78 = arith.cmpf oge, %sub3A_76, %ge3A_77 : vector<1000x128xf32>
    %convert_element_type3A = arith.extui %ge3A_78 : vector<1000x128xi1> to vector<1000x128xi32>
    %convert_element_type3A_79 = arith.sitofp %convert_element_type3A : vector<1000x128xi32> to vector<1000x128xf32>
    %sub3A_80 = arith.constant 1.000000e+00 : f32
    %sub3A_81 = vector.broadcast %sub3A_80 : f32 to vector<1000x128xf32>
    %sub3A_82 = arith.subf %sub3A_81, %convert_element_type3A_79 : vector<1000x128xf32>
    %mul3A_83 = arith.mulf %add3A_73, %sub3A_82 : vector<1000x128xf32>
    %dot_general3A_84 = arith.constant dense<0.000000e+00> : vector<1000x128xf32>
    %dot_general3A_85 = tpu.matmul %convert_element_type3A_79, %get3A_51, %dot_general3A_84 {dimension_numbers = #tpu.dot_dimension_numbers<[1], [0], [0], [1], [0, 0, 1, 1], [], []>, transpose_lhs_hint = false} : vector<1000x128xf32>, vector<128x128xf32>, vector<1000x128xf32> -> vector<1000x128xf32>
    %swap3A = arith.constant 0 : index
    %swap3A_86 = arith.constant 0 : index
    %swap3A_87 = arith.constant 0 : index
    %swap3A_88 = vector.load %arg8[%swap3A, %swap3A_86, %swap3A_87] : memref<4x1000x128xf32, #tpu.memory_space<vmem>>, vector<1x1000x128xf32>
    %swap3A_89 = vector.shape_cast %swap3A_88 : vector<1x1000x128xf32> to vector<1000x128xf32>
    %swap3A_90 = vector.shape_cast %dot_general3A_85 : vector<1000x128xf32> to vector<1x1000x128xf32>
    tpu.vector_store %arg8[%swap3A, %swap3A_86, %swap3A_87], %swap3A_90 {strides = array<i32>} : memref<4x1000x128xf32, #tpu.memory_space<vmem>>, vector<1x1000x128xf32>,
    %mul3A_91 = vector.broadcast %div3A_12 : vector<1000x1xf32> to vector<1000x128xf32>
    %mul3A_92 = arith.mulf %mul3A_91, %dot_general3A_85 : vector<1000x128xf32>
    %swap3A_93 = arith.constant 0 : index
    %swap3A_94 = arith.constant 0 : index
    %swap3A_95 = arith.constant 0 : index
    %swap3A_96 = vector.load %arg9[%swap3A_93, %swap3A_94, %swap3A_95] : memref<4x1000x128xf32, #tpu.memory_space<vmem>>, vector<1x1000x128xf32>
    %swap3A_97 = vector.shape_cast %swap3A_96 : vector<1x1000x128xf32> to vector<1000x128xf32>
    %swap3A_98 = vector.shape_cast %mul3A_92 : vector<1000x128xf32> to vector<1x1000x128xf32>
    tpu.vector_store %arg9[%swap3A_93, %swap3A_94, %swap3A_95], %swap3A_98 {strides = array<i32>} : memref<4x1000x128xf32, #tpu.memory_space<vmem>>, vector<1x1000x128xf32>,
    %mul3A_99 = arith.constant 2.000000e+00 : f32
    %mul3A_100 = vector.broadcast %mul3A_99 : f32 to vector<1000x1xf32>
    %mul3A_101 = arith.mulf %mul3A_100, %broadcast_in_dim3A_42 : vector<1000x1xf32>
    %div3A_102 = arith.constant 2.550000e+02 : f32
    %div3A_103 = vector.broadcast %div3A_102 : f32 to vector<1000x1xf32>
    %div3A_104 = arith.divf %mul3A_101, %div3A_103 : vector<1000x1xf32>
    %sqrt3A_105 = math.sqrt %div3A_104 : vector<1000x1xf32>
    %add3A_106 = arith.constant 9.99999993E-9 : f32
    %add3A_107 = vector.broadcast %add3A_106 : f32 to vector<1000x1xf32>
    %add3A_108 = arith.addf %sqrt3A_105, %add3A_107 : vector<1000x1xf32>
    %div3A_109 = vector.broadcast %add3A_108 : vector<1000x1xf32> to vector<1000x128xf32>
    %div3A_110 = arith.divf %sub3A_38, %div3A_109 : vector<1000x128xf32>
    %dot_general3A_111 = arith.constant dense<0.000000e+00> : vector<1000x128xf32>
    %dot_general3A_112 = tpu.matmul %div3A_110, %get3A_48, %dot_general3A_111 {dimension_numbers = #tpu.dot_dimension_numbers<[1], [0], [0], [1], [0, 0, 1, 1], [], []>, transpose_lhs_hint = false} : vector<1000x128xf32>, vector<128x128xf32>, vector<1000x128xf32> -> vector<1000x128xf32>
    %add3A_113 = vector.broadcast %get3A_45 : vector<1x128xf32> to vector<1000x128xf32>
    %add3A_114 = arith.addf %dot_general3A_112, %add3A_113 : vector<1000x128xf32>
    %sub3A_115 = arith.subf %add3A_114, %mul3A_83 : vector<1000x128xf32>
    %mul3A_116 = arith.constant 5.000000e-01 : f32
    %mul3A_117 = vector.broadcast %mul3A_116 : f32 to vector<1000x128xf32>
    %mul3A_118 = arith.mulf %sub3A_115, %mul3A_117 : vector<1000x128xf32>
    %add3A_119 = arith.addf %mul3A_83, %mul3A_118 : vector<1000x128xf32>
    %sub3A_120 = arith.constant 1.000000e+00 : f32
    %sub3A_121 = vector.broadcast %sub3A_120 : f32 to vector<1000x128xf32>
    %sub3A_122 = arith.subf %add3A_119, %sub3A_121 : vector<1000x128xf32>
    %ge3A_123 = arith.constant 0.000000e+00 : f32
    %ge3A_124 = vector.broadcast %ge3A_123 : f32 to vector<1000x128xf32>
    %ge3A_125 = arith.cmpf oge, %sub3A_122, %ge3A_124 : vector<1000x128xf32>
    %convert_element_type3A_126 = arith.extui %ge3A_125 : vector<1000x128xi1> to vector<1000x128xi32>
    %convert_element_type3A_127 = arith.sitofp %convert_element_type3A_126 : vector<1000x128xi32> to vector<1000x128xf32>
    %sub3A_128 = arith.constant 1.000000e+00 : f32
    %sub3A_129 = vector.broadcast %sub3A_128 : f32 to vector<1000x128xf32>
    %sub3A_130 = arith.subf %sub3A_129, %convert_element_type3A_127 : vector<1000x128xf32>
    %mul3A_131 = arith.mulf %add3A_119, %sub3A_130 : vector<1000x128xf32>
    %dot_general3A_132 = arith.constant dense<0.000000e+00> : vector<1000x128xf32>
    %dot_general3A_133 = tpu.matmul %convert_element_type3A_127, %get3A_51, %dot_general3A_132 {dimension_numbers = #tpu.dot_dimension_numbers<[1], [0], [0], [1], [0, 0, 1, 1], [], []>, transpose_lhs_hint = false} : vector<1000x128xf32>, vector<128x128xf32>, vector<1000x128xf32> -> vector<1000x128xf32>
    %swap3A_134 = arith.constant 1 : index
    %swap3A_135 = arith.constant 0 : index
    %swap3A_136 = arith.constant 0 : index
    %swap3A_137 = vector.load %arg8[%swap3A_134, %swap3A_135, %swap3A_136] : memref<4x1000x128xf32, #tpu.memory_space<vmem>>, vector<1x1000x128xf32>
    %swap3A_138 = vector.shape_cast %swap3A_137 : vector<1x1000x128xf32> to vector<1000x128xf32>
    %swap3A_139 = vector.shape_cast %dot_general3A_133 : vector<1000x128xf32> to vector<1x1000x128xf32>
    tpu.vector_store %arg8[%swap3A_134, %swap3A_135, %swap3A_136], %swap3A_139 {strides = array<i32>} : memref<4x1000x128xf32, #tpu.memory_space<vmem>>, vector<1x1000x128xf32>,
    %mul3A_140 = vector.broadcast %div3A_12 : vector<1000x1xf32> to vector<1000x128xf32>
    %mul3A_141 = arith.mulf %mul3A_140, %dot_general3A_133 : vector<1000x128xf32>
    %swap3A_142 = arith.constant 1 : index
    %swap3A_143 = arith.constant 0 : index
    %swap3A_144 = arith.constant 0 : index
    %swap3A_145 = vector.load %arg9[%swap3A_142, %swap3A_143, %swap3A_144] : memref<4x1000x128xf32, #tpu.memory_space<vmem>>, vector<1x1000x128xf32>
    %swap3A_146 = vector.shape_cast %swap3A_145 : vector<1x1000x128xf32> to vector<1000x128xf32>
    %swap3A_147 = vector.shape_cast %mul3A_141 : vector<1000x128xf32> to vector<1x1000x128xf32>
    tpu.vector_store %arg9[%swap3A_142, %swap3A_143, %swap3A_144], %swap3A_147 {strides = array<i32>} : memref<4x1000x128xf32, #tpu.memory_space<vmem>>, vector<1x1000x128xf32>,
    %mul3A_148 = arith.constant 3.000000e+00 : f32
    %mul3A_149 = vector.broadcast %mul3A_148 : f32 to vector<1000x1xf32>
    %mul3A_150 = arith.mulf %mul3A_149, %broadcast_in_dim3A_42 : vector<1000x1xf32>
    %div3A_151 = arith.constant 3.830000e+02 : f32
    %div3A_152 = vector.broadcast %div3A_151 : f32 to vector<1000x1xf32>
    %div3A_153 = arith.divf %mul3A_150, %div3A_152 : vector<1000x1xf32>
    %sqrt3A_154 = math.sqrt %div3A_153 : vector<1000x1xf32>
    %add3A_155 = arith.constant 9.99999993E-9 : f32
    %add3A_156 = vector.broadcast %add3A_155 : f32 to vector<1000x1xf32>
    %add3A_157 = arith.addf %sqrt3A_154, %add3A_156 : vector<1000x1xf32>
    %div3A_158 = vector.broadcast %add3A_157 : vector<1000x1xf32> to vector<1000x128xf32>
    %div3A_159 = arith.divf %sub3A_38, %div3A_158 : vector<1000x128xf32>
    %dot_general3A_160 = arith.constant dense<0.000000e+00> : vector<1000x128xf32>
    %dot_general3A_161 = tpu.matmul %div3A_159, %get3A_48, %dot_general3A_160 {dimension_numbers = #tpu.dot_dimension_numbers<[1], [0], [0], [1], [0, 0, 1, 1], [], []>, transpose_lhs_hint = false} : vector<1000x128xf32>, vector<128x128xf32>, vector<1000x128xf32> -> vector<1000x128xf32>
    %add3A_162 = vector.broadcast %get3A_45 : vector<1x128xf32> to vector<1000x128xf32>
    %add3A_163 = arith.addf %dot_general3A_161, %add3A_162 : vector<1000x128xf32>
    %sub3A_164 = arith.subf %add3A_163, %mul3A_131 : vector<1000x128xf32>
    %mul3A_165 = arith.constant 5.000000e-01 : f32
    %mul3A_166 = vector.broadcast %mul3A_165 : f32 to vector<1000x128xf32>
    %mul3A_167 = arith.mulf %sub3A_164, %mul3A_166 : vector<1000x128xf32>
    %add3A_168 = arith.addf %mul3A_131, %mul3A_167 : vector<1000x128xf32>
    %sub3A_169 = arith.constant 1.000000e+00 : f32
    %sub3A_170 = vector.broadcast %sub3A_169 : f32 to vector<1000x128xf32>
    %sub3A_171 = arith.subf %add3A_168, %sub3A_170 : vector<1000x128xf32>
    %ge3A_172 = arith.constant 0.000000e+00 : f32
    %ge3A_173 = vector.broadcast %ge3A_172 : f32 to vector<1000x128xf32>
    %ge3A_174 = arith.cmpf oge, %sub3A_171, %ge3A_173 : vector<1000x128xf32>
    %convert_element_type3A_175 = arith.extui %ge3A_174 : vector<1000x128xi1> to vector<1000x128xi32>
    %convert_element_type3A_176 = arith.sitofp %convert_element_type3A_175 : vector<1000x128xi32> to vector<1000x128xf32>
    %sub3A_177 = arith.constant 1.000000e+00 : f32
    %sub3A_178 = vector.broadcast %sub3A_177 : f32 to vector<1000x128xf32>
    %sub3A_179 = arith.subf %sub3A_178, %convert_element_type3A_176 : vector<1000x128xf32>
    %mul3A_180 = arith.mulf %add3A_168, %sub3A_179 : vector<1000x128xf32>
    %dot_general3A_181 = arith.constant dense<0.000000e+00> : vector<1000x128xf32>
    %dot_general3A_182 = tpu.matmul %convert_element_type3A_176, %get3A_51, %dot_general3A_181 {dimension_numbers = #tpu.dot_dimension_numbers<[1], [0], [0], [1], [0, 0, 1, 1], [], []>, transpose_lhs_hint = false} : vector<1000x128xf32>, vector<128x128xf32>, vector<1000x128xf32> -> vector<1000x128xf32>
    %swap3A_183 = arith.constant 2 : index
    %swap3A_184 = arith.constant 0 : index
    %swap3A_185 = arith.constant 0 : index
    %swap3A_186 = vector.load %arg8[%swap3A_183, %swap3A_184, %swap3A_185] : memref<4x1000x128xf32, #tpu.memory_space<vmem>>, vector<1x1000x128xf32>
    %swap3A_187 = vector.shape_cast %swap3A_186 : vector<1x1000x128xf32> to vector<1000x128xf32>
    %swap3A_188 = vector.shape_cast %dot_general3A_182 : vector<1000x128xf32> to vector<1x1000x128xf32>
    tpu.vector_store %arg8[%swap3A_183, %swap3A_184, %swap3A_185], %swap3A_188 {strides = array<i32>} : memref<4x1000x128xf32, #tpu.memory_space<vmem>>, vector<1x1000x128xf32>,
    %mul3A_189 = vector.broadcast %div3A_12 : vector<1000x1xf32> to vector<1000x128xf32>
    %mul3A_190 = arith.mulf %mul3A_189, %dot_general3A_182 : vector<1000x128xf32>
    %swap3A_191 = arith.constant 2 : index
    %swap3A_192 = arith.constant 0 : index
    %swap3A_193 = arith.constant 0 : index
    %swap3A_194 = vector.load %arg9[%swap3A_191, %swap3A_192, %swap3A_193] : memref<4x1000x128xf32, #tpu.memory_space<vmem>>, vector<1x1000x128xf32>
    %swap3A_195 = vector.shape_cast %swap3A_194 : vector<1x1000x128xf32> to vector<1000x128xf32>
    %swap3A_196 = vector.shape_cast %mul3A_190 : vector<1000x128xf32> to vector<1x1000x128xf32>
    tpu.vector_store %arg9[%swap3A_191, %swap3A_192, %swap3A_193], %swap3A_196 {strides = array<i32>} : memref<4x1000x128xf32, #tpu.memory_space<vmem>>, vector<1x1000x128xf32>,
    %mul3A_197 = arith.constant 4.000000e+00 : f32
    %mul3A_198 = vector.broadcast %mul3A_197 : f32 to vector<1000x1xf32>
    %mul3A_199 = arith.mulf %mul3A_198, %broadcast_in_dim3A_42 : vector<1000x1xf32>
    %div3A_200 = arith.constant 5.110000e+02 : f32
    %div3A_201 = vector.broadcast %div3A_200 : f32 to vector<1000x1xf32>
    %div3A_202 = arith.divf %mul3A_199, %div3A_201 : vector<1000x1xf32>
    %sqrt3A_203 = math.sqrt %div3A_202 : vector<1000x1xf32>
    %add3A_204 = arith.constant 9.99999993E-9 : f32
    %add3A_205 = vector.broadcast %add3A_204 : f32 to vector<1000x1xf32>
    %add3A_206 = arith.addf %sqrt3A_203, %add3A_205 : vector<1000x1xf32>
    %div3A_207 = vector.broadcast %add3A_206 : vector<1000x1xf32> to vector<1000x128xf32>
    %div3A_208 = arith.divf %sub3A_38, %div3A_207 : vector<1000x128xf32>
    %dot_general3A_209 = arith.constant dense<0.000000e+00> : vector<1000x128xf32>
    %dot_general3A_210 = tpu.matmul %div3A_208, %get3A_48, %dot_general3A_209 {dimension_numbers = #tpu.dot_dimension_numbers<[1], [0], [0], [1], [0, 0, 1, 1], [], []>, transpose_lhs_hint = false} : vector<1000x128xf32>, vector<128x128xf32>, vector<1000x128xf32> -> vector<1000x128xf32>
    %add3A_211 = vector.broadcast %get3A_45 : vector<1x128xf32> to vector<1000x128xf32>
    %add3A_212 = arith.addf %dot_general3A_210, %add3A_211 : vector<1000x128xf32>
    %sub3A_213 = arith.subf %add3A_212, %mul3A_180 : vector<1000x128xf32>
    %mul3A_214 = arith.constant 5.000000e-01 : f32
    %mul3A_215 = vector.broadcast %mul3A_214 : f32 to vector<1000x128xf32>
    %mul3A_216 = arith.mulf %sub3A_213, %mul3A_215 : vector<1000x128xf32>
    %add3A_217 = arith.addf %mul3A_180, %mul3A_216 : vector<1000x128xf32>
    %sub3A_218 = arith.constant 1.000000e+00 : f32
    %sub3A_219 = vector.broadcast %sub3A_218 : f32 to vector<1000x128xf32>
    %sub3A_220 = arith.subf %add3A_217, %sub3A_219 : vector<1000x128xf32>
    %ge3A_221 = arith.constant 0.000000e+00 : f32
    %ge3A_222 = vector.broadcast %ge3A_221 : f32 to vector<1000x128xf32>
    %ge3A_223 = arith.cmpf oge, %sub3A_220, %ge3A_222 : vector<1000x128xf32>
    %convert_element_type3A_224 = arith.extui %ge3A_223 : vector<1000x128xi1> to vector<1000x128xi32>
    %convert_element_type3A_225 = arith.sitofp %convert_element_type3A_224 : vector<1000x128xi32> to vector<1000x128xf32>
    %dot_general3A_226 = arith.constant dense<0.000000e+00> : vector<1000x128xf32>
    %dot_general3A_227 = tpu.matmul %convert_element_type3A_225, %get3A_51, %dot_general3A_226 {dimension_numbers = #tpu.dot_dimension_numbers<[1], [0], [0], [1], [0, 0, 1, 1], [], []>, transpose_lhs_hint = false} : vector<1000x128xf32>, vector<128x128xf32>, vector<1000x128xf32> -> vector<1000x128xf32>
    %swap3A_228 = arith.constant 3 : index
    %swap3A_229 = arith.constant 0 : index
    %swap3A_230 = arith.constant 0 : index
    %swap3A_231 = vector.load %arg8[%swap3A_228, %swap3A_229, %swap3A_230] : memref<4x1000x128xf32, #tpu.memory_space<vmem>>, vector<1x1000x128xf32>
    %swap3A_232 = vector.shape_cast %swap3A_231 : vector<1x1000x128xf32> to vector<1000x128xf32>
    %swap3A_233 = vector.shape_cast %dot_general3A_227 : vector<1000x128xf32> to vector<1x1000x128xf32>
    tpu.vector_store %arg8[%swap3A_228, %swap3A_229, %swap3A_230], %swap3A_233 {strides = array<i32>} : memref<4x1000x128xf32, #tpu.memory_space<vmem>>, vector<1x1000x128xf32>,
    %mul3A_234 = vector.broadcast %div3A_12 : vector<1000x1xf32> to vector<1000x128xf32>
    %mul3A_235 = arith.mulf %mul3A_234, %dot_general3A_227 : vector<1000x128xf32>
    %swap3A_236 = arith.constant 3 : index
    %swap3A_237 = arith.constant 0 : index
    %swap3A_238 = arith.constant 0 : index
    %swap3A_239 = vector.load %arg9[%swap3A_236, %swap3A_237, %swap3A_238] : memref<4x1000x128xf32, #tpu.memory_space<vmem>>, vector<1x1000x128xf32>
    %swap3A_240 = vector.shape_cast %swap3A_239 : vector<1x1000x128xf32> to vector<1000x128xf32>
    %swap3A_241 = vector.shape_cast %mul3A_235 : vector<1000x128xf32> to vector<1x1000x128xf32>
    tpu.vector_store %arg9[%swap3A_236, %swap3A_237, %swap3A_238], %swap3A_241 {strides = array<i32>} : memref<4x1000x128xf32, #tpu.memory_space<vmem>>, vector<1x1000x128xf32>,
    return
  }
  func.func @transform_0(%arg0: i32) -> (i32, i32) {
    %c0_i32 = arith.constant 0 : i32
    %c0_i32_0 = arith.constant 0 : i32
    return %arg0, %c0_i32 : i32, i32
  }
  func.func @transform_1(%arg0: i32) -> (i32, i32, i32) {
    %c0_i32 = arith.constant 0 : i32
    %c0_i32_0 = arith.constant 0 : i32
    %c0_i32_1 = arith.constant 0 : i32
    return %c0_i32, %arg0, %c0_i32_0 : i32, i32, i32
  }
  func.func @transform_2(%arg0: i32) -> (i32, i32, i32) {
    %c0_i32 = arith.constant 0 : i32
    %c0_i32_0 = arith.constant 0 : i32
    %c0_i32_1 = arith.constant 0 : i32
    return %c0_i32, %arg0, %c0_i32_0 : i32, i32, i32
  }
  func.func @transform_3(%arg0: i32) -> (i32, i32) {
    %c0_i32 = arith.constant 0 : i32
    %c0_i32_0 = arith.constant 0 : i32
    %c0_i32_1 = arith.constant 0 : i32
    return %c0_i32, %c0_i32_0 : i32, i32
  }
  func.func @transform_4(%arg0: i32) -> (i32, i32) {
    %c0_i32 = arith.constant 0 : i32
    %c0_i32_0 = arith.constant 0 : i32
    %c0_i32_1 = arith.constant 0 : i32
    return %c0_i32, %c0_i32_0 : i32, i32
  }
  func.func @transform_5(%arg0: i32) -> (i32, i32) {
    %c0_i32 = arith.constant 0 : i32
    %c0_i32_0 = arith.constant 0 : i32
    %c0_i32_1 = arith.constant 0 : i32
    return %c0_i32, %c0_i32_0 : i32, i32
  }
  func.func @transform_6(%arg0: i32) -> (i32, i32) {
    %c0_i32 = arith.constant 0 : i32
    %c0_i32_0 = arith.constant 0 : i32
    %c0_i32_1 = arith.constant 0 : i32
    return %c0_i32, %c0_i32_0 : i32, i32
  }
  func.func @transform_7(%arg0: i32) -> (i32, i32, i32) {
    %c0_i32 = arith.constant 0 : i32
    %c0_i32_0 = arith.constant 0 : i32
    %c0_i32_1 = arith.constant 0 : i32
    return %c0_i32, %arg0, %c0_i32_0 : i32, i32, i32
  }
  func.func @transform_8(%arg0: i32) -> (i32, i32, i32) {
    %c0_i32 = arith.constant 0 : i32
    %c0_i32_0 = arith.constant 0 : i32
    %c0_i32_1 = arith.constant 0 : i32
    return %c0_i32, %arg0, %c0_i32_0 : i32, i32, i32
  }
}

module attributes {stable_mosaic.version = 14 : i64} {
  func.func @_right_body(%arg0: i32, %arg1: memref<4x2x1000x128xf32, #tpu.memory_space<vmem>>, %arg2: memref<2x1000x16xf32, #tpu.memory_space<vmem>>, %arg3: memref<4x1000x128xf32, #tpu.memory_space<vmem>>, %arg4: memref<1x128xf32, #tpu.memory_space<vmem>>, %arg5: memref<128x128xf32, #tpu.memory_space<vmem>>, %arg6: memref<1x128xf32, #tpu.memory_space<vmem>>, %arg7: memref<1000x128xf32, #tpu.memory_space<vmem>>) attributes {dimension_semantics = [#tpu.dimension_semantics<arbitrary>], iteration_bounds = array<i64: 10>, scalar_prefetch = 0 : i64, scratch_operands = 0 : i64, tpu.core_type = #tpu.core_type<tc>, window_params = [{transform_indices = @transform_0, window_bounds = array<i64: 4, 2, 1000, 128>}, {transform_indices = @transform_1, window_bounds = array<i64: 2, 1000, 16>}, {transform_indices = @transform_2, window_bounds = array<i64: 4, 1000, 128>}, {pipeline_mode = #tpu.pipeline_mode<synchronous>, transform_indices = @transform_3, window_bounds = array<i64: 1, 128>}, {pipeline_mode = #tpu.pipeline_mode<synchronous>, transform_indices = @transform_4, window_bounds = array<i64: 128, 128>}, {pipeline_mode = #tpu.pipeline_mode<synchronous>, transform_indices = @transform_5, window_bounds = array<i64: 1, 128>}, {transform_indices = @transform_6, window_bounds = array<i64: 1000, 128>}]} {
    %get3A = arith.constant 0 : index
    %get3A_0 = arith.constant 0 : index
    %get3A_1 = arith.constant 0 : index
    %get3A_2 = vector.load %arg2[%get3A, %get3A_0, %get3A_1] : memref<2x1000x16xf32, #tpu.memory_space<vmem>>, vector<2x1000x16xf32>
    %slice3A = vector.extract_strided_slice %get3A_2 {offsets = [0, 0, 0], sizes = [1, 1000, 1], strides = [1, 1, 1]} : vector<2x1000x16xf32> to vector<1x1000x1xf32>
    %squeeze3A = vector.shape_cast %slice3A : vector<1x1000x1xf32> to vector<1000x1xf32>
    %slice3A_3 = vector.extract_strided_slice %get3A_2 {offsets = [1, 0, 0], sizes = [1, 1000, 1], strides = [1, 1, 1]} : vector<2x1000x16xf32> to vector<1x1000x1xf32>
    %squeeze3A_4 = vector.shape_cast %slice3A_3 : vector<1x1000x1xf32> to vector<1000x1xf32>
    %add3A = arith.addf %squeeze3A, %squeeze3A_4 : vector<1000x1xf32>
    %add3A_5 = arith.constant 1.000000e+00 : f32
    %add3A_6 = vector.broadcast %add3A_5 : f32 to vector<1000x1xf32>
    %add3A_7 = arith.addf %add3A, %add3A_6 : vector<1000x1xf32>
    %sqrt3A = math.sqrt %add3A_7 : vector<1000x1xf32>
    %div3A = arith.constant 1.000000e+00 : f32
    %div3A_8 = vector.broadcast %div3A : f32 to vector<1000x1xf32>
    %div3A_9 = arith.divf %div3A_8, %sqrt3A : vector<1000x1xf32>
    %mul3A = arith.mulf %div3A_9, %div3A_9 : vector<1000x1xf32>
    %get3A_10 = arith.constant 0 : index
    %get3A_11 = arith.constant 0 : index
    %get3A_12 = vector.load %arg4[%get3A_10, %get3A_11] : memref<1x128xf32, #tpu.memory_space<vmem>>, vector<1x128xf32>
    %get3A_13 = arith.constant 0 : index
    %get3A_14 = arith.constant 0 : index
    %get3A_15 = vector.load %arg5[%get3A_13, %get3A_14] : memref<128x128xf32, #tpu.memory_space<vmem>>, vector<128x128xf32>
    %get3A_16 = arith.constant 0 : index
    %get3A_17 = arith.constant 0 : index
    %get3A_18 = vector.load %arg6[%get3A_16, %get3A_17] : memref<1x128xf32, #tpu.memory_space<vmem>>, vector<1x128xf32>
    %get3A_19 = arith.constant 0 : index
    %get3A_20 = arith.constant 0 : index
    %get3A_21 = arith.constant 0 : index
    %get3A_22 = arith.constant 0 : index
    %get3A_23 = vector.load %arg1[%get3A_19, %get3A_20, %get3A_21, %get3A_22] : memref<4x2x1000x128xf32, #tpu.memory_space<vmem>>, vector<1x1x1000x128xf32>
    %get3A_24 = vector.shape_cast %get3A_23 : vector<1x1x1000x128xf32> to vector<1000x128xf32>
    %get3A_25 = arith.constant 0 : index
    %get3A_26 = arith.constant 1 : index
    %get3A_27 = arith.constant 0 : index
    %get3A_28 = arith.constant 0 : index
    %get3A_29 = vector.load %arg1[%get3A_25, %get3A_26, %get3A_27, %get3A_28] : memref<4x2x1000x128xf32, #tpu.memory_space<vmem>>, vector<1x1x1000x128xf32>
    %get3A_30 = vector.shape_cast %get3A_29 : vector<1x1x1000x128xf32> to vector<1000x128xf32>
    %add3A_31 = arith.addf %get3A_24, %get3A_30 : vector<1000x128xf32>
    %mul3A_32 = vector.broadcast %div3A_9 : vector<1000x1xf32> to vector<1000x128xf32>
    %mul3A_33 = arith.mulf %mul3A_32, %add3A_31 : vector<1000x128xf32>
    %get3A_34 = arith.constant 0 : index
    %get3A_35 = arith.constant 0 : index
    %get3A_36 = arith.constant 0 : index
    %get3A_37 = vector.load %arg3[%get3A_34, %get3A_35, %get3A_36] : memref<4x1000x128xf32, #tpu.memory_space<vmem>>, vector<1x1000x128xf32>
    %get3A_38 = vector.shape_cast %get3A_37 : vector<1x1000x128xf32> to vector<1000x128xf32>
    %mul3A_39 = vector.broadcast %mul3A : vector<1000x1xf32> to vector<1000x128xf32>
    %mul3A_40 = arith.mulf %mul3A_39, %get3A_38 : vector<1000x128xf32>
    %add3A_41 = arith.addf %mul3A_33, %mul3A_40 : vector<1000x128xf32>
    %add3A_42 = vector.broadcast %get3A_12 : vector<1x128xf32> to vector<1000x128xf32>
    %add3A_43 = arith.addf %add3A_41, %add3A_42 : vector<1000x128xf32>
    %get3A_44 = arith.constant 1 : index
    %get3A_45 = arith.constant 0 : index
    %get3A_46 = arith.constant 0 : index
    %get3A_47 = arith.constant 0 : index
    %get3A_48 = vector.load %arg1[%get3A_44, %get3A_45, %get3A_46, %get3A_47] : memref<4x2x1000x128xf32, #tpu.memory_space<vmem>>, vector<1x1x1000x128xf32>
    %get3A_49 = vector.shape_cast %get3A_48 : vector<1x1x1000x128xf32> to vector<1000x128xf32>
    %get3A_50 = arith.constant 1 : index
    %get3A_51 = arith.constant 1 : index
    %get3A_52 = arith.constant 0 : index
    %get3A_53 = arith.constant 0 : index
    %get3A_54 = vector.load %arg1[%get3A_50, %get3A_51, %get3A_52, %get3A_53] : memref<4x2x1000x128xf32, #tpu.memory_space<vmem>>, vector<1x1x1000x128xf32>
    %get3A_55 = vector.shape_cast %get3A_54 : vector<1x1x1000x128xf32> to vector<1000x128xf32>
    %add3A_56 = arith.addf %get3A_49, %get3A_55 : vector<1000x128xf32>
    %mul3A_57 = vector.broadcast %div3A_9 : vector<1000x1xf32> to vector<1000x128xf32>
    %mul3A_58 = arith.mulf %mul3A_57, %add3A_56 : vector<1000x128xf32>
    %get3A_59 = arith.constant 1 : index
    %get3A_60 = arith.constant 0 : index
    %get3A_61 = arith.constant 0 : index
    %get3A_62 = vector.load %arg3[%get3A_59, %get3A_60, %get3A_61] : memref<4x1000x128xf32, #tpu.memory_space<vmem>>, vector<1x1000x128xf32>
    %get3A_63 = vector.shape_cast %get3A_62 : vector<1x1000x128xf32> to vector<1000x128xf32>
    %mul3A_64 = vector.broadcast %mul3A : vector<1000x1xf32> to vector<1000x128xf32>
    %mul3A_65 = arith.mulf %mul3A_64, %get3A_63 : vector<1000x128xf32>
    %add3A_66 = arith.addf %mul3A_58, %mul3A_65 : vector<1000x128xf32>
    %add3A_67 = vector.broadcast %get3A_12 : vector<1x128xf32> to vector<1000x128xf32>
    %add3A_68 = arith.addf %add3A_66, %add3A_67 : vector<1000x128xf32>
    %get3A_69 = arith.constant 2 : index
    %get3A_70 = arith.constant 0 : index
    %get3A_71 = arith.constant 0 : index
    %get3A_72 = arith.constant 0 : index
    %get3A_73 = vector.load %arg1[%get3A_69, %get3A_70, %get3A_71, %get3A_72] : memref<4x2x1000x128xf32, #tpu.memory_space<vmem>>, vector<1x1x1000x128xf32>
    %get3A_74 = vector.shape_cast %get3A_73 : vector<1x1x1000x128xf32> to vector<1000x128xf32>
    %get3A_75 = arith.constant 2 : index
    %get3A_76 = arith.constant 1 : index
    %get3A_77 = arith.constant 0 : index
    %get3A_78 = arith.constant 0 : index
    %get3A_79 = vector.load %arg1[%get3A_75, %get3A_76, %get3A_77, %get3A_78] : memref<4x2x1000x128xf32, #tpu.memory_space<vmem>>, vector<1x1x1000x128xf32>
    %get3A_80 = vector.shape_cast %get3A_79 : vector<1x1x1000x128xf32> to vector<1000x128xf32>
    %add3A_81 = arith.addf %get3A_74, %get3A_80 : vector<1000x128xf32>
    %mul3A_82 = vector.broadcast %div3A_9 : vector<1000x1xf32> to vector<1000x128xf32>
    %mul3A_83 = arith.mulf %mul3A_82, %add3A_81 : vector<1000x128xf32>
    %get3A_84 = arith.constant 2 : index
    %get3A_85 = arith.constant 0 : index
    %get3A_86 = arith.constant 0 : index
    %get3A_87 = vector.load %arg3[%get3A_84, %get3A_85, %get3A_86] : memref<4x1000x128xf32, #tpu.memory_space<vmem>>, vector<1x1000x128xf32>
    %get3A_88 = vector.shape_cast %get3A_87 : vector<1x1000x128xf32> to vector<1000x128xf32>
    %mul3A_89 = vector.broadcast %mul3A : vector<1000x1xf32> to vector<1000x128xf32>
    %mul3A_90 = arith.mulf %mul3A_89, %get3A_88 : vector<1000x128xf32>
    %add3A_91 = arith.addf %mul3A_83, %mul3A_90 : vector<1000x128xf32>
    %add3A_92 = vector.broadcast %get3A_12 : vector<1x128xf32> to vector<1000x128xf32>
    %add3A_93 = arith.addf %add3A_91, %add3A_92 : vector<1000x128xf32>
    %get3A_94 = arith.constant 3 : index
    %get3A_95 = arith.constant 0 : index
    %get3A_96 = arith.constant 0 : index
    %get3A_97 = arith.constant 0 : index
    %get3A_98 = vector.load %arg1[%get3A_94, %get3A_95, %get3A_96, %get3A_97] : memref<4x2x1000x128xf32, #tpu.memory_space<vmem>>, vector<1x1x1000x128xf32>
    %get3A_99 = vector.shape_cast %get3A_98 : vector<1x1x1000x128xf32> to vector<1000x128xf32>
    %get3A_100 = arith.constant 3 : index
    %get3A_101 = arith.constant 1 : index
    %get3A_102 = arith.constant 0 : index
    %get3A_103 = arith.constant 0 : index
    %get3A_104 = vector.load %arg1[%get3A_100, %get3A_101, %get3A_102, %get3A_103] : memref<4x2x1000x128xf32, #tpu.memory_space<vmem>>, vector<1x1x1000x128xf32>
    %get3A_105 = vector.shape_cast %get3A_104 : vector<1x1x1000x128xf32> to vector<1000x128xf32>
    %add3A_106 = arith.addf %get3A_99, %get3A_105 : vector<1000x128xf32>
    %mul3A_107 = vector.broadcast %div3A_9 : vector<1000x1xf32> to vector<1000x128xf32>
    %mul3A_108 = arith.mulf %mul3A_107, %add3A_106 : vector<1000x128xf32>
    %get3A_109 = arith.constant 3 : index
    %get3A_110 = arith.constant 0 : index
    %get3A_111 = arith.constant 0 : index
    %get3A_112 = vector.load %arg3[%get3A_109, %get3A_110, %get3A_111] : memref<4x1000x128xf32, #tpu.memory_space<vmem>>, vector<1x1000x128xf32>
    %get3A_113 = vector.shape_cast %get3A_112 : vector<1x1000x128xf32> to vector<1000x128xf32>
    %mul3A_114 = vector.broadcast %mul3A : vector<1000x1xf32> to vector<1000x128xf32>
    %mul3A_115 = arith.mulf %mul3A_114, %get3A_113 : vector<1000x128xf32>
    %add3A_116 = arith.addf %mul3A_108, %mul3A_115 : vector<1000x128xf32>
    %add3A_117 = vector.broadcast %get3A_12 : vector<1x128xf32> to vector<1000x128xf32>
    %add3A_118 = arith.addf %add3A_116, %add3A_117 : vector<1000x128xf32>
    %broadcast_in_dim3A = arith.constant 0.000000e+00 : f32
    %broadcast_in_dim3A_119 = vector.broadcast %broadcast_in_dim3A : f32 to vector<1000x128xf32>
    %broadcast_in_dim3A_120 = arith.constant 0.000000e+00 : f32
    %broadcast_in_dim3A_121 = vector.broadcast %broadcast_in_dim3A_120 : f32 to vector<1000x128xf32>
    %broadcast_in_dim3A_122 = arith.constant 0.000000e+00 : f32
    %broadcast_in_dim3A_123 = vector.broadcast %broadcast_in_dim3A_122 : f32 to vector<1000x1xf32>
    %reduce_sum3A = arith.constant dense<0.000000e+00> : vector<1000xf32>
    %reduce_sum3A_124 = vector.multi_reduction <add>, %add3A_43, %reduce_sum3A [1] : vector<1000x128xf32> to vector<1000xf32>
    %broadcast_in_dim3A_125 = vector.shape_cast %reduce_sum3A_124 : vector<1000xf32> to vector<1000x1xf32>
    %add3A_126 = arith.addf %broadcast_in_dim3A_123, %broadcast_in_dim3A_125 : vector<1000x1xf32>
    %div3A_127 = arith.constant 1.280000e+02 : f32
    %div3A_128 = vector.broadcast %div3A_127 : f32 to vector<1000x1xf32>
    %div3A_129 = arith.divf %add3A_126, %div3A_128 : vector<1000x1xf32>
    %broadcast_in_dim3A_130 = arith.constant 0.000000e+00 : f32
    %broadcast_in_dim3A_131 = vector.broadcast %broadcast_in_dim3A_130 : f32 to vector<1000x1xf32>
    %sub3A = vector.broadcast %div3A_129 : vector<1000x1xf32> to vector<1000x128xf32>
    %sub3A_132 = arith.subf %add3A_43, %sub3A : vector<1000x128xf32>
    %mul3A_133 = arith.mulf %sub3A_132, %sub3A_132 : vector<1000x128xf32>
    %reduce_sum3A_134 = arith.constant dense<0.000000e+00> : vector<1000xf32>
    %reduce_sum3A_135 = vector.multi_reduction <add>, %mul3A_133, %reduce_sum3A_134 [1] : vector<1000x128xf32> to vector<1000xf32>
    %broadcast_in_dim3A_136 = vector.shape_cast %reduce_sum3A_135 : vector<1000xf32> to vector<1000x1xf32>
    %add3A_137 = arith.addf %broadcast_in_dim3A_131, %broadcast_in_dim3A_136 : vector<1000x1xf32>
    %div3A_138 = arith.constant 1.270000e+02 : f32
    %div3A_139 = vector.broadcast %div3A_138 : f32 to vector<1000x1xf32>
    %div3A_140 = arith.divf %add3A_137, %div3A_139 : vector<1000x1xf32>
    %sqrt3A_141 = math.sqrt %div3A_140 : vector<1000x1xf32>
    %sub3A_142 = vector.broadcast %div3A_129 : vector<1000x1xf32> to vector<1000x128xf32>
    %sub3A_143 = arith.subf %add3A_43, %sub3A_142 : vector<1000x128xf32>
    %add3A_144 = arith.constant 9.99999993E-9 : f32
    %add3A_145 = vector.broadcast %add3A_144 : f32 to vector<1000x1xf32>
    %add3A_146 = arith.addf %sqrt3A_141, %add3A_145 : vector<1000x1xf32>
    %div3A_147 = vector.broadcast %add3A_146 : vector<1000x1xf32> to vector<1000x128xf32>
    %div3A_148 = arith.divf %sub3A_143, %div3A_147 : vector<1000x128xf32>
    %dot_general3A = arith.constant dense<0.000000e+00> : vector<1000x128xf32>
    %dot_general3A_149 = tpu.matmul %div3A_148, %get3A_15, %dot_general3A {dimension_numbers = #tpu.dot_dimension_numbers<[1], [0], [0], [1], [0, 0, 1, 1], [], []>, transpose_lhs_hint = false} : vector<1000x128xf32>, vector<128x128xf32>, vector<1000x128xf32> -> vector<1000x128xf32>
    %add3A_150 = vector.broadcast %get3A_18 : vector<1x128xf32> to vector<1000x128xf32>
    %add3A_151 = arith.addf %dot_general3A_149, %add3A_150 : vector<1000x128xf32>
    %sub3A_152 = arith.subf %add3A_151, %broadcast_in_dim3A_119 : vector<1000x128xf32>
    %mul3A_153 = arith.constant 5.000000e-01 : f32
    %mul3A_154 = vector.broadcast %mul3A_153 : f32 to vector<1000x128xf32>
    %mul3A_155 = arith.mulf %sub3A_152, %mul3A_154 : vector<1000x128xf32>
    %add3A_156 = arith.addf %broadcast_in_dim3A_119, %mul3A_155 : vector<1000x128xf32>
    %sub3A_157 = arith.constant 1.000000e+00 : f32
    %sub3A_158 = vector.broadcast %sub3A_157 : f32 to vector<1000x128xf32>
    %sub3A_159 = arith.subf %add3A_156, %sub3A_158 : vector<1000x128xf32>
    %ge3A = arith.constant 0.000000e+00 : f32
    %ge3A_160 = vector.broadcast %ge3A : f32 to vector<1000x128xf32>
    %ge3A_161 = arith.cmpf oge, %sub3A_159, %ge3A_160 : vector<1000x128xf32>
    %convert_element_type3A = arith.extui %ge3A_161 : vector<1000x128xi1> to vector<1000x128xi32>
    %convert_element_type3A_162 = arith.sitofp %convert_element_type3A : vector<1000x128xi32> to vector<1000x128xf32>
    %sub3A_163 = arith.constant 1.000000e+00 : f32
    %sub3A_164 = vector.broadcast %sub3A_163 : f32 to vector<1000x128xf32>
    %sub3A_165 = arith.subf %sub3A_164, %convert_element_type3A_162 : vector<1000x128xf32>
    %mul3A_166 = arith.mulf %add3A_156, %sub3A_165 : vector<1000x128xf32>
    %add3A_167 = arith.addf %broadcast_in_dim3A_121, %convert_element_type3A_162 : vector<1000x128xf32>
    %reduce_sum3A_168 = arith.constant dense<0.000000e+00> : vector<1000xf32>
    %reduce_sum3A_169 = vector.multi_reduction <add>, %add3A_68, %reduce_sum3A_168 [1] : vector<1000x128xf32> to vector<1000xf32>
    %broadcast_in_dim3A_170 = vector.shape_cast %reduce_sum3A_169 : vector<1000xf32> to vector<1000x1xf32>
    %add3A_171 = arith.addf %add3A_126, %broadcast_in_dim3A_170 : vector<1000x1xf32>
    %div3A_172 = arith.constant 2.560000e+02 : f32
    %div3A_173 = vector.broadcast %div3A_172 : f32 to vector<1000x1xf32>
    %div3A_174 = arith.divf %add3A_171, %div3A_173 : vector<1000x1xf32>
    %broadcast_in_dim3A_175 = arith.constant 0.000000e+00 : f32
    %broadcast_in_dim3A_176 = vector.broadcast %broadcast_in_dim3A_175 : f32 to vector<1000x1xf32>
    %sub3A_177 = vector.broadcast %div3A_174 : vector<1000x1xf32> to vector<1000x128xf32>
    %sub3A_178 = arith.subf %add3A_43, %sub3A_177 : vector<1000x128xf32>
    %mul3A_179 = arith.mulf %sub3A_178, %sub3A_178 : vector<1000x128xf32>
    %reduce_sum3A_180 = arith.constant dense<0.000000e+00> : vector<1000xf32>
    %reduce_sum3A_181 = vector.multi_reduction <add>, %mul3A_179, %reduce_sum3A_180 [1] : vector<1000x128xf32> to vector<1000xf32>
    %broadcast_in_dim3A_182 = vector.shape_cast %reduce_sum3A_181 : vector<1000xf32> to vector<1000x1xf32>
    %add3A_183 = arith.addf %broadcast_in_dim3A_176, %broadcast_in_dim3A_182 : vector<1000x1xf32>
    %sub3A_184 = vector.broadcast %div3A_174 : vector<1000x1xf32> to vector<1000x128xf32>
    %sub3A_185 = arith.subf %add3A_68, %sub3A_184 : vector<1000x128xf32>
    %mul3A_186 = arith.mulf %sub3A_185, %sub3A_185 : vector<1000x128xf32>
    %reduce_sum3A_187 = arith.constant dense<0.000000e+00> : vector<1000xf32>
    %reduce_sum3A_188 = vector.multi_reduction <add>, %mul3A_186, %reduce_sum3A_187 [1] : vector<1000x128xf32> to vector<1000xf32>
    %broadcast_in_dim3A_189 = vector.shape_cast %reduce_sum3A_188 : vector<1000xf32> to vector<1000x1xf32>
    %add3A_190 = arith.addf %add3A_183, %broadcast_in_dim3A_189 : vector<1000x1xf32>
    %div3A_191 = arith.constant 2.550000e+02 : f32
    %div3A_192 = vector.broadcast %div3A_191 : f32 to vector<1000x1xf32>
    %div3A_193 = arith.divf %add3A_190, %div3A_192 : vector<1000x1xf32>
    %sqrt3A_194 = math.sqrt %div3A_193 : vector<1000x1xf32>
    %sub3A_195 = vector.broadcast %div3A_174 : vector<1000x1xf32> to vector<1000x128xf32>
    %sub3A_196 = arith.subf %add3A_68, %sub3A_195 : vector<1000x128xf32>
    %add3A_197 = arith.constant 9.99999993E-9 : f32
    %add3A_198 = vector.broadcast %add3A_197 : f32 to vector<1000x1xf32>
    %add3A_199 = arith.addf %sqrt3A_194, %add3A_198 : vector<1000x1xf32>
    %div3A_200 = vector.broadcast %add3A_199 : vector<1000x1xf32> to vector<1000x128xf32>
    %div3A_201 = arith.divf %sub3A_196, %div3A_200 : vector<1000x128xf32>
    %dot_general3A_202 = arith.constant dense<0.000000e+00> : vector<1000x128xf32>
    %dot_general3A_203 = tpu.matmul %div3A_201, %get3A_15, %dot_general3A_202 {dimension_numbers = #tpu.dot_dimension_numbers<[1], [0], [0], [1], [0, 0, 1, 1], [], []>, transpose_lhs_hint = false} : vector<1000x128xf32>, vector<128x128xf32>, vector<1000x128xf32> -> vector<1000x128xf32>
    %add3A_204 = vector.broadcast %get3A_18 : vector<1x128xf32> to vector<1000x128xf32>
    %add3A_205 = arith.addf %dot_general3A_203, %add3A_204 : vector<1000x128xf32>
    %sub3A_206 = arith.subf %add3A_205, %mul3A_166 : vector<1000x128xf32>
    %mul3A_207 = arith.constant 5.000000e-01 : f32
    %mul3A_208 = vector.broadcast %mul3A_207 : f32 to vector<1000x128xf32>
    %mul3A_209 = arith.mulf %sub3A_206, %mul3A_208 : vector<1000x128xf32>
    %add3A_210 = arith.addf %mul3A_166, %mul3A_209 : vector<1000x128xf32>
    %sub3A_211 = arith.constant 1.000000e+00 : f32
    %sub3A_212 = vector.broadcast %sub3A_211 : f32 to vector<1000x128xf32>
    %sub3A_213 = arith.subf %add3A_210, %sub3A_212 : vector<1000x128xf32>
    %ge3A_214 = arith.constant 0.000000e+00 : f32
    %ge3A_215 = vector.broadcast %ge3A_214 : f32 to vector<1000x128xf32>
    %ge3A_216 = arith.cmpf oge, %sub3A_213, %ge3A_215 : vector<1000x128xf32>
    %convert_element_type3A_217 = arith.extui %ge3A_216 : vector<1000x128xi1> to vector<1000x128xi32>
    %convert_element_type3A_218 = arith.sitofp %convert_element_type3A_217 : vector<1000x128xi32> to vector<1000x128xf32>
    %sub3A_219 = arith.constant 1.000000e+00 : f32
    %sub3A_220 = vector.broadcast %sub3A_219 : f32 to vector<1000x128xf32>
    %sub3A_221 = arith.subf %sub3A_220, %convert_element_type3A_218 : vector<1000x128xf32>
    %mul3A_222 = arith.mulf %add3A_210, %sub3A_221 : vector<1000x128xf32>
    %add3A_223 = arith.addf %add3A_167, %convert_element_type3A_218 : vector<1000x128xf32>
    %reduce_sum3A_224 = arith.constant dense<0.000000e+00> : vector<1000xf32>
    %reduce_sum3A_225 = vector.multi_reduction <add>, %add3A_93, %reduce_sum3A_224 [1] : vector<1000x128xf32> to vector<1000xf32>
    %broadcast_in_dim3A_226 = vector.shape_cast %reduce_sum3A_225 : vector<1000xf32> to vector<1000x1xf32>
    %add3A_227 = arith.addf %add3A_171, %broadcast_in_dim3A_226 : vector<1000x1xf32>
    %div3A_228 = arith.constant 3.840000e+02 : f32
    %div3A_229 = vector.broadcast %div3A_228 : f32 to vector<1000x1xf32>
    %div3A_230 = arith.divf %add3A_227, %div3A_229 : vector<1000x1xf32>
    %broadcast_in_dim3A_231 = arith.constant 0.000000e+00 : f32
    %broadcast_in_dim3A_232 = vector.broadcast %broadcast_in_dim3A_231 : f32 to vector<1000x1xf32>
    %sub3A_233 = vector.broadcast %div3A_230 : vector<1000x1xf32> to vector<1000x128xf32>
    %sub3A_234 = arith.subf %add3A_43, %sub3A_233 : vector<1000x128xf32>
    %mul3A_235 = arith.mulf %sub3A_234, %sub3A_234 : vector<1000x128xf32>
    %reduce_sum3A_236 = arith.constant dense<0.000000e+00> : vector<1000xf32>
    %reduce_sum3A_237 = vector.multi_reduction <add>, %mul3A_235, %reduce_sum3A_236 [1] : vector<1000x128xf32> to vector<1000xf32>
    %broadcast_in_dim3A_238 = vector.shape_cast %reduce_sum3A_237 : vector<1000xf32> to vector<1000x1xf32>
    %add3A_239 = arith.addf %broadcast_in_dim3A_232, %broadcast_in_dim3A_238 : vector<1000x1xf32>
    %sub3A_240 = vector.broadcast %div3A_230 : vector<1000x1xf32> to vector<1000x128xf32>
    %sub3A_241 = arith.subf %add3A_68, %sub3A_240 : vector<1000x128xf32>
    %mul3A_242 = arith.mulf %sub3A_241, %sub3A_241 : vector<1000x128xf32>
    %reduce_sum3A_243 = arith.constant dense<0.000000e+00> : vector<1000xf32>
    %reduce_sum3A_244 = vector.multi_reduction <add>, %mul3A_242, %reduce_sum3A_243 [1] : vector<1000x128xf32> to vector<1000xf32>
    %broadcast_in_dim3A_245 = vector.shape_cast %reduce_sum3A_244 : vector<1000xf32> to vector<1000x1xf32>
    %add3A_246 = arith.addf %add3A_239, %broadcast_in_dim3A_245 : vector<1000x1xf32>
    %sub3A_247 = vector.broadcast %div3A_230 : vector<1000x1xf32> to vector<1000x128xf32>
    %sub3A_248 = arith.subf %add3A_93, %sub3A_247 : vector<1000x128xf32>
    %mul3A_249 = arith.mulf %sub3A_248, %sub3A_248 : vector<1000x128xf32>
    %reduce_sum3A_250 = arith.constant dense<0.000000e+00> : vector<1000xf32>
    %reduce_sum3A_251 = vector.multi_reduction <add>, %mul3A_249, %reduce_sum3A_250 [1] : vector<1000x128xf32> to vector<1000xf32>
    %broadcast_in_dim3A_252 = vector.shape_cast %reduce_sum3A_251 : vector<1000xf32> to vector<1000x1xf32>
    %add3A_253 = arith.addf %add3A_246, %broadcast_in_dim3A_252 : vector<1000x1xf32>
    %div3A_254 = arith.constant 3.830000e+02 : f32
    %div3A_255 = vector.broadcast %div3A_254 : f32 to vector<1000x1xf32>
    %div3A_256 = arith.divf %add3A_253, %div3A_255 : vector<1000x1xf32>
    %sqrt3A_257 = math.sqrt %div3A_256 : vector<1000x1xf32>
    %sub3A_258 = vector.broadcast %div3A_230 : vector<1000x1xf32> to vector<1000x128xf32>
    %sub3A_259 = arith.subf %add3A_93, %sub3A_258 : vector<1000x128xf32>
    %add3A_260 = arith.constant 9.99999993E-9 : f32
    %add3A_261 = vector.broadcast %add3A_260 : f32 to vector<1000x1xf32>
    %add3A_262 = arith.addf %sqrt3A_257, %add3A_261 : vector<1000x1xf32>
    %div3A_263 = vector.broadcast %add3A_262 : vector<1000x1xf32> to vector<1000x128xf32>
    %div3A_264 = arith.divf %sub3A_259, %div3A_263 : vector<1000x128xf32>
    %dot_general3A_265 = arith.constant dense<0.000000e+00> : vector<1000x128xf32>
    %dot_general3A_266 = tpu.matmul %div3A_264, %get3A_15, %dot_general3A_265 {dimension_numbers = #tpu.dot_dimension_numbers<[1], [0], [0], [1], [0, 0, 1, 1], [], []>, transpose_lhs_hint = false} : vector<1000x128xf32>, vector<128x128xf32>, vector<1000x128xf32> -> vector<1000x128xf32>
    %add3A_267 = vector.broadcast %get3A_18 : vector<1x128xf32> to vector<1000x128xf32>
    %add3A_268 = arith.addf %dot_general3A_266, %add3A_267 : vector<1000x128xf32>
    %sub3A_269 = arith.subf %add3A_268, %mul3A_222 : vector<1000x128xf32>
    %mul3A_270 = arith.constant 5.000000e-01 : f32
    %mul3A_271 = vector.broadcast %mul3A_270 : f32 to vector<1000x128xf32>
    %mul3A_272 = arith.mulf %sub3A_269, %mul3A_271 : vector<1000x128xf32>
    %add3A_273 = arith.addf %mul3A_222, %mul3A_272 : vector<1000x128xf32>
    %sub3A_274 = arith.constant 1.000000e+00 : f32
    %sub3A_275 = vector.broadcast %sub3A_274 : f32 to vector<1000x128xf32>
    %sub3A_276 = arith.subf %add3A_273, %sub3A_275 : vector<1000x128xf32>
    %ge3A_277 = arith.constant 0.000000e+00 : f32
    %ge3A_278 = vector.broadcast %ge3A_277 : f32 to vector<1000x128xf32>
    %ge3A_279 = arith.cmpf oge, %sub3A_276, %ge3A_278 : vector<1000x128xf32>
    %convert_element_type3A_280 = arith.extui %ge3A_279 : vector<1000x128xi1> to vector<1000x128xi32>
    %convert_element_type3A_281 = arith.sitofp %convert_element_type3A_280 : vector<1000x128xi32> to vector<1000x128xf32>
    %sub3A_282 = arith.constant 1.000000e+00 : f32
    %sub3A_283 = vector.broadcast %sub3A_282 : f32 to vector<1000x128xf32>
    %sub3A_284 = arith.subf %sub3A_283, %convert_element_type3A_281 : vector<1000x128xf32>
    %mul3A_285 = arith.mulf %add3A_273, %sub3A_284 : vector<1000x128xf32>
    %add3A_286 = arith.addf %add3A_223, %convert_element_type3A_281 : vector<1000x128xf32>
    %reduce_sum3A_287 = arith.constant dense<0.000000e+00> : vector<1000xf32>
    %reduce_sum3A_288 = vector.multi_reduction <add>, %add3A_118, %reduce_sum3A_287 [1] : vector<1000x128xf32> to vector<1000xf32>
    %broadcast_in_dim3A_289 = vector.shape_cast %reduce_sum3A_288 : vector<1000xf32> to vector<1000x1xf32>
    %add3A_290 = arith.addf %add3A_227, %broadcast_in_dim3A_289 : vector<1000x1xf32>
    %div3A_291 = arith.constant 5.120000e+02 : f32
    %div3A_292 = vector.broadcast %div3A_291 : f32 to vector<1000x1xf32>
    %div3A_293 = arith.divf %add3A_290, %div3A_292 : vector<1000x1xf32>
    %broadcast_in_dim3A_294 = arith.constant 0.000000e+00 : f32
    %broadcast_in_dim3A_295 = vector.broadcast %broadcast_in_dim3A_294 : f32 to vector<1000x1xf32>
    %sub3A_296 = vector.broadcast %div3A_293 : vector<1000x1xf32> to vector<1000x128xf32>
    %sub3A_297 = arith.subf %add3A_43, %sub3A_296 : vector<1000x128xf32>
    %mul3A_298 = arith.mulf %sub3A_297, %sub3A_297 : vector<1000x128xf32>
    %reduce_sum3A_299 = arith.constant dense<0.000000e+00> : vector<1000xf32>
    %reduce_sum3A_300 = vector.multi_reduction <add>, %mul3A_298, %reduce_sum3A_299 [1] : vector<1000x128xf32> to vector<1000xf32>
    %broadcast_in_dim3A_301 = vector.shape_cast %reduce_sum3A_300 : vector<1000xf32> to vector<1000x1xf32>
    %add3A_302 = arith.addf %broadcast_in_dim3A_295, %broadcast_in_dim3A_301 : vector<1000x1xf32>
    %sub3A_303 = vector.broadcast %div3A_293 : vector<1000x1xf32> to vector<1000x128xf32>
    %sub3A_304 = arith.subf %add3A_68, %sub3A_303 : vector<1000x128xf32>
    %mul3A_305 = arith.mulf %sub3A_304, %sub3A_304 : vector<1000x128xf32>
    %reduce_sum3A_306 = arith.constant dense<0.000000e+00> : vector<1000xf32>
    %reduce_sum3A_307 = vector.multi_reduction <add>, %mul3A_305, %reduce_sum3A_306 [1] : vector<1000x128xf32> to vector<1000xf32>
    %broadcast_in_dim3A_308 = vector.shape_cast %reduce_sum3A_307 : vector<1000xf32> to vector<1000x1xf32>
    %add3A_309 = arith.addf %add3A_302, %broadcast_in_dim3A_308 : vector<1000x1xf32>
    %sub3A_310 = vector.broadcast %div3A_293 : vector<1000x1xf32> to vector<1000x128xf32>
    %sub3A_311 = arith.subf %add3A_93, %sub3A_310 : vector<1000x128xf32>
    %mul3A_312 = arith.mulf %sub3A_311, %sub3A_311 : vector<1000x128xf32>
    %reduce_sum3A_313 = arith.constant dense<0.000000e+00> : vector<1000xf32>
    %reduce_sum3A_314 = vector.multi_reduction <add>, %mul3A_312, %reduce_sum3A_313 [1] : vector<1000x128xf32> to vector<1000xf32>
    %broadcast_in_dim3A_315 = vector.shape_cast %reduce_sum3A_314 : vector<1000xf32> to vector<1000x1xf32>
    %add3A_316 = arith.addf %add3A_309, %broadcast_in_dim3A_315 : vector<1000x1xf32>
    %sub3A_317 = vector.broadcast %div3A_293 : vector<1000x1xf32> to vector<1000x128xf32>
    %sub3A_318 = arith.subf %add3A_118, %sub3A_317 : vector<1000x128xf32>
    %mul3A_319 = arith.mulf %sub3A_318, %sub3A_318 : vector<1000x128xf32>
    %reduce_sum3A_320 = arith.constant dense<0.000000e+00> : vector<1000xf32>
    %reduce_sum3A_321 = vector.multi_reduction <add>, %mul3A_319, %reduce_sum3A_320 [1] : vector<1000x128xf32> to vector<1000xf32>
    %broadcast_in_dim3A_322 = vector.shape_cast %reduce_sum3A_321 : vector<1000xf32> to vector<1000x1xf32>
    %add3A_323 = arith.addf %add3A_316, %broadcast_in_dim3A_322 : vector<1000x1xf32>
    %div3A_324 = arith.constant 5.110000e+02 : f32
    %div3A_325 = vector.broadcast %div3A_324 : f32 to vector<1000x1xf32>
    %div3A_326 = arith.divf %add3A_323, %div3A_325 : vector<1000x1xf32>
    %sqrt3A_327 = math.sqrt %div3A_326 : vector<1000x1xf32>
    %sub3A_328 = vector.broadcast %div3A_293 : vector<1000x1xf32> to vector<1000x128xf32>
    %sub3A_329 = arith.subf %add3A_118, %sub3A_328 : vector<1000x128xf32>
    %add3A_330 = arith.constant 9.99999993E-9 : f32
    %add3A_331 = vector.broadcast %add3A_330 : f32 to vector<1000x1xf32>
    %add3A_332 = arith.addf %sqrt3A_327, %add3A_331 : vector<1000x1xf32>
    %div3A_333 = vector.broadcast %add3A_332 : vector<1000x1xf32> to vector<1000x128xf32>
    %div3A_334 = arith.divf %sub3A_329, %div3A_333 : vector<1000x128xf32>
    %dot_general3A_335 = arith.constant dense<0.000000e+00> : vector<1000x128xf32>
    %dot_general3A_336 = tpu.matmul %div3A_334, %get3A_15, %dot_general3A_335 {dimension_numbers = #tpu.dot_dimension_numbers<[1], [0], [0], [1], [0, 0, 1, 1], [], []>, transpose_lhs_hint = false} : vector<1000x128xf32>, vector<128x128xf32>, vector<1000x128xf32> -> vector<1000x128xf32>
    %add3A_337 = vector.broadcast %get3A_18 : vector<1x128xf32> to vector<1000x128xf32>
    %add3A_338 = arith.addf %dot_general3A_336, %add3A_337 : vector<1000x128xf32>
    %sub3A_339 = arith.subf %add3A_338, %mul3A_285 : vector<1000x128xf32>
    %mul3A_340 = arith.constant 5.000000e-01 : f32
    %mul3A_341 = vector.broadcast %mul3A_340 : f32 to vector<1000x128xf32>
    %mul3A_342 = arith.mulf %sub3A_339, %mul3A_341 : vector<1000x128xf32>
    %add3A_343 = arith.addf %mul3A_285, %mul3A_342 : vector<1000x128xf32>
    %sub3A_344 = arith.constant 1.000000e+00 : f32
    %sub3A_345 = vector.broadcast %sub3A_344 : f32 to vector<1000x128xf32>
    %sub3A_346 = arith.subf %add3A_343, %sub3A_345 : vector<1000x128xf32>
    %ge3A_347 = arith.constant 0.000000e+00 : f32
    %ge3A_348 = vector.broadcast %ge3A_347 : f32 to vector<1000x128xf32>
    %ge3A_349 = arith.cmpf oge, %sub3A_346, %ge3A_348 : vector<1000x128xf32>
    %convert_element_type3A_350 = arith.extui %ge3A_349 : vector<1000x128xi1> to vector<1000x128xi32>
    %convert_element_type3A_351 = arith.sitofp %convert_element_type3A_350 : vector<1000x128xi32> to vector<1000x128xf32>
    %add3A_352 = arith.addf %add3A_286, %convert_element_type3A_351 : vector<1000x128xf32>
    %mul3A_353 = arith.constant 2.500000e-01 : f32
    %mul3A_354 = vector.broadcast %mul3A_353 : f32 to vector<1000x128xf32>
    %mul3A_355 = arith.mulf %add3A_352, %mul3A_354 : vector<1000x128xf32>
    %swap3A = arith.constant 0 : index
    %swap3A_356 = arith.constant 0 : index
    %swap3A_357 = vector.load %arg7[%swap3A, %swap3A_356] : memref<1000x128xf32, #tpu.memory_space<vmem>>, vector<1000x128xf32>
    tpu.vector_store %arg7[%swap3A, %swap3A_356], %mul3A_355 {strides = array<i32>} : memref<1000x128xf32, #tpu.memory_space<vmem>>, vector<1000x128xf32>,
    return
  }
  func.func @transform_0(%arg0: i32) -> (i32, i32, i32, i32) {
    %c0_i32 = arith.constant 0 : i32
    %c0_i32_0 = arith.constant 0 : i32
    %c0_i32_1 = arith.constant 0 : i32
    %c0_i32_2 = arith.constant 0 : i32
    return %c0_i32, %c0_i32_0, %arg0, %c0_i32_1 : i32, i32, i32, i32
  }
  func.func @transform_1(%arg0: i32) -> (i32, i32, i32) {
    %c0_i32 = arith.constant 0 : i32
    %c0_i32_0 = arith.constant 0 : i32
    %c0_i32_1 = arith.constant 0 : i32
    return %c0_i32, %arg0, %c0_i32_0 : i32, i32, i32
  }
  func.func @transform_2(%arg0: i32) -> (i32, i32, i32) {
    %c0_i32 = arith.constant 0 : i32
    %c0_i32_0 = arith.constant 0 : i32
    %c0_i32_1 = arith.constant 0 : i32
    return %c0_i32, %arg0, %c0_i32_0 : i32, i32, i32
  }
  func.func @transform_3(%arg0: i32) -> (i32, i32) {
    %c0_i32 = arith.constant 0 : i32
    %c0_i32_0 = arith.constant 0 : i32
    %c0_i32_1 = arith.constant 0 : i32
    return %c0_i32, %c0_i32_0 : i32, i32
  }
  func.func @transform_4(%arg0: i32) -> (i32, i32) {
    %c0_i32 = arith.constant 0 : i32
    %c0_i32_0 = arith.constant 0 : i32
    %c0_i32_1 = arith.constant 0 : i32
    return %c0_i32, %c0_i32_0 : i32, i32
  }
  func.func @transform_5(%arg0: i32) -> (i32, i32) {
    %c0_i32 = arith.constant 0 : i32
    %c0_i32_0 = arith.constant 0 : i32
    %c0_i32_1 = arith.constant 0 : i32
    return %c0_i32, %c0_i32_0 : i32, i32
  }
  func.func @transform_6(%arg0: i32) -> (i32, i32) {
    %c0_i32 = arith.constant 0 : i32
    %c0_i32_0 = arith.constant 0 : i32
    return %arg0, %c0_i32 : i32, i32
  }
}

</mosaic_0001>

<sc_bundles>
// kernel: kernel.11.cloned.1.call-start
scs
__scs_entry_jumppad:
0x0: {  	(pc) =	sbr.rel $0x88, $3  }
0x1: {  	(tag) =	ssettag $0x0;
	lr =	simm.s32 $0x1  }
0x2: {  	[smem:$0x3F97] =	sst lr;
	_ =	strace $0xD0000000  }
0x3: {  	_ = 	snop  }
0x4: {  	_ = 	snop  }
0x5: {  	_ = 	snop  }
0x6: {  	_ = 	snop  }
0x7: {  	_ = 	snop  }
__scs_overlays_trampoline_lowered:
0x8: {  	[smem:$0x3FA6] =	sst s0  }
0x9: {  	[smem:$0x3FA7] =	sst s1  }
0xa: {  	[smem:$0x3FA8] =	sst s2  }
0xb: {  	[smem:$0x3FA9] =	sst s3  }
0xc: {  	[smem:$0x3FAA] =	sst s4  }
0xd: {  	[smem:$0x3FAB] =	sst s5  }
0xe: {  	[smem:$0x3FAC] =	sst s6  }
0xf: {  	[smem:$0x3FAD] =	sst s7  }
0x10: {  	[smem:$0x3FAE] =	sst s8  }
0x11: {  	[smem:$0x3FAF] =	sst s9;
	s0 =	simm.s32 @!p0 $0x0  }
0x12: {  	s1 =	sld [smem:$0x3F95];
	s0 =	simm.s32 @p0 $0x1  }
0x13: {  	[smem:$0x3FB0] =	sst s0;
	s0 =	simm.s32 @!p1 $0x0  }
0x14: {  	s2 =	sld [smem:$0x3F94];
	s0 =	simm.s32 @p1 $0x1  }
0x15: {  	[smem:$0x3FB1] =	sst s0;
	s0 =	simm.s32 @!p2 $0x0  }
0x16: {  	s3 =	sld [smem:$0x3FDB];
	s0 =	simm.s32 @p2 $0x1  }
0x17: {  	s4 =	simm.s32 $0x1BF5;
	[smem:$0x3FB3] =	sst s0  }
0x18: {  	s0 =	sld [smem:$0x3F96];
	_ =	swait.ge [sflag:s4], $0x0  }
0x19: {  	s7 =	sld [smem:$0x3F97]  }
0x1a: {  	s8 =	sadd.s32 $0xFFFFE003, lr  }
0x1b: {  	s9 =	sadd.s32 $0xFFFFFEF7, lr;
	s5 =	simm.s32 $0xFFFFFFFF;
	p2 =	slt.u32 s8, $0xFFFFF086  }
0x1c: {  	p1 =	slt.u32 s9, $0xF7A;
	s5 =	simm.s32 @!p2 $0x0  }
0x1d: {  	s5 =	simm.s32 @p1 $0x1;
	p0 =	seq.s32 s7, s2  }
0x1e: {  	s7 =	smul.u32 @!p0 $0xF7A, s2;
	p2 =	seq.s32 @!p0 s5, $0x0  }
0x1f: {  	s9 =	smul.u32 $0xF7A, s1;
	s8 =	simm.s32 @!p0 $0x1BF5;
	p2 =	por !p2, p0  }
0x20: {  	[sflag:s8] =	ssyncset.s32 @!p0 $0xFFFFF086;
	s6 =	sadd.s32 @!p0 s3, s7;
	s7 =	simm.s32 @!p0 $0x108  }
0x21: {  	s3 =	sadd.s32 s3, s9;
	s6 =	sadd.s32 @!p0 $0x88, s6;
	s7 =	simm.s32 @p2 $0x1082  }
0x22: {  	[simem:s7], [sflag:s8] =	dma.local @!p0 [hbm:s6], $0xF7A  }
0x23: {  	s9 =	sor.u32 $0xD0000000, s2;
	s6 =	simm.s32 $0x108;
	_ =	swait.ge @!p0 [sflag:s8], $0x0  }
0x24: {  	s3 =	sadd.s32 $0x88, s3;
	s6 =	simm.s32 @!p1 $0x1082;
	[sflag:s4] =	ssyncset.s32 $0xFFFFF086  }
0x25: {  	[simem:s6], [sflag:s4] =	dma.local [hbm:s3], $0xF7A  }
0x26: {  	[smem:$0x3F97] =	sst s1;
	(tag) =	ssettag s2;
	_ =	strace s9  }
0x27: {  	s1 =	sld [smem:$0x3FA7]  }
0x28: {  	s2 =	sld [smem:$0x3FA8]  }
0x29: {  	s4 =	sld [smem:$0x3FAA]  }
0x2a: {  	p0 =	seq.s32 s5, $0x0;
	s5 =	sld [smem:$0x3FAB]  }
0x2b: {  	s6 =	sld [smem:$0x3FAC]  }
0x2c: {  	s7 =	sld [smem:$0x3FAD]  }
0x2d: {  	s3 =	simm.s32 $0x108;
	s8 =	sld [smem:$0x3FAE]  }
0x2e: {  	s3 =	simm.s32 @!p0 $0x1082;
	s9 =	sld [smem:$0x3FAF]  }
0x2f: {  	lr =	sadd.s32 s0, s3;
	s0 =	sld [smem:$0x3FA6]  }
0x30: {  	s3 =	sld [smem:$0x3FA9]  }
0x31: {  	[smem:$0x3FB2] =	sst s10  }
0x32: {  	s10 =	sld [smem:$0x3FB0];
	_ =	sdelay $0x3  }
0x33: {  	p0 =	seq.s32 s10, $0x1;
	s10 =	sld [smem:$0x3FB2];
	_ =	sdelay $0x3  }
0x34: {  	[smem:$0x3FB2] =	sst s10  }
0x35: {  	s10 =	sld [smem:$0x3FB1];
	_ =	sdelay $0x3  }
0x36: {  	p1 =	seq.s32 s10, $0x1;
	s10 =	sld [smem:$0x3FB2];
	_ =	sdelay $0x3  }
0x37: {  	[smem:$0x3FB2] =	sst s10  }
0x38: {  	s10 =	sld [smem:$0x3FB3]  }
0x39: {  	_ = 	snop;
	(pc) =	sbr.ind lr, $3  }
0x3a: {  	_ = 	snop  }
0x3b: {  	_ = 	snop  }
0x3c: {  	p2 =	seq.s32 s10, $0x1;
	s10 =	sld [smem:$0x3FB2]  }
0x3d: {  	_ =	shalt  }
0x3e: {  	_ =	shalt  }
0x3f: {  	_ =	shalt  }
0x40: {  	_ =	shalt  }
0x41: {  	_ =	shalt  }
0x42: {  	_ =	shalt  }
0x43: {  	_ =	shalt  }
0x44: {  	_ =	shalt  }
0x45: {  	_ =	shalt  }
0x46: {  	_ =	shalt  }
0x47: {  	_ =	shalt  }
0x48: {  	_ =	shalt  }
0x49: {  	_ =	shalt  }
0x4a: {  	_ =	shalt  }
0x4b: {  	_ =	shalt  }
0x4c: {  	_ =	shalt  }
0x4d: {  	_ =	shalt  }
0x4e: {  	_ =	shalt  }
0x4f: {  	_ =	shalt  }
0x50: {  	_ =	shalt  }
0x51: {  	_ =	shalt  }
0x52: {  	_ =	shalt  }
0x53: {  	_ =	shalt  }
0x54: {  	_ =	shalt  }
0x55: {  	_ =	shalt  }
0x56: {  	_ =	shalt  }
0x57: {  	_ =	shalt  }
0x58: {  	_ =	shalt  }
0x59: {  	_ =	shalt  }
0x5a: {  	_ =	shalt  }
0x5b: {  	_ =	shalt  }
0x5c: {  	_ =	shalt  }
0x5d: {  	_ =	shalt  }
0x5e: {  	_ =	shalt  }
0x5f: {  	_ =	shalt  }
0x60: {  	_ =	shalt  }
0x61: {  	_ =	shalt  }
0x62: {  	_ =	shalt  }
0x63: {  	_ =	shalt  }
0x64: {  	_ =	shalt  }
0x65: {  	_ =	shalt  }
0x66: {  	_ =	shalt  }
0x67: {  	_ =	shalt  }
0x68: {  	_ =	shalt  }
0x69: {  	_ =	shalt  }
0x6a: {  	_ =	shalt  }
0x6b: {  	_ =	shalt  }
0x6c: {  	_ =	shalt  }
0x6d: {  	_ =	shalt  }
0x6e: {  	_ =	shalt  }
0x6f: {  	_ =	shalt  }
0x70: {  	_ =	shalt  }
0x71: {  	_ =	shalt  }
0x72: {  	_ =	shalt  }
0x73: {  	_ =	shalt  }
0x74: {  	_ =	shalt  }
0x75: {  	_ =	shalt  }
0x76: {  	_ =	shalt  }
0x77: {  	_ =	shalt  }
0x78: {  	_ =	shalt  }
0x79: {  	_ =	shalt  }
0x7a: {  	_ =	shalt  }
0x7b: {  	_ =	shalt  }
0x7c: {  	_ =	shalt  }
0x7d: {  	_ =	shalt  }
0x7e: {  	_ =	shalt  }
0x7f: {  	_ =	shalt  }
0x80: {  	_ =	shalt  }
0x81: {  	_ =	shalt  }
0x82: {  	_ =	shalt  }
0x83: {  	_ =	shalt  }
0x84: {  	_ =	shalt  }
0x85: {  	_ =	shalt  }
0x86: {  	_ =	shalt  }
0x87: {  	_ =	shalt  }
.Lfunc_end0:
.L_simem_size_0:
called_computation.1_lowered:
.L_overlay_start_0:
0x88: {  	s2 =	sld [smem:$0x3FD9]  }
0x89: {  	s3 =	sld [smem:$0x3FFE];
	_ =	sdelay $0x1  }
0x8a: {  	s1 =	srdreg.scid  }
0x8b: {  	s0 =	sand.u32 $0x1, s1  }
0x8c: {  	s17 =	sshll.u32 s0, $0xA;
	s2 =	sadd.s32 s3, s2  }
0x8d: {  	s2 =	sadd.s32 s2, s17  }
0x8e: {  	[smem:$0x3FBE] =	sst s2  }
0x8f: {  	_ = 	snop  }
0x90: {  	s2 =	sld [smem:$0x3FD0];
	(tm) =	ssettm $0x1  }
0x91: {  	s18 =	sld [smem:$0x3FFB];
	_ =	sdelay $0x3  }
0x92: {  	_ =	strace s18  }
0x93: {  	s3 =	sld [smem:$0x3FFC];
	_ =	sdelay $0x3  }
0x94: {  	_ =	strace s3  }
0x95: {  	s3 =	sld [smem:$0x3FFD];
	_ =	sdelay $0x3  }
0x96: {  	_ =	strace s3  }
0x97: {  	_ =	strace $0x8FFFFFFF  }
0x98: {  	s19 =	sld [smem:$0x3FDB];
	_ =	sdelay $0x1  }
0x99: {  	s4 =	simm.s32 $_scs_section_size  }
0x9a: {  	s5 =	simm.s32 $_size__tile_overlayer_lowered;
	s6 =	simm.s32 $_tile_overlayer_lowered  }
0x9b: {  	s22 =	simm.s32 $0x1BFF;
	s21 =	sshll.u32 s6, $0x1;
	s3 =	sadd.s32 s4, s19  }
0x9c: {  	s7 =	simm.s32 $0x0;
	s20 =	sshll.u32 s5, $0x1;
	s5 =	sadd.s32 s21, s3  }
0x9d: {  	[timem:s7], [sflag:s22] =	dma.local [hbm:s5], s20  }
0x9e: {  	_ =	swait.ge [sflag:s22], s20  }
0x9f: {  	s4 =	ssub.s32 $0x0, s20;
	[sflag:s22] =	ssyncset.done $0x0  }
0xa0: {  	[sflag:s22] =	ssyncadd.s32 s4;
	_ =	sdelay $0x1  }
0xa1: {  	s23 =	simm.s32 $0x1B8B  }
0xa2: {  	_ =	swait.ge [sflag:s23], $0x1  }
0xa3: {  	[sflag:s23] =	ssyncset.done $0x0  }
0xa4: {  	s25 =	simm.s32 $0x1B8E;
	s24 =	sld [smem:$0x3FFE];
	[sflag:s23] =	ssyncadd.s32 $0xFFFFFFFF  }
0xa5: {  	s26 =	simm.s32 $execute0_lowered;
	[smem:$0x3FD2] =	sst s25  }
0xa6: {  	s5 =	sshll.u32 s26, $0x1;
	_ =	strace $0x80000049;
	[dreg:$0x1] =	wrdreg $0xFFFFFFFF  }
0xa7: {  	s28 =	simm.s32 $_size_execute0_lowered;
	s3 =	sadd.s32 s3, s5;
	[dreg:$0x0] =	wrdreg $0x0  }
0xa8: {  	s5 =	sshll.u32 s28, $0x1;
	[dreg:$0x2] =	wrdreg s3  }
0xa9: {  	[dreg:$0x3] =	wrdreg s5  }
0xaa: {  	[dreg:$0x4] =	wrdreg $0xC0  }
0xab: {  	_ =	task [dreg:s7], $0x5FFFF  }
0xac: {  	[dreg:$0x1] =	wrdreg $0xFFFFFFFF  }
0xad: {  	[dreg:$0x0] =	wrdreg $0x60  }
0xae: {  	[dreg:$0x2] =	wrdreg s24  }
0xaf: {  	[dreg:$0x3] =	wrdreg s2  }
0xb0: {  	[dreg:$0x4] =	wrdreg $0x41000  }
0xb1: {  	[dreg:$0x5] =	wrdreg $0x9  }
0xb2: {  	_ =	task.clear_ibuf [dreg:s7], $0x6FFFF;
	_ =	strace $0x90000049  }
0xb3: {  	s29 =	simm.s32 $0x9;
	_ =	strace $0x8000004B  }
0xb4: {  	_ =	swait.ge [sflag:s29], $0x1  }
0xb5: {  	[sflag:s29] =	ssyncadd.s32 $0xFFFFFFFF  }
0xb6: {  	_ =	strace $0x9000004B  }
0xb7: {  	_ =	sfence  }
0xb8: {  	s30 =	sld [smem:$0x0];
	_ =	sdelay $0x2  }
0xb9: {  	s31 =	sshll.u32 s1, $0xD;
	s1 =	sshrl.u32 s1, $0x2  }
0xba: {  	s3 =	sand.u32 $0x4000, s31;
	s1 =	sadd.s32 s1, s30  }
0xbb: {  	s0 =	sor.u32 s3, s0;
	s1 =	sshll.u32 s1, $0x11  }
0xbc: {  	s0 =	sor.u32 s1, s0  }
0xbd: {  	s0 =	sadd.s32 $0x8F2B, s0  }
0xbe: {  	[sflag:s0] =	ssyncadd.remote.s32 $0x1  }
0xbf: {  	_ =	sfence.sel $0xFFFF  }
0xc0: {  	[dreg:$0x0] =	wrdreg $0xFFFFFFFF;
	(pc) =	sbr.abs _section_cstart, $3  }
0xc1: {  	[dreg:$0x1] =	wrdreg $0xFFFFFFFF  }
0xc2: {  	_ =	task.clear_ibuf [dreg:s7], $0x2FFFF;
	_ =	strace $0x9FFFFFFF  }
0xc3: {  	(tm) =	ssettm $0x7FFFFFFF  }
tec
execute0_lowered:
.L_overlay_start_1:
0x0: {  	(tag) =	ssettag $0x1  }
0x1: {  	s5 =	rddreg [dreg:$0x0]  }
0x2: {  	s8 =	rddreg [dreg:$0x1]  }
0x3: {  	s2 =	rddreg [dreg:$0x2]  }
0x4: {  	s0 =	rddreg [dreg:$0x3];
	s3 =	simm.s32 $0x0;
	s1 =	stileid.u32  }
0x5: {  	s7 =	srdreg.scid;
	s16 =	simm.s32 $0x0;
	s6 =	smul.u32 $0x13C00, s1  }
0x6: {  	[smem:$0x7FF] =	sst s3;
	s4 =	sadd.s32 $0x34E00, s5;
	s9 =	smul.u32 $0x9E0, s1  }
0x7: {  	s7 =	sand.u32 $0x1, s7;
	s13 =	smul.u32 $0x4F000, s1;
	s29 =	sshll.u32 s1, $0x6  }
0x8: {  	_ =	strace $0x8000004A;
	p0 =	seq.s32 s7, $0x1;
	s12 =	ssub.s32 $0x2, s7  }
0x9: {  	s30 =	smul.u32 $0x4F0, s7;
	s6 =	sshrl.u32 s6, $0x3;
	s26 =	sshrl.u32 s12, $0x1  }
0xa: {  	s14 =	sadd.s32 s9, s5;
	s28 =	sshrl.u32 s13, $0x2;
	s9 =	sadd.s32 s9, s8  }
0xb: {  	s10 =	sadd.s32 s6, s5;
	s11 =	sadd.s32 $0x27800, s6;
	s13 =	sadd.s32 s28, s2  }
0xc: {  	s31 =	sadd.s32 s30, s14;
	s9 =	sadd.s32 s30, s9;
	s14 =	simm.s32 $0x100  }
0xd: {  	s6 =	smov.u32 @p0 s11;
	s11 =	ssub.s32 s12, s26;
	s12 =	simm.s32 $0x2  }
0xe: {  	s15 =	sadd.s32 s6, s5;
	s5 =	sadd.s32 $0xD600, s10;
	s6 =	sor.u32 $0x1C02, s29  }
0xf: {  	s7 =	smax.u32 s11, $0x1;
	s10 =	sadd.s32 $0x3000, s31;
	s11 =	sshrl.u32 s13, $0x3  }
0x10: {  	s13 =	simm.s32 $0x80;
	s8 =	sadd.s32 $0xD2000, s15;
	s15 =	simm.s32 $0x1  }
.LBB2_1:
0x11: {  	[spmem:s11], [sflag:s6] =	dma.local [hbm:s5], $0x2780  }
0x12: {  	_ =	swait.ge [sflag:s12], $0x2780  }
0x13: {  	[sflag:s12] =	ssyncset.done $0x0  }
0x14: {  	[sflag:s12] =	ssyncadd.s32 $0xFFFFD880  }
0x15: {  	s17 =	sadd.s32 $0x0, s9;
	[bflag:$0x0] =	sbarrier.arrive $0xFFFF  }
0x16: {  	[tilespmem:s3], [sflag:$0x2] =	stream.linear.gather [hbm4b:s17+s3], $0x80, $0x38;
	[tilespmem:$0x17D00] =	vst v63  }
0x17: {  	_ =	swait.ge [sflag:s12], $0x80  }
0x18: {  	[sflag:s12] =	ssyncset.done $0x0  }
0x19: {  	s31 =	sadd.s32 $0x0, s10;
	[sflag:s12] =	ssyncadd.s32 $0xFFFFFF80  }
0x1a: {  	[tilespmem:s13], [sflag:$0x2] =	stream.linear.gather [hbm4b:s31+s3], $0x80, $0x38;
	[tilespmem:$0x17D00] =	vst v63  }
0x1b: {  	_ =	swait.ge [sflag:s12], $0x80  }
0x1c: {  	[sflag:s12] =	ssyncset.done $0x0  }
0x1d: {  	[sflag:s12] =	ssyncadd.s32 $0xFFFFFF80  }
0x1e: {  	[tilespmem:s14], [sflag:$0x1] =	stream.indirect.gather [hbm4b:s4+s13], $0x80, s3, s13, $0xb8;
	[tilespmem:$0x17D00] =	vst v63  }
0x1f: {  	_ =	swait.ge [sflag:s15], $0x4000  }
0x20: {  	[sflag:s15] =	ssyncset.done $0x0  }
0x21: {  	[sflag:s15] =	ssyncadd.s32 $0xFFFFC000  }
0x22: {  	[spmem:s2] =	stream.indirect.scatter.add.f32 [tilespmem:s14], [sflag:$0x2], $0x80, s13, s13, $0xb8;
	[tilespmem:$0x17D00] =	vst v63  }
0x23: {  	_ =	swait.ge [sflag:s12], $0x4000  }
0x24: {  	s18 =	simm.s32 $0x20;
	s17 =	simm.s32 $0x10;
	[sflag:s12] =	ssyncset.done $0x0  }
.LBB2_2:
0x25: {  	s19 =	sadd.s32 s17, s9  }
0x26: {  	[sflag:s12] =	ssyncadd.s32 $0xFFFFC000;
	s20 =	smov.u32 s18;
	s21 =	sadd.s32 $0x10, s18  }
0x27: {  	[tilespmem:s3], [sflag:$0x2] =	stream.linear.gather [hbm4b:s19+s3], $0x80, $0x38;
	[tilespmem:$0x17D00] =	vst v63  }
0x28: {  	p0 =	sne.s32 s18, $0x4E0;
	_ =	swait.ge [sflag:s12], $0x80  }
0x29: {  	[sflag:s12] =	ssyncset.done $0x0  }
0x2a: {  	s18 =	sadd.s32 s17, s10;
	s17 =	smov.u32 s20;
	[sflag:s12] =	ssyncadd.s32 $0xFFFFFF80  }
0x2b: {  	[tilespmem:s13], [sflag:$0x2] =	stream.linear.gather [hbm4b:s18+s3], $0x80, $0x38;
	[tilespmem:$0x17D00] =	vst v63  }
0x2c: {  	_ =	swait.ge [sflag:s12], $0x80  }
0x2d: {  	[sflag:s12] =	ssyncset.done $0x0  }
0x2e: {  	[sflag:s12] =	ssyncadd.s32 $0xFFFFFF80  }
0x2f: {  	[tilespmem:s14], [sflag:$0x1] =	stream.indirect.gather [hbm4b:s4+s13], $0x80, s3, s13, $0xb8;
	[tilespmem:$0x17D00] =	vst v63  }
0x30: {  	_ =	swait.ge [sflag:s15], $0x4000  }
.Ltmp0:
0x31: {  	[sflag:s15] =	ssyncset.done $0x0;
	(pc) =	sbr.rel @p0 .LBB2_2-.Ltmp0, $4  }
0x32: {  	[sflag:s15] =	ssyncadd.s32 $0xFFFFC000  }
0x33: {  	[spmem:s2] =	stream.indirect.scatter.add.f32 [tilespmem:s14], [sflag:$0x2], $0x80, s13, s13, $0xb8;
	[tilespmem:$0x17D00] =	vst v63  }
0x34: {  	_ =	swait.ge [sflag:s12], $0x4000  }
0x35: {  	s18 =	smov.u32 s21;
	[sflag:s12] =	ssyncset.done $0x0  }
0x36: {  	s18 =	sadd.s32 s17, s9;
	[sflag:s12] =	ssyncadd.s32 $0xFFFFC000  }
0x37: {  	[tilespmem:s3], [sflag:$0x2] =	stream.linear.gather [hbm4b:s18+s3], $0x80, $0x38;
	[tilespmem:$0x17D00] =	vst v63  }
0x38: {  	_ =	swait.ge [sflag:s12], $0x80  }
0x39: {  	[sflag:s12] =	ssyncset.done $0x0  }
0x3a: {  	s31 =	sadd.s32 s17, s10;
	[sflag:s12] =	ssyncadd.s32 $0xFFFFFF80  }
0x3b: {  	[tilespmem:s13], [sflag:$0x2] =	stream.linear.gather [hbm4b:s31+s3], $0x80, $0x38;
	[tilespmem:$0x17D00] =	vst v63  }
0x3c: {  	_ =	swait.ge [sflag:s12], $0x80  }
0x3d: {  	[sflag:s12] =	ssyncset.done $0x0  }
0x3e: {  	[sflag:s12] =	ssyncadd.s32 $0xFFFFFF80  }
0x3f: {  	[tilespmem:s14], [sflag:$0x1] =	stream.indirect.gather [hbm4b:s4+s13], $0x80, s3, s13, $0xb8;
	[tilespmem:$0x17D00] =	vst v63  }
0x40: {  	_ =	swait.ge [sflag:s15], $0x4000  }
0x41: {  	[sflag:s15] =	ssyncset.done $0x0  }
0x42: {  	[sflag:s15] =	ssyncadd.s32 $0xFFFFC000  }
0x43: {  	[spmem:s2] =	stream.indirect.scatter.add.f32 [tilespmem:s14], [sflag:$0x2], $0x80, s13, s13, $0xb8;
	[tilespmem:$0x17D00] =	vst v63  }
0x44: {  	_ =	swait.ge [sflag:s12], $0x4000  }
0x45: {  	[sflag:s12] =	ssyncset.done $0x0  }
0x46: {  	s16 =	sadd.s32 $0x1, s16;
	[sflag:s12] =	ssyncadd.s32 $0xFFFFC000  }
0x47: {  	p0 =	sne.s32 s16, s7;
	[bflag:$0x0] =	sbarrier.arrive $0xFFFF  }
0x48: {  	[hbm:s8], [sflag:s6] =	dma.local [spmem:s11], $0x2780  }
.Ltmp1:
0x49: {  	_ =	swait.ge [sflag:s12], $0x2780;
	(pc) =	sbr.rel @p0 .LBB2_1-.Ltmp1, $3  }
0x4a: {  	[sflag:s12] =	ssyncset.done $0x0  }
0x4b: {  	[sflag:s12] =	ssyncadd.s32 $0xFFFFD880  }
0x4c: {  	[bflag:$0x0] =	sbarrier.arrive $0xFFFF;
	_ =	sdelay $0x1  }
0x4d: {  	_ =	sfence.sel $0x180000  }
0x4e: {  	[bflag:$0x0] =	sbarrier.arrive $0xFFFF  }
0x4f: {  	p0 =	sne.s32 s1, $0x0;
	_ =	strace $0x9000004A  }
0x50: {  	s0 =	sadd.s32 @!p0 $0x100000, s0;
	[bflag:$0x2] =	sbarrier.arrive $0xFFFF  }
0x51: {  	[sflag:s0] =	ssyncadd.tile.s32 @!p0 $0x1;
	_ =	shalt  }
.Lfunc_end2:
_tile_overlayer_lowered:
.L_overlay_start_2:
0x52: {  	(tag) =	ssettag $0x2  }
0x53: {  	s0 =	rddreg [dreg:$0x0];
	s2 =	stileid.u32  }
0x54: {  	s1 =	rddreg [dreg:$0x1];
	p0 =	sne.s32 s2, $0x0  }
0x55: {  	s3 =	rddreg [dreg:$0x2];
	[bflag:$0x3] =	sbarrier.arrive $0xFFFF;
	s2 =	simm.s32 @!p0 $0x1C02  }
0x56: {  	[timem:s3], [sflag:s2] =	dma.local @!p0 [hbm:s0], s1  }
0x57: {  	s0 =	simm.s32 @!p0 $0x2  }
0x58: {  	_ =	swait.ge @!p0 [sflag:s0], s1  }
0x59: {  	s1 =	ssub.s32 @!p0 $0x0, s1;
	[sflag:s0] =	ssyncset.done @!p0 $0x0  }
0x5a: {  	[sflag:s0] =	ssyncadd.s32 @!p0 s1  }
0x5b: {  	[bflag:$0x3] =	sbarrier.arrive $0xFFFF  }
0x5c: {  	_ =	shalt  }

// kernel: kernel.14.cloned.1.call-start
scs
__scs_entry_jumppad:
0x0: {  	(pc) =	sbr.rel $0x88, $3  }
0x1: {  	(tag) =	ssettag $0x0;
	lr =	simm.s32 $0x1  }
0x2: {  	[smem:$0x3F97] =	sst lr;
	_ =	strace $0xD0000000  }
0x3: {  	_ = 	snop  }
0x4: {  	_ = 	snop  }
0x5: {  	_ = 	snop  }
0x6: {  	_ = 	snop  }
0x7: {  	_ = 	snop  }
__scs_overlays_trampoline_lowered:
0x8: {  	[smem:$0x3FA6] =	sst s0  }
0x9: {  	[smem:$0x3FA7] =	sst s1  }
0xa: {  	[smem:$0x3FA8] =	sst s2  }
0xb: {  	[smem:$0x3FA9] =	sst s3  }
0xc: {  	[smem:$0x3FAA] =	sst s4  }
0xd: {  	[smem:$0x3FAB] =	sst s5  }
0xe: {  	[smem:$0x3FAC] =	sst s6  }
0xf: {  	[smem:$0x3FAD] =	sst s7  }
0x10: {  	[smem:$0x3FAE] =	sst s8  }
0x11: {  	[smem:$0x3FAF] =	sst s9;
	s0 =	simm.s32 @!p0 $0x0  }
0x12: {  	s1 =	sld [smem:$0x3F95];
	s0 =	simm.s32 @p0 $0x1  }
0x13: {  	[smem:$0x3FB0] =	sst s0;
	s0 =	simm.s32 @!p1 $0x0  }
0x14: {  	s2 =	sld [smem:$0x3F94];
	s0 =	simm.s32 @p1 $0x1  }
0x15: {  	[smem:$0x3FB1] =	sst s0;
	s0 =	simm.s32 @!p2 $0x0  }
0x16: {  	s3 =	sld [smem:$0x3FDB];
	s0 =	simm.s32 @p2 $0x1  }
0x17: {  	s4 =	simm.s32 $0x1BF5;
	[smem:$0x3FB3] =	sst s0  }
0x18: {  	s0 =	sld [smem:$0x3F96];
	_ =	swait.ge [sflag:s4], $0x0  }
0x19: {  	s7 =	sld [smem:$0x3F97]  }
0x1a: {  	s8 =	sadd.s32 $0xFFFFE003, lr  }
0x1b: {  	s9 =	sadd.s32 $0xFFFFFEF7, lr;
	s5 =	simm.s32 $0xFFFFFFFF;
	p2 =	slt.u32 s8, $0xFFFFF086  }
0x1c: {  	p1 =	slt.u32 s9, $0xF7A;
	s5 =	simm.s32 @!p2 $0x0  }
0x1d: {  	s5 =	simm.s32 @p1 $0x1;
	p0 =	seq.s32 s7, s2  }
0x1e: {  	s7 =	smul.u32 @!p0 $0xF7A, s2;
	p2 =	seq.s32 @!p0 s5, $0x0  }
0x1f: {  	s9 =	smul.u32 $0xF7A, s1;
	s8 =	simm.s32 @!p0 $0x1BF5;
	p2 =	por !p2, p0  }
0x20: {  	[sflag:s8] =	ssyncset.s32 @!p0 $0xFFFFF086;
	s6 =	sadd.s32 @!p0 s3, s7;
	s7 =	simm.s32 @!p0 $0x108  }
0x21: {  	s3 =	sadd.s32 s3, s9;
	s6 =	sadd.s32 @!p0 $0x88, s6;
	s7 =	simm.s32 @p2 $0x1082  }
0x22: {  	[simem:s7], [sflag:s8] =	dma.local @!p0 [hbm:s6], $0xF7A  }
0x23: {  	s9 =	sor.u32 $0xD0000000, s2;
	s6 =	simm.s32 $0x108;
	_ =	swait.ge @!p0 [sflag:s8], $0x0  }
0x24: {  	s3 =	sadd.s32 $0x88, s3;
	s6 =	simm.s32 @!p1 $0x1082;
	[sflag:s4] =	ssyncset.s32 $0xFFFFF086  }
0x25: {  	[simem:s6], [sflag:s4] =	dma.local [hbm:s3], $0xF7A  }
0x26: {  	[smem:$0x3F97] =	sst s1;
	(tag) =	ssettag s2;
	_ =	strace s9  }
0x27: {  	s1 =	sld [smem:$0x3FA7]  }
0x28: {  	s2 =	sld [smem:$0x3FA8]  }
0x29: {  	s4 =	sld [smem:$0x3FAA]  }
0x2a: {  	p0 =	seq.s32 s5, $0x0;
	s5 =	sld [smem:$0x3FAB]  }
0x2b: {  	s6 =	sld [smem:$0x3FAC]  }
0x2c: {  	s7 =	sld [smem:$0x3FAD]  }
0x2d: {  	s3 =	simm.s32 $0x108;
	s8 =	sld [smem:$0x3FAE]  }
0x2e: {  	s3 =	simm.s32 @!p0 $0x1082;
	s9 =	sld [smem:$0x3FAF]  }
0x2f: {  	lr =	sadd.s32 s0, s3;
	s0 =	sld [smem:$0x3FA6]  }
0x30: {  	s3 =	sld [smem:$0x3FA9]  }
0x31: {  	[smem:$0x3FB2] =	sst s10  }
0x32: {  	s10 =	sld [smem:$0x3FB0];
	_ =	sdelay $0x3  }
0x33: {  	p0 =	seq.s32 s10, $0x1;
	s10 =	sld [smem:$0x3FB2];
	_ =	sdelay $0x3  }
0x34: {  	[smem:$0x3FB2] =	sst s10  }
0x35: {  	s10 =	sld [smem:$0x3FB1];
	_ =	sdelay $0x3  }
0x36: {  	p1 =	seq.s32 s10, $0x1;
	s10 =	sld [smem:$0x3FB2];
	_ =	sdelay $0x3  }
0x37: {  	[smem:$0x3FB2] =	sst s10  }
0x38: {  	s10 =	sld [smem:$0x3FB3]  }
0x39: {  	_ = 	snop;
	(pc) =	sbr.ind lr, $3  }
0x3a: {  	_ = 	snop  }
0x3b: {  	_ = 	snop  }
0x3c: {  	p2 =	seq.s32 s10, $0x1;
	s10 =	sld [smem:$0x3FB2]  }
0x3d: {  	_ =	shalt  }
0x3e: {  	_ =	shalt  }
0x3f: {  	_ =	shalt  }
0x40: {  	_ =	shalt  }
0x41: {  	_ =	shalt  }
0x42: {  	_ =	shalt  }
0x43: {  	_ =	shalt  }
0x44: {  	_ =	shalt  }
0x45: {  	_ =	shalt  }
0x46: {  	_ =	shalt  }
0x47: {  	_ =	shalt  }
0x48: {  	_ =	shalt  }
0x49: {  	_ =	shalt  }
0x4a: {  	_ =	shalt  }
0x4b: {  	_ =	shalt  }
0x4c: {  	_ =	shalt  }
0x4d: {  	_ =	shalt  }
0x4e: {  	_ =	shalt  }
0x4f: {  	_ =	shalt  }
0x50: {  	_ =	shalt  }
0x51: {  	_ =	shalt  }
0x52: {  	_ =	shalt  }
0x53: {  	_ =	shalt  }
0x54: {  	_ =	shalt  }
0x55: {  	_ =	shalt  }
0x56: {  	_ =	shalt  }
0x57: {  	_ =	shalt  }
0x58: {  	_ =	shalt  }
0x59: {  	_ =	shalt  }
0x5a: {  	_ =	shalt  }
0x5b: {  	_ =	shalt  }
0x5c: {  	_ =	shalt  }
0x5d: {  	_ =	shalt  }
0x5e: {  	_ =	shalt  }
0x5f: {  	_ =	shalt  }
0x60: {  	_ =	shalt  }
0x61: {  	_ =	shalt  }
0x62: {  	_ =	shalt  }
0x63: {  	_ =	shalt  }
0x64: {  	_ =	shalt  }
0x65: {  	_ =	shalt  }
0x66: {  	_ =	shalt  }
0x67: {  	_ =	shalt  }
0x68: {  	_ =	shalt  }
0x69: {  	_ =	shalt  }
0x6a: {  	_ =	shalt  }
0x6b: {  	_ =	shalt  }
0x6c: {  	_ =	shalt  }
0x6d: {  	_ =	shalt  }
0x6e: {  	_ =	shalt  }
0x6f: {  	_ =	shalt  }
0x70: {  	_ =	shalt  }
0x71: {  	_ =	shalt  }
0x72: {  	_ =	shalt  }
0x73: {  	_ =	shalt  }
0x74: {  	_ =	shalt  }
0x75: {  	_ =	shalt  }
0x76: {  	_ =	shalt  }
0x77: {  	_ =	shalt  }
0x78: {  	_ =	shalt  }
0x79: {  	_ =	shalt  }
0x7a: {  	_ =	shalt  }
0x7b: {  	_ =	shalt  }
0x7c: {  	_ =	shalt  }
0x7d: {  	_ =	shalt  }
0x7e: {  	_ =	shalt  }
0x7f: {  	_ =	shalt  }
0x80: {  	_ =	shalt  }
0x81: {  	_ =	shalt  }
0x82: {  	_ =	shalt  }
0x83: {  	_ =	shalt  }
0x84: {  	_ =	shalt  }
0x85: {  	_ =	shalt  }
0x86: {  	_ =	shalt  }
0x87: {  	_ =	shalt  }
.Lfunc_end0:
.L_simem_size_0:
called_computation.2_lowered:
.L_overlay_start_0:
0x88: {  	s2 =	sld [smem:$0x3FD9]  }
0x89: {  	s3 =	sld [smem:$0x3FFE];
	_ =	sdelay $0x1  }
0x8a: {  	s1 =	srdreg.scid  }
0x8b: {  	s0 =	sand.u32 $0x1, s1  }
0x8c: {  	s17 =	sshll.u32 s0, $0xA;
	s2 =	sadd.s32 s3, s2  }
0x8d: {  	s2 =	sadd.s32 s2, s17  }
0x8e: {  	[smem:$0x3FBE] =	sst s2  }
0x8f: {  	_ = 	snop  }
0x90: {  	s2 =	sld [smem:$0x3FD0];
	(tm) =	ssettm $0x1  }
0x91: {  	s18 =	sld [smem:$0x3FFB];
	_ =	sdelay $0x3  }
0x92: {  	_ =	strace s18  }
0x93: {  	s3 =	sld [smem:$0x3FFC];
	_ =	sdelay $0x3  }
0x94: {  	_ =	strace s3  }
0x95: {  	s3 =	sld [smem:$0x3FFD];
	_ =	sdelay $0x3  }
0x96: {  	_ =	strace s3  }
0x97: {  	_ =	strace $0x8FFFFFFF  }
0x98: {  	s19 =	sld [smem:$0x3FDB];
	_ =	sdelay $0x1  }
0x99: {  	s4 =	simm.s32 $_scs_section_size  }
0x9a: {  	s5 =	simm.s32 $_size__tile_overlayer_lowered;
	s6 =	simm.s32 $_tile_overlayer_lowered  }
0x9b: {  	s22 =	simm.s32 $0x1BFF;
	s21 =	sshll.u32 s6, $0x1;
	s3 =	sadd.s32 s4, s19  }
0x9c: {  	s7 =	simm.s32 $0x0;
	s20 =	sshll.u32 s5, $0x1;
	s5 =	sadd.s32 s21, s3  }
0x9d: {  	[timem:s7], [sflag:s22] =	dma.local [hbm:s5], s20  }
0x9e: {  	_ =	swait.ge [sflag:s22], s20  }
0x9f: {  	s4 =	ssub.s32 $0x0, s20;
	[sflag:s22] =	ssyncset.done $0x0  }
0xa0: {  	[sflag:s22] =	ssyncadd.s32 s4;
	_ =	sdelay $0x1  }
0xa1: {  	s23 =	simm.s32 $0x1B8B  }
0xa2: {  	_ =	swait.ge [sflag:s23], $0x1  }
0xa3: {  	[sflag:s23] =	ssyncset.done $0x0  }
0xa4: {  	s25 =	simm.s32 $0x1B8E;
	s24 =	sld [smem:$0x3FFE];
	[sflag:s23] =	ssyncadd.s32 $0xFFFFFFFF  }
0xa5: {  	s26 =	simm.s32 $execute0_lowered;
	[smem:$0x3FD2] =	sst s25  }
0xa6: {  	s5 =	sshll.u32 s26, $0x1;
	_ =	strace $0x8000004C;
	[dreg:$0x1] =	wrdreg $0xFFFFFFFF  }
0xa7: {  	s28 =	simm.s32 $_size_execute0_lowered;
	s3 =	sadd.s32 s3, s5;
	[dreg:$0x0] =	wrdreg $0x0  }
0xa8: {  	s5 =	sshll.u32 s28, $0x1;
	[dreg:$0x2] =	wrdreg s3  }
0xa9: {  	[dreg:$0x3] =	wrdreg s5  }
0xaa: {  	[dreg:$0x4] =	wrdreg $0xC0  }
0xab: {  	_ =	task [dreg:s7], $0x5FFFF  }
0xac: {  	[dreg:$0x1] =	wrdreg $0xFFFFFFFF  }
0xad: {  	[dreg:$0x0] =	wrdreg $0x60  }
0xae: {  	[dreg:$0x2] =	wrdreg s24  }
0xaf: {  	[dreg:$0x3] =	wrdreg s2  }
0xb0: {  	[dreg:$0x4] =	wrdreg $0x41000  }
0xb1: {  	[dreg:$0x5] =	wrdreg $0x9  }
0xb2: {  	_ =	task.clear_ibuf [dreg:s7], $0x6FFFF;
	_ =	strace $0x9000004C  }
0xb3: {  	s29 =	simm.s32 $0x9;
	_ =	strace $0x8000004E  }
0xb4: {  	_ =	swait.ge [sflag:s29], $0x1  }
0xb5: {  	[sflag:s29] =	ssyncadd.s32 $0xFFFFFFFF  }
0xb6: {  	_ =	strace $0x9000004E  }
0xb7: {  	_ =	sfence  }
0xb8: {  	s30 =	sld [smem:$0x0];
	_ =	sdelay $0x2  }
0xb9: {  	s31 =	sshll.u32 s1, $0xD;
	s1 =	sshrl.u32 s1, $0x2  }
0xba: {  	s3 =	sand.u32 $0x4000, s31;
	s1 =	sadd.s32 s1, s30  }
0xbb: {  	s0 =	sor.u32 s3, s0;
	s1 =	sshll.u32 s1, $0x11  }
0xbc: {  	s0 =	sor.u32 s1, s0  }
0xbd: {  	s0 =	sadd.s32 $0x8F2B, s0  }
0xbe: {  	[sflag:s0] =	ssyncadd.remote.s32 $0x1  }
0xbf: {  	_ =	sfence.sel $0xFFFF  }
0xc0: {  	[dreg:$0x0] =	wrdreg $0xFFFFFFFF;
	(pc) =	sbr.abs _section_cstart, $3  }
0xc1: {  	[dreg:$0x1] =	wrdreg $0xFFFFFFFF  }
0xc2: {  	_ =	task.clear_ibuf [dreg:s7], $0x2FFFF;
	_ =	strace $0x9FFFFFFF  }
0xc3: {  	(tm) =	ssettm $0x7FFFFFFF  }
tec
execute0_lowered:
.L_overlay_start_1:
0x0: {  	(tag) =	ssettag $0x1  }
0x1: {  	s8 =	rddreg [dreg:$0x0]  }
0x2: {  	s14 =	rddreg [dreg:$0x1]  }
0x3: {  	s1 =	rddreg [dreg:$0x2]  }
0x4: {  	s0 =	rddreg [dreg:$0x3];
	s3 =	simm.s32 $0x0;
	s2 =	stileid.u32  }
0x5: {  	s9 =	srdreg.scid;
	s21 =	simm.s32 $0x4F0000;
	[smem:$0x7FF] =	sst s3  }
0x6: {  	s4 =	sadd.s32 $0xAB600, s8;
	s5 =	sadd.s32 $0x83E00, s8;
	s15 =	smul.u32 $0x13C00, s2  }
0x7: {  	s6 =	sadd.s32 $0x5C600, s8;
	s7 =	sadd.s32 $0x34E00, s8;
	s16 =	smul.u32 $0x9E0, s2  }
0x8: {  	s12 =	sand.u32 $0x1, s9;
	s28 =	smul.u32 $0x4F000, s2;
	s18 =	sadd.s32 $0x1BB800, s8  }
0x9: {  	s30 =	sshll.u32 s2, $0x6;
	_ =	strace $0x8000004D;
	s13 =	ssub.s32 $0x2, s12  }
0xa: {  	p0 =	seq.s32 s12, $0x0;
	s22 =	smul.u32 $0x4F0, s12;
	s11 =	sshrl.u32 s15, $0x3  }
0xb: {  	s17 =	sadd.s32 s16, s8;
	s29 =	sshrl.u32 s13, $0x1;
	s9 =	sshrl.u32 s28, $0x2  }
0xc: {  	s21 =	simm.s32 @!p0 $0x62C000;
	s16 =	sadd.s32 s16, s14;
	s10 =	sadd.s32 s11, s8  }
0xd: {  	s13 =	ssub.s32 s13, s29;
	s19 =	sadd.s32 s9, s1;
	s9 =	sor.u32 $0x1C02, s30  }
0xe: {  	s20 =	sadd.s32 $0x27800, s11;
	s31 =	sadd.s32 s21, s15;
	s21 =	simm.s32 $0x768000  }
0xf: {  	s8 =	sadd.s32 $0xD600, s10;
	s10 =	smax.u32 s13, $0x1;
	s13 =	simm.s32 $0x278000  }
0x10: {  	s17 =	sadd.s32 s22, s17;
	s20 =	smov.u32 @p0 s11;
	s13 =	simm.s32 @!p0 $0x3B4000  }
0x11: {  	s21 =	simm.s32 @!p0 $0x8A4000;
	s11 =	sadd.s32 s18, s20;
	s13 =	sadd.s32 s13, s15  }
0x12: {  	s20 =	sshrl.u32 s31, $0x3;
	s15 =	sadd.s32 s21, s15;
	s13 =	sshrl.u32 s13, $0x3  }
0x13: {  	s21 =	simm.s32 $0x1;
	s15 =	sshrl.u32 s15, $0x3;
	s12 =	sadd.s32 s18, s13  }
0x14: {  	s13 =	sadd.s32 s18, s20;
	s14 =	sadd.s32 s18, s15;
	s15 =	sadd.s32 s22, s16  }
0x15: {  	s16 =	sadd.s32 $0x3000, s17;
	s17 =	sshrl.u32 s19, $0x3;
	s18 =	simm.s32 $0x2  }
0x16: {  	s19 =	simm.s32 $0x80;
	s20 =	simm.s32 $0x100;
	s22 =	simm.s32 $0x0  }
.LBB2_1:
0x17: {  	[spmem:s17], [sflag:s9] =	dma.local [hbm:s8], $0x2780  }
0x18: {  	_ =	swait.ge [sflag:s18], $0x2780  }
0x19: {  	[sflag:s18] =	ssyncset.done $0x0  }
0x1a: {  	[sflag:s18] =	ssyncadd.s32 $0xFFFFD880  }
0x1b: {  	s23 =	sadd.s32 $0x0, s15;
	[bflag:$0x0] =	sbarrier.arrive $0xFFFF  }
0x1c: {  	[tilespmem:s3], [sflag:$0x2] =	stream.linear.gather [hbm4b:s23+s3], $0x80, $0x38;
	[tilespmem:$0x17D00] =	vst v63  }
0x1d: {  	_ =	swait.ge [sflag:s18], $0x80  }
0x1e: {  	[sflag:s18] =	ssyncset.done $0x0  }
0x1f: {  	s31 =	sadd.s32 $0x0, s16;
	[sflag:s18] =	ssyncadd.s32 $0xFFFFFF80  }
0x20: {  	[tilespmem:s19], [sflag:$0x2] =	stream.linear.gather [hbm4b:s31+s3], $0x80, $0x38;
	[tilespmem:$0x17D00] =	vst v63  }
0x21: {  	_ =	swait.ge [sflag:s18], $0x80  }
0x22: {  	[sflag:s18] =	ssyncset.done $0x0  }
0x23: {  	[sflag:s18] =	ssyncadd.s32 $0xFFFFFF80  }
0x24: {  	[tilespmem:s20], [sflag:$0x1] =	stream.indirect.gather [hbm4b:s4+s19], $0x80, s3, s19, $0xb8;
	[tilespmem:$0x17D00] =	vst v63  }
0x25: {  	_ =	swait.ge [sflag:s21], $0x4000  }
0x26: {  	[sflag:s21] =	ssyncset.done $0x0  }
0x27: {  	[sflag:s21] =	ssyncadd.s32 $0xFFFFC000  }
0x28: {  	[spmem:s1] =	stream.indirect.scatter.add.f32 [tilespmem:s20], [sflag:$0x2], $0x80, s19, s19, $0xb8;
	[tilespmem:$0x17D00] =	vst v63  }
0x29: {  	_ =	swait.ge [sflag:s18], $0x4000  }
0x2a: {  	s24 =	simm.s32 $0x20;
	s23 =	simm.s32 $0x10;
	[sflag:s18] =	ssyncset.done $0x0  }
.LBB2_2:
0x2b: {  	s25 =	sadd.s32 s23, s15  }
0x2c: {  	[sflag:s18] =	ssyncadd.s32 $0xFFFFC000;
	s26 =	smov.u32 s24;
	s28 =	sadd.s32 $0x10, s24  }
0x2d: {  	[tilespmem:s3], [sflag:$0x2] =	stream.linear.gather [hbm4b:s25+s3], $0x80, $0x38;
	[tilespmem:$0x17D00] =	vst v63  }
0x2e: {  	p0 =	sne.s32 s24, $0x4E0;
	_ =	swait.ge [sflag:s18], $0x80  }
0x2f: {  	[sflag:s18] =	ssyncset.done $0x0  }
0x30: {  	s24 =	sadd.s32 s23, s16;
	s23 =	smov.u32 s26;
	[sflag:s18] =	ssyncadd.s32 $0xFFFFFF80  }
0x31: {  	[tilespmem:s19], [sflag:$0x2] =	stream.linear.gather [hbm4b:s24+s3], $0x80, $0x38;
	[tilespmem:$0x17D00] =	vst v63  }
0x32: {  	_ =	swait.ge [sflag:s18], $0x80  }
0x33: {  	[sflag:s18] =	ssyncset.done $0x0  }
0x34: {  	[sflag:s18] =	ssyncadd.s32 $0xFFFFFF80  }
0x35: {  	[tilespmem:s20], [sflag:$0x1] =	stream.indirect.gather [hbm4b:s4+s19], $0x80, s3, s19, $0xb8;
	[tilespmem:$0x17D00] =	vst v63  }
0x36: {  	_ =	swait.ge [sflag:s21], $0x4000  }
.Ltmp0:
0x37: {  	[sflag:s21] =	ssyncset.done $0x0;
	(pc) =	sbr.rel @p0 .LBB2_2-.Ltmp0, $4  }
0x38: {  	[sflag:s21] =	ssyncadd.s32 $0xFFFFC000  }
0x39: {  	[spmem:s1] =	stream.indirect.scatter.add.f32 [tilespmem:s20], [sflag:$0x2], $0x80, s19, s19, $0xb8;
	[tilespmem:$0x17D00] =	vst v63  }
0x3a: {  	_ =	swait.ge [sflag:s18], $0x4000  }
0x3b: {  	s24 =	smov.u32 s28;
	[sflag:s18] =	ssyncset.done $0x0  }
0x3c: {  	s24 =	sadd.s32 s23, s15;
	[sflag:s18] =	ssyncadd.s32 $0xFFFFC000  }
0x3d: {  	[tilespmem:s3], [sflag:$0x2] =	stream.linear.gather [hbm4b:s24+s3], $0x80, $0x38;
	[tilespmem:$0x17D00] =	vst v63  }
0x3e: {  	_ =	swait.ge [sflag:s18], $0x80  }
0x3f: {  	[sflag:s18] =	ssyncset.done $0x0  }
0x40: {  	s29 =	sadd.s32 s23, s16;
	[sflag:s18] =	ssyncadd.s32 $0xFFFFFF80  }
0x41: {  	[tilespmem:s19], [sflag:$0x2] =	stream.linear.gather [hbm4b:s29+s3], $0x80, $0x38;
	[tilespmem:$0x17D00] =	vst v63  }
0x42: {  	_ =	swait.ge [sflag:s18], $0x80  }
0x43: {  	[sflag:s18] =	ssyncset.done $0x0  }
0x44: {  	[sflag:s18] =	ssyncadd.s32 $0xFFFFFF80  }
0x45: {  	[tilespmem:s20], [sflag:$0x1] =	stream.indirect.gather [hbm4b:s4+s19], $0x80, s3, s19, $0xb8;
	[tilespmem:$0x17D00] =	vst v63  }
0x46: {  	_ =	swait.ge [sflag:s21], $0x4000  }
0x47: {  	[sflag:s21] =	ssyncset.done $0x0  }
0x48: {  	[sflag:s21] =	ssyncadd.s32 $0xFFFFC000  }
0x49: {  	[spmem:s1] =	stream.indirect.scatter.add.f32 [tilespmem:s20], [sflag:$0x2], $0x80, s19, s19, $0xb8;
	[tilespmem:$0x17D00] =	vst v63  }
0x4a: {  	_ =	swait.ge [sflag:s18], $0x4000  }
0x4b: {  	[sflag:s18] =	ssyncset.done $0x0  }
0x4c: {  	[sflag:s18] =	ssyncadd.s32 $0xFFFFC000  }
0x4d: {  	[bflag:$0x0] =	sbarrier.arrive $0xFFFF  }
0x4e: {  	[hbm:s11], [sflag:s9] =	dma.local [spmem:s17], $0x2780  }
0x4f: {  	_ =	swait.ge [sflag:s18], $0x2780  }
0x50: {  	[sflag:s18] =	ssyncset.done $0x0  }
0x51: {  	[sflag:s18] =	ssyncadd.s32 $0xFFFFD880  }
0x52: {  	[bflag:$0x0] =	sbarrier.arrive $0xFFFF  }
0x53: {  	[spmem:s17], [sflag:s9] =	dma.local [hbm:s8], $0x2780  }
0x54: {  	_ =	swait.ge [sflag:s18], $0x2780  }
0x55: {  	[sflag:s18] =	ssyncset.done $0x0  }
0x56: {  	[sflag:s18] =	ssyncadd.s32 $0xFFFFD880  }
0x57: {  	s30 =	sadd.s32 $0x0, s15;
	[bflag:$0x0] =	sbarrier.arrive $0xFFFF  }
0x58: {  	[tilespmem:s3], [sflag:$0x2] =	stream.linear.gather [hbm4b:s30+s3], $0x80, $0x38;
	[tilespmem:$0x17D00] =	vst v63  }
0x59: {  	_ =	swait.ge [sflag:s18], $0x80  }
0x5a: {  	[sflag:s18] =	ssyncset.done $0x0  }
0x5b: {  	s31 =	sadd.s32 $0x0, s16;
	[sflag:s18] =	ssyncadd.s32 $0xFFFFFF80  }
0x5c: {  	[tilespmem:s19], [sflag:$0x2] =	stream.linear.gather [hbm4b:s31+s3], $0x80, $0x38;
	[tilespmem:$0x17D00] =	vst v63  }
0x5d: {  	_ =	swait.ge [sflag:s18], $0x80  }
0x5e: {  	[sflag:s18] =	ssyncset.done $0x0  }
0x5f: {  	[sflag:s18] =	ssyncadd.s32 $0xFFFFFF80  }
0x60: {  	[tilespmem:s20], [sflag:$0x1] =	stream.indirect.gather [hbm4b:s5+s19], $0x80, s3, s19, $0xb8;
	[tilespmem:$0x17D00] =	vst v63  }
0x61: {  	_ =	swait.ge [sflag:s21], $0x4000  }
0x62: {  	[sflag:s21] =	ssyncset.done $0x0  }
0x63: {  	[sflag:s21] =	ssyncadd.s32 $0xFFFFC000  }
0x64: {  	[spmem:s1] =	stream.indirect.scatter.add.f32 [tilespmem:s20], [sflag:$0x2], $0x80, s19, s19, $0xb8;
	[tilespmem:$0x17D00] =	vst v63  }
0x65: {  	_ =	swait.ge [sflag:s18], $0x4000  }
0x66: {  	s23 =	simm.s32 $0x10;
	s24 =	simm.s32 $0x20;
	[sflag:s18] =	ssyncset.done $0x0  }
.LBB2_4:
0x67: {  	s25 =	sadd.s32 s23, s15  }
0x68: {  	[sflag:s18] =	ssyncadd.s32 $0xFFFFC000;
	s26 =	smov.u32 s24;
	s28 =	sadd.s32 $0x10, s24  }
0x69: {  	[tilespmem:s3], [sflag:$0x2] =	stream.linear.gather [hbm4b:s25+s3], $0x80, $0x38;
	[tilespmem:$0x17D00] =	vst v63  }
0x6a: {  	p0 =	sne.s32 s24, $0x4E0;
	_ =	swait.ge [sflag:s18], $0x80  }
0x6b: {  	[sflag:s18] =	ssyncset.done $0x0  }
0x6c: {  	s24 =	sadd.s32 s23, s16;
	s23 =	smov.u32 s26;
	[sflag:s18] =	ssyncadd.s32 $0xFFFFFF80  }
0x6d: {  	[tilespmem:s19], [sflag:$0x2] =	stream.linear.gather [hbm4b:s24+s3], $0x80, $0x38;
	[tilespmem:$0x17D00] =	vst v63  }
0x6e: {  	_ =	swait.ge [sflag:s18], $0x80  }
0x6f: {  	[sflag:s18] =	ssyncset.done $0x0  }
0x70: {  	[sflag:s18] =	ssyncadd.s32 $0xFFFFFF80  }
0x71: {  	[tilespmem:s20], [sflag:$0x1] =	stream.indirect.gather [hbm4b:s5+s19], $0x80, s3, s19, $0xb8;
	[tilespmem:$0x17D00] =	vst v63  }
0x72: {  	_ =	swait.ge [sflag:s21], $0x4000  }
.Ltmp1:
0x73: {  	[sflag:s21] =	ssyncset.done $0x0;
	(pc) =	sbr.rel @p0 .LBB2_4-.Ltmp1, $4  }
0x74: {  	[sflag:s21] =	ssyncadd.s32 $0xFFFFC000  }
0x75: {  	[spmem:s1] =	stream.indirect.scatter.add.f32 [tilespmem:s20], [sflag:$0x2], $0x80, s19, s19, $0xb8;
	[tilespmem:$0x17D00] =	vst v63  }
0x76: {  	_ =	swait.ge [sflag:s18], $0x4000  }
0x77: {  	s24 =	smov.u32 s28;
	[sflag:s18] =	ssyncset.done $0x0  }
0x78: {  	s24 =	sadd.s32 s23, s15;
	[sflag:s18] =	ssyncadd.s32 $0xFFFFC000  }
0x79: {  	[tilespmem:s3], [sflag:$0x2] =	stream.linear.gather [hbm4b:s24+s3], $0x80, $0x38;
	[tilespmem:$0x17D00] =	vst v63  }
0x7a: {  	_ =	swait.ge [sflag:s18], $0x80  }
0x7b: {  	[sflag:s18] =	ssyncset.done $0x0  }
0x7c: {  	s29 =	sadd.s32 s23, s16;
	[sflag:s18] =	ssyncadd.s32 $0xFFFFFF80  }
0x7d: {  	[tilespmem:s19], [sflag:$0x2] =	stream.linear.gather [hbm4b:s29+s3], $0x80, $0x38;
	[tilespmem:$0x17D00] =	vst v63  }
0x7e: {  	_ =	swait.ge [sflag:s18], $0x80  }
0x7f: {  	[sflag:s18] =	ssyncset.done $0x0  }
0x80: {  	[sflag:s18] =	ssyncadd.s32 $0xFFFFFF80  }
0x81: {  	[tilespmem:s20], [sflag:$0x1] =	stream.indirect.gather [hbm4b:s5+s19], $0x80, s3, s19, $0xb8;
	[tilespmem:$0x17D00] =	vst v63  }
0x82: {  	_ =	swait.ge [sflag:s21], $0x4000  }
0x83: {  	[sflag:s21] =	ssyncset.done $0x0  }
0x84: {  	[sflag:s21] =	ssyncadd.s32 $0xFFFFC000  }
0x85: {  	[spmem:s1] =	stream.indirect.scatter.add.f32 [tilespmem:s20], [sflag:$0x2], $0x80, s19, s19, $0xb8;
	[tilespmem:$0x17D00] =	vst v63  }
0x86: {  	_ =	swait.ge [sflag:s18], $0x4000  }
0x87: {  	[sflag:s18] =	ssyncset.done $0x0  }
0x88: {  	[sflag:s18] =	ssyncadd.s32 $0xFFFFC000  }
0x89: {  	[bflag:$0x0] =	sbarrier.arrive $0xFFFF  }
0x8a: {  	[hbm:s12], [sflag:s9] =	dma.local [spmem:s17], $0x2780  }
0x8b: {  	_ =	swait.ge [sflag:s18], $0x2780  }
0x8c: {  	[sflag:s18] =	ssyncset.done $0x0  }
0x8d: {  	[sflag:s18] =	ssyncadd.s32 $0xFFFFD880  }
0x8e: {  	[bflag:$0x0] =	sbarrier.arrive $0xFFFF  }
0x8f: {  	[spmem:s17], [sflag:s9] =	dma.local [hbm:s8], $0x2780  }
0x90: {  	_ =	swait.ge [sflag:s18], $0x2780  }
0x91: {  	[sflag:s18] =	ssyncset.done $0x0  }
0x92: {  	[sflag:s18] =	ssyncadd.s32 $0xFFFFD880  }
0x93: {  	s30 =	sadd.s32 $0x0, s15;
	[bflag:$0x0] =	sbarrier.arrive $0xFFFF  }
0x94: {  	[tilespmem:s3], [sflag:$0x2] =	stream.linear.gather [hbm4b:s30+s3], $0x80, $0x38;
	[tilespmem:$0x17D00] =	vst v63  }
0x95: {  	_ =	swait.ge [sflag:s18], $0x80  }
0x96: {  	[sflag:s18] =	ssyncset.done $0x0  }
0x97: {  	s31 =	sadd.s32 $0x0, s16;
	[sflag:s18] =	ssyncadd.s32 $0xFFFFFF80  }
0x98: {  	[tilespmem:s19], [sflag:$0x2] =	stream.linear.gather [hbm4b:s31+s3], $0x80, $0x38;
	[tilespmem:$0x17D00] =	vst v63  }
0x99: {  	_ =	swait.ge [sflag:s18], $0x80  }
0x9a: {  	[sflag:s18] =	ssyncset.done $0x0  }
0x9b: {  	[sflag:s18] =	ssyncadd.s32 $0xFFFFFF80  }
0x9c: {  	[tilespmem:s20], [sflag:$0x1] =	stream.indirect.gather [hbm4b:s6+s19], $0x80, s3, s19, $0xb8;
	[tilespmem:$0x17D00] =	vst v63  }
0x9d: {  	_ =	swait.ge [sflag:s21], $0x4000  }
0x9e: {  	[sflag:s21] =	ssyncset.done $0x0  }
0x9f: {  	[sflag:s21] =	ssyncadd.s32 $0xFFFFC000  }
0xa0: {  	[spmem:s1] =	stream.indirect.scatter.add.f32 [tilespmem:s20], [sflag:$0x2], $0x80, s19, s19, $0xb8;
	[tilespmem:$0x17D00] =	vst v63  }
0xa1: {  	_ =	swait.ge [sflag:s18], $0x4000  }
0xa2: {  	s23 =	simm.s32 $0x10;
	s24 =	simm.s32 $0x20;
	[sflag:s18] =	ssyncset.done $0x0  }
.LBB2_6:
0xa3: {  	s25 =	sadd.s32 s23, s15  }
0xa4: {  	[sflag:s18] =	ssyncadd.s32 $0xFFFFC000;
	s26 =	smov.u32 s24;
	s28 =	sadd.s32 $0x10, s24  }
0xa5: {  	[tilespmem:s3], [sflag:$0x2] =	stream.linear.gather [hbm4b:s25+s3], $0x80, $0x38;
	[tilespmem:$0x17D00] =	vst v63  }
0xa6: {  	p0 =	sne.s32 s24, $0x4E0;
	_ =	swait.ge [sflag:s18], $0x80  }
0xa7: {  	[sflag:s18] =	ssyncset.done $0x0  }
0xa8: {  	s24 =	sadd.s32 s23, s16;
	s23 =	smov.u32 s26;
	[sflag:s18] =	ssyncadd.s32 $0xFFFFFF80  }
0xa9: {  	[tilespmem:s19], [sflag:$0x2] =	stream.linear.gather [hbm4b:s24+s3], $0x80, $0x38;
	[tilespmem:$0x17D00] =	vst v63  }
0xaa: {  	_ =	swait.ge [sflag:s18], $0x80  }
0xab: {  	[sflag:s18] =	ssyncset.done $0x0  }
0xac: {  	[sflag:s18] =	ssyncadd.s32 $0xFFFFFF80  }
0xad: {  	[tilespmem:s20], [sflag:$0x1] =	stream.indirect.gather [hbm4b:s6+s19], $0x80, s3, s19, $0xb8;
	[tilespmem:$0x17D00] =	vst v63  }
0xae: {  	_ =	swait.ge [sflag:s21], $0x4000  }
.Ltmp2:
0xaf: {  	[sflag:s21] =	ssyncset.done $0x0;
	(pc) =	sbr.rel @p0 .LBB2_6-.Ltmp2, $4  }
0xb0: {  	[sflag:s21] =	ssyncadd.s32 $0xFFFFC000  }
0xb1: {  	[spmem:s1] =	stream.indirect.scatter.add.f32 [tilespmem:s20], [sflag:$0x2], $0x80, s19, s19, $0xb8;
	[tilespmem:$0x17D00] =	vst v63  }
0xb2: {  	_ =	swait.ge [sflag:s18], $0x4000  }
0xb3: {  	s24 =	smov.u32 s28;
	[sflag:s18] =	ssyncset.done $0x0  }
0xb4: {  	s24 =	sadd.s32 s23, s15;
	[sflag:s18] =	ssyncadd.s32 $0xFFFFC000  }
0xb5: {  	[tilespmem:s3], [sflag:$0x2] =	stream.linear.gather [hbm4b:s24+s3], $0x80, $0x38;
	[tilespmem:$0x17D00] =	vst v63  }
0xb6: {  	_ =	swait.ge [sflag:s18], $0x80  }
0xb7: {  	[sflag:s18] =	ssyncset.done $0x0  }
0xb8: {  	s29 =	sadd.s32 s23, s16;
	[sflag:s18] =	ssyncadd.s32 $0xFFFFFF80  }
0xb9: {  	[tilespmem:s19], [sflag:$0x2] =	stream.linear.gather [hbm4b:s29+s3], $0x80, $0x38;
	[tilespmem:$0x17D00] =	vst v63  }
0xba: {  	_ =	swait.ge [sflag:s18], $0x80  }
0xbb: {  	[sflag:s18] =	ssyncset.done $0x0  }
0xbc: {  	[sflag:s18] =	ssyncadd.s32 $0xFFFFFF80  }
0xbd: {  	[tilespmem:s20], [sflag:$0x1] =	stream.indirect.gather [hbm4b:s6+s19], $0x80, s3, s19, $0xb8;
	[tilespmem:$0x17D00] =	vst v63  }
0xbe: {  	_ =	swait.ge [sflag:s21], $0x4000  }
0xbf: {  	[sflag:s21] =	ssyncset.done $0x0  }
0xc0: {  	[sflag:s21] =	ssyncadd.s32 $0xFFFFC000  }
0xc1: {  	[spmem:s1] =	stream.indirect.scatter.add.f32 [tilespmem:s20], [sflag:$0x2], $0x80, s19, s19, $0xb8;
	[tilespmem:$0x17D00] =	vst v63  }
0xc2: {  	_ =	swait.ge [sflag:s18], $0x4000  }
0xc3: {  	[sflag:s18] =	ssyncset.done $0x0  }
0xc4: {  	[sflag:s18] =	ssyncadd.s32 $0xFFFFC000  }
0xc5: {  	[bflag:$0x0] =	sbarrier.arrive $0xFFFF  }
0xc6: {  	[hbm:s13], [sflag:s9] =	dma.local [spmem:s17], $0x2780  }
0xc7: {  	_ =	swait.ge [sflag:s18], $0x2780  }
0xc8: {  	[sflag:s18] =	ssyncset.done $0x0  }
0xc9: {  	[sflag:s18] =	ssyncadd.s32 $0xFFFFD880  }
0xca: {  	[bflag:$0x0] =	sbarrier.arrive $0xFFFF  }
0xcb: {  	[spmem:s17], [sflag:s9] =	dma.local [hbm:s8], $0x2780  }
0xcc: {  	_ =	swait.ge [sflag:s18], $0x2780  }
0xcd: {  	[sflag:s18] =	ssyncset.done $0x0  }
0xce: {  	[sflag:s18] =	ssyncadd.s32 $0xFFFFD880  }
0xcf: {  	s30 =	sadd.s32 $0x0, s15;
	[bflag:$0x0] =	sbarrier.arrive $0xFFFF  }
0xd0: {  	[tilespmem:s3], [sflag:$0x2] =	stream.linear.gather [hbm4b:s30+s3], $0x80, $0x38;
	[tilespmem:$0x17D00] =	vst v63  }
0xd1: {  	_ =	swait.ge [sflag:s18], $0x80  }
0xd2: {  	[sflag:s18] =	ssyncset.done $0x0  }
0xd3: {  	s31 =	sadd.s32 $0x0, s16;
	[sflag:s18] =	ssyncadd.s32 $0xFFFFFF80  }
0xd4: {  	[tilespmem:s19], [sflag:$0x2] =	stream.linear.gather [hbm4b:s31+s3], $0x80, $0x38;
	[tilespmem:$0x17D00] =	vst v63  }
0xd5: {  	_ =	swait.ge [sflag:s18], $0x80  }
0xd6: {  	[sflag:s18] =	ssyncset.done $0x0  }
0xd7: {  	[sflag:s18] =	ssyncadd.s32 $0xFFFFFF80  }
0xd8: {  	[tilespmem:s20], [sflag:$0x1] =	stream.indirect.gather [hbm4b:s7+s19], $0x80, s3, s19, $0xb8;
	[tilespmem:$0x17D00] =	vst v63  }
0xd9: {  	_ =	swait.ge [sflag:s21], $0x4000  }
0xda: {  	[sflag:s21] =	ssyncset.done $0x0  }
0xdb: {  	[sflag:s21] =	ssyncadd.s32 $0xFFFFC000  }
0xdc: {  	[spmem:s1] =	stream.indirect.scatter.add.f32 [tilespmem:s20], [sflag:$0x2], $0x80, s19, s19, $0xb8;
	[tilespmem:$0x17D00] =	vst v63  }
0xdd: {  	_ =	swait.ge [sflag:s18], $0x4000  }
0xde: {  	s23 =	simm.s32 $0x10;
	s24 =	simm.s32 $0x20;
	[sflag:s18] =	ssyncset.done $0x0  }
.LBB2_8:
0xdf: {  	s25 =	sadd.s32 s23, s15  }
0xe0: {  	[sflag:s18] =	ssyncadd.s32 $0xFFFFC000;
	s26 =	smov.u32 s24;
	s28 =	sadd.s32 $0x10, s24  }
0xe1: {  	[tilespmem:s3], [sflag:$0x2] =	stream.linear.gather [hbm4b:s25+s3], $0x80, $0x38;
	[tilespmem:$0x17D00] =	vst v63  }
0xe2: {  	p0 =	sne.s32 s24, $0x4E0;
	_ =	swait.ge [sflag:s18], $0x80  }
0xe3: {  	[sflag:s18] =	ssyncset.done $0x0  }
0xe4: {  	s24 =	sadd.s32 s23, s16;
	s23 =	smov.u32 s26;
	[sflag:s18] =	ssyncadd.s32 $0xFFFFFF80  }
0xe5: {  	[tilespmem:s19], [sflag:$0x2] =	stream.linear.gather [hbm4b:s24+s3], $0x80, $0x38;
	[tilespmem:$0x17D00] =	vst v63  }
0xe6: {  	_ =	swait.ge [sflag:s18], $0x80  }
0xe7: {  	[sflag:s18] =	ssyncset.done $0x0  }
0xe8: {  	[sflag:s18] =	ssyncadd.s32 $0xFFFFFF80  }
0xe9: {  	[tilespmem:s20], [sflag:$0x1] =	stream.indirect.gather [hbm4b:s7+s19], $0x80, s3, s19, $0xb8;
	[tilespmem:$0x17D00] =	vst v63  }
0xea: {  	_ =	swait.ge [sflag:s21], $0x4000  }
.Ltmp3:
0xeb: {  	[sflag:s21] =	ssyncset.done $0x0;
	(pc) =	sbr.rel @p0 .LBB2_8-.Ltmp3, $4  }
0xec: {  	[sflag:s21] =	ssyncadd.s32 $0xFFFFC000  }
0xed: {  	[spmem:s1] =	stream.indirect.scatter.add.f32 [tilespmem:s20], [sflag:$0x2], $0x80, s19, s19, $0xb8;
	[tilespmem:$0x17D00] =	vst v63  }
0xee: {  	_ =	swait.ge [sflag:s18], $0x4000  }
0xef: {  	s24 =	smov.u32 s28;
	[sflag:s18] =	ssyncset.done $0x0  }
0xf0: {  	s24 =	sadd.s32 s23, s15;
	[sflag:s18] =	ssyncadd.s32 $0xFFFFC000  }
0xf1: {  	[tilespmem:s3], [sflag:$0x2] =	stream.linear.gather [hbm4b:s24+s3], $0x80, $0x38;
	[tilespmem:$0x17D00] =	vst v63  }
0xf2: {  	_ =	swait.ge [sflag:s18], $0x80  }
0xf3: {  	[sflag:s18] =	ssyncset.done $0x0  }
0xf4: {  	s31 =	sadd.s32 s23, s16;
	[sflag:s18] =	ssyncadd.s32 $0xFFFFFF80  }
0xf5: {  	[tilespmem:s19], [sflag:$0x2] =	stream.linear.gather [hbm4b:s31+s3], $0x80, $0x38;
	[tilespmem:$0x17D00] =	vst v63  }
0xf6: {  	_ =	swait.ge [sflag:s18], $0x80  }
0xf7: {  	[sflag:s18] =	ssyncset.done $0x0  }
0xf8: {  	[sflag:s18] =	ssyncadd.s32 $0xFFFFFF80  }
0xf9: {  	[tilespmem:s20], [sflag:$0x1] =	stream.indirect.gather [hbm4b:s7+s19], $0x80, s3, s19, $0xb8;
	[tilespmem:$0x17D00] =	vst v63  }
0xfa: {  	_ =	swait.ge [sflag:s21], $0x4000  }
0xfb: {  	[sflag:s21] =	ssyncset.done $0x0  }
0xfc: {  	[sflag:s21] =	ssyncadd.s32 $0xFFFFC000  }
0xfd: {  	[spmem:s1] =	stream.indirect.scatter.add.f32 [tilespmem:s20], [sflag:$0x2], $0x80, s19, s19, $0xb8;
	[tilespmem:$0x17D00] =	vst v63  }
0xfe: {  	_ =	swait.ge [sflag:s18], $0x4000  }
0xff: {  	[sflag:s18] =	ssyncset.done $0x0  }
0x100: {  	s22 =	sadd.s32 $0x1, s22;
	[sflag:s18] =	ssyncadd.s32 $0xFFFFC000  }
0x101: {  	p0 =	sne.s32 s22, s10;
	[bflag:$0x0] =	sbarrier.arrive $0xFFFF  }
0x102: {  	[hbm:s14], [sflag:s9] =	dma.local [spmem:s17], $0x2780  }
.Ltmp4:
0x103: {  	_ =	swait.ge [sflag:s18], $0x2780;
	(pc) =	sbr.rel @p0 .LBB2_1-.Ltmp4, $3  }
0x104: {  	[sflag:s18] =	ssyncset.done $0x0  }
0x105: {  	[sflag:s18] =	ssyncadd.s32 $0xFFFFD880  }
0x106: {  	[bflag:$0x0] =	sbarrier.arrive $0xFFFF;
	_ =	sdelay $0x1  }
0x107: {  	_ =	sfence.sel $0x180000  }
0x108: {  	[bflag:$0x0] =	sbarrier.arrive $0xFFFF  }
0x109: {  	p0 =	sne.s32 s2, $0x0;
	_ =	strace $0x9000004D  }
0x10a: {  	s0 =	sadd.s32 @!p0 $0x100000, s0;
	[bflag:$0x2] =	sbarrier.arrive $0xFFFF  }
0x10b: {  	[sflag:s0] =	ssyncadd.tile.s32 @!p0 $0x1;
	_ =	shalt  }
.Lfunc_end2:
_tile_overlayer_lowered:
.L_overlay_start_2:
0x10c: {  	(tag) =	ssettag $0x2  }
0x10d: {  	s0 =	rddreg [dreg:$0x0];
	s2 =	stileid.u32  }
0x10e: {  	s1 =	rddreg [dreg:$0x1];
	p0 =	sne.s32 s2, $0x0  }
0x10f: {  	s3 =	rddreg [dreg:$0x2];
	[bflag:$0x3] =	sbarrier.arrive $0xFFFF;
	s2 =	simm.s32 @!p0 $0x1C02  }
0x110: {  	[timem:s3], [sflag:s2] =	dma.local @!p0 [hbm:s0], s1  }
0x111: {  	s0 =	simm.s32 @!p0 $0x2  }
0x112: {  	_ =	swait.ge @!p0 [sflag:s0], s1  }
0x113: {  	s1 =	ssub.s32 @!p0 $0x0, s1;
	[sflag:s0] =	ssyncset.done @!p0 $0x0  }
0x114: {  	[sflag:s0] =	ssyncadd.s32 @!p0 s1  }
0x115: {  	[bflag:$0x3] =	sbarrier.arrive $0xFFFF  }
0x116: {  	_ =	shalt  }

// kernel: kernel.8.cloned.1.call-start
scs
__scs_entry_jumppad:
0x0: {  	(pc) =	sbr.rel $0x88, $3  }
0x1: {  	(tag) =	ssettag $0x0;
	lr =	simm.s32 $0x1  }
0x2: {  	[smem:$0x3F97] =	sst lr;
	_ =	strace $0xD0000000  }
0x3: {  	_ = 	snop  }
0x4: {  	_ = 	snop  }
0x5: {  	_ = 	snop  }
0x6: {  	_ = 	snop  }
0x7: {  	_ = 	snop  }
__scs_overlays_trampoline_lowered:
0x8: {  	[smem:$0x3FA6] =	sst s0  }
0x9: {  	[smem:$0x3FA7] =	sst s1  }
0xa: {  	[smem:$0x3FA8] =	sst s2  }
0xb: {  	[smem:$0x3FA9] =	sst s3  }
0xc: {  	[smem:$0x3FAA] =	sst s4  }
0xd: {  	[smem:$0x3FAB] =	sst s5  }
0xe: {  	[smem:$0x3FAC] =	sst s6  }
0xf: {  	[smem:$0x3FAD] =	sst s7  }
0x10: {  	[smem:$0x3FAE] =	sst s8  }
0x11: {  	[smem:$0x3FAF] =	sst s9;
	s0 =	simm.s32 @!p0 $0x0  }
0x12: {  	s1 =	sld [smem:$0x3F95];
	s0 =	simm.s32 @p0 $0x1  }
0x13: {  	[smem:$0x3FB0] =	sst s0;
	s0 =	simm.s32 @!p1 $0x0  }
0x14: {  	s2 =	sld [smem:$0x3F94];
	s0 =	simm.s32 @p1 $0x1  }
0x15: {  	[smem:$0x3FB1] =	sst s0;
	s0 =	simm.s32 @!p2 $0x0  }
0x16: {  	s3 =	sld [smem:$0x3FDB];
	s0 =	simm.s32 @p2 $0x1  }
0x17: {  	s4 =	simm.s32 $0x1BF5;
	[smem:$0x3FB3] =	sst s0  }
0x18: {  	s0 =	sld [smem:$0x3F96];
	_ =	swait.ge [sflag:s4], $0x0  }
0x19: {  	s7 =	sld [smem:$0x3F97]  }
0x1a: {  	s8 =	sadd.s32 $0xFFFFE003, lr  }
0x1b: {  	s9 =	sadd.s32 $0xFFFFFEF7, lr;
	s5 =	simm.s32 $0xFFFFFFFF;
	p2 =	slt.u32 s8, $0xFFFFF086  }
0x1c: {  	p1 =	slt.u32 s9, $0xF7A;
	s5 =	simm.s32 @!p2 $0x0  }
0x1d: {  	s5 =	simm.s32 @p1 $0x1;
	p0 =	seq.s32 s7, s2  }
0x1e: {  	s7 =	smul.u32 @!p0 $0xF7A, s2;
	p2 =	seq.s32 @!p0 s5, $0x0  }
0x1f: {  	s9 =	smul.u32 $0xF7A, s1;
	s8 =	simm.s32 @!p0 $0x1BF5;
	p2 =	por !p2, p0  }
0x20: {  	[sflag:s8] =	ssyncset.s32 @!p0 $0xFFFFF086;
	s6 =	sadd.s32 @!p0 s3, s7;
	s7 =	simm.s32 @!p0 $0x108  }
0x21: {  	s3 =	sadd.s32 s3, s9;
	s6 =	sadd.s32 @!p0 $0x88, s6;
	s7 =	simm.s32 @p2 $0x1082  }
0x22: {  	[simem:s7], [sflag:s8] =	dma.local @!p0 [hbm:s6], $0xF7A  }
0x23: {  	s9 =	sor.u32 $0xD0000000, s2;
	s6 =	simm.s32 $0x108;
	_ =	swait.ge @!p0 [sflag:s8], $0x0  }
0x24: {  	s3 =	sadd.s32 $0x88, s3;
	s6 =	simm.s32 @!p1 $0x1082;
	[sflag:s4] =	ssyncset.s32 $0xFFFFF086  }
0x25: {  	[simem:s6], [sflag:s4] =	dma.local [hbm:s3], $0xF7A  }
0x26: {  	[smem:$0x3F97] =	sst s1;
	(tag) =	ssettag s2;
	_ =	strace s9  }
0x27: {  	s1 =	sld [smem:$0x3FA7]  }
0x28: {  	s2 =	sld [smem:$0x3FA8]  }
0x29: {  	s4 =	sld [smem:$0x3FAA]  }
0x2a: {  	p0 =	seq.s32 s5, $0x0;
	s5 =	sld [smem:$0x3FAB]  }
0x2b: {  	s6 =	sld [smem:$0x3FAC]  }
0x2c: {  	s7 =	sld [smem:$0x3FAD]  }
0x2d: {  	s3 =	simm.s32 $0x108;
	s8 =	sld [smem:$0x3FAE]  }
0x2e: {  	s3 =	simm.s32 @!p0 $0x1082;
	s9 =	sld [smem:$0x3FAF]  }
0x2f: {  	lr =	sadd.s32 s0, s3;
	s0 =	sld [smem:$0x3FA6]  }
0x30: {  	s3 =	sld [smem:$0x3FA9]  }
0x31: {  	[smem:$0x3FB2] =	sst s10  }
0x32: {  	s10 =	sld [smem:$0x3FB0];
	_ =	sdelay $0x3  }
0x33: {  	p0 =	seq.s32 s10, $0x1;
	s10 =	sld [smem:$0x3FB2];
	_ =	sdelay $0x3  }
0x34: {  	[smem:$0x3FB2] =	sst s10  }
0x35: {  	s10 =	sld [smem:$0x3FB1];
	_ =	sdelay $0x3  }
0x36: {  	p1 =	seq.s32 s10, $0x1;
	s10 =	sld [smem:$0x3FB2];
	_ =	sdelay $0x3  }
0x37: {  	[smem:$0x3FB2] =	sst s10  }
0x38: {  	s10 =	sld [smem:$0x3FB3]  }
0x39: {  	_ = 	snop;
	(pc) =	sbr.ind lr, $3  }
0x3a: {  	_ = 	snop  }
0x3b: {  	_ = 	snop  }
0x3c: {  	p2 =	seq.s32 s10, $0x1;
	s10 =	sld [smem:$0x3FB2]  }
0x3d: {  	_ =	shalt  }
0x3e: {  	_ =	shalt  }
0x3f: {  	_ =	shalt  }
0x40: {  	_ =	shalt  }
0x41: {  	_ =	shalt  }
0x42: {  	_ =	shalt  }
0x43: {  	_ =	shalt  }
0x44: {  	_ =	shalt  }
0x45: {  	_ =	shalt  }
0x46: {  	_ =	shalt  }
0x47: {  	_ =	shalt  }
0x48: {  	_ =	shalt  }
0x49: {  	_ =	shalt  }
0x4a: {  	_ =	shalt  }
0x4b: {  	_ =	shalt  }
0x4c: {  	_ =	shalt  }
0x4d: {  	_ =	shalt  }
0x4e: {  	_ =	shalt  }
0x4f: {  	_ =	shalt  }
0x50: {  	_ =	shalt  }
0x51: {  	_ =	shalt  }
0x52: {  	_ =	shalt  }
0x53: {  	_ =	shalt  }
0x54: {  	_ =	shalt  }
0x55: {  	_ =	shalt  }
0x56: {  	_ =	shalt  }
0x57: {  	_ =	shalt  }
0x58: {  	_ =	shalt  }
0x59: {  	_ =	shalt  }
0x5a: {  	_ =	shalt  }
0x5b: {  	_ =	shalt  }
0x5c: {  	_ =	shalt  }
0x5d: {  	_ =	shalt  }
0x5e: {  	_ =	shalt  }
0x5f: {  	_ =	shalt  }
0x60: {  	_ =	shalt  }
0x61: {  	_ =	shalt  }
0x62: {  	_ =	shalt  }
0x63: {  	_ =	shalt  }
0x64: {  	_ =	shalt  }
0x65: {  	_ =	shalt  }
0x66: {  	_ =	shalt  }
0x67: {  	_ =	shalt  }
0x68: {  	_ =	shalt  }
0x69: {  	_ =	shalt  }
0x6a: {  	_ =	shalt  }
0x6b: {  	_ =	shalt  }
0x6c: {  	_ =	shalt  }
0x6d: {  	_ =	shalt  }
0x6e: {  	_ =	shalt  }
0x6f: {  	_ =	shalt  }
0x70: {  	_ =	shalt  }
0x71: {  	_ =	shalt  }
0x72: {  	_ =	shalt  }
0x73: {  	_ =	shalt  }
0x74: {  	_ =	shalt  }
0x75: {  	_ =	shalt  }
0x76: {  	_ =	shalt  }
0x77: {  	_ =	shalt  }
0x78: {  	_ =	shalt  }
0x79: {  	_ =	shalt  }
0x7a: {  	_ =	shalt  }
0x7b: {  	_ =	shalt  }
0x7c: {  	_ =	shalt  }
0x7d: {  	_ =	shalt  }
0x7e: {  	_ =	shalt  }
0x7f: {  	_ =	shalt  }
0x80: {  	_ =	shalt  }
0x81: {  	_ =	shalt  }
0x82: {  	_ =	shalt  }
0x83: {  	_ =	shalt  }
0x84: {  	_ =	shalt  }
0x85: {  	_ =	shalt  }
0x86: {  	_ =	shalt  }
0x87: {  	_ =	shalt  }
.Lfunc_end0:
.L_simem_size_0:
called_computation_lowered:
.L_overlay_start_0:
0x88: {  	s2 =	sld [smem:$0x3FD9]  }
0x89: {  	s3 =	sld [smem:$0x3FFE];
	_ =	sdelay $0x1  }
0x8a: {  	s1 =	srdreg.scid  }
0x8b: {  	s0 =	sand.u32 $0x1, s1  }
0x8c: {  	s16 =	sshll.u32 s0, $0xA;
	s2 =	sadd.s32 s3, s2  }
0x8d: {  	s2 =	sadd.s32 s2, s16  }
0x8e: {  	[smem:$0x3FBE] =	sst s2  }
0x8f: {  	_ = 	snop  }
0x90: {  	(tm) =	ssettm $0x1  }
0x91: {  	s17 =	sld [smem:$0x3FFB];
	_ =	sdelay $0x3  }
0x92: {  	_ =	strace s17  }
0x93: {  	s2 =	sld [smem:$0x3FFC];
	_ =	sdelay $0x3  }
0x94: {  	_ =	strace s2  }
0x95: {  	s2 =	sld [smem:$0x3FFD];
	_ =	sdelay $0x3  }
0x96: {  	_ =	strace s2  }
0x97: {  	_ =	strace $0x8FFFFFFF  }
0x98: {  	s18 =	sld [smem:$0x3FDB];
	_ =	sdelay $0x1  }
0x99: {  	s19 =	simm.s32 $_scs_section_size  }
0x9a: {  	s4 =	simm.s32 $_size__tile_overlayer_lowered;
	s5 =	simm.s32 $_tile_overlayer_lowered  }
0x9b: {  	s22 =	simm.s32 $0x1BFF;
	s21 =	sshll.u32 s5, $0x1;
	s2 =	sadd.s32 s19, s18  }
0x9c: {  	s6 =	simm.s32 $0x0;
	s20 =	sshll.u32 s4, $0x1;
	s4 =	sadd.s32 s21, s2  }
0x9d: {  	[timem:s6], [sflag:s22] =	dma.local [hbm:s4], s20  }
0x9e: {  	_ =	swait.ge [sflag:s22], s20  }
0x9f: {  	s3 =	ssub.s32 $0x0, s20;
	[sflag:s22] =	ssyncset.done $0x0  }
0xa0: {  	[sflag:s22] =	ssyncadd.s32 s3;
	_ =	sdelay $0x1  }
0xa1: {  	s23 =	simm.s32 $0x1B8B  }
0xa2: {  	_ =	swait.ge [sflag:s23], $0x1  }
0xa3: {  	[sflag:s23] =	ssyncset.done $0x0  }
0xa4: {  	s25 =	simm.s32 $0x1B8E;
	s24 =	sld [smem:$0x3FFE];
	[sflag:s23] =	ssyncadd.s32 $0xFFFFFFFF  }
0xa5: {  	s26 =	simm.s32 $execute0_lowered;
	[smem:$0x3FD2] =	sst s25  }
0xa6: {  	s4 =	sshll.u32 s26, $0x1;
	_ =	strace $0x80000046;
	[dreg:$0x1] =	wrdreg $0xFFFFFFFF  }
0xa7: {  	s28 =	simm.s32 $_size_execute0_lowered;
	s2 =	sadd.s32 s2, s4;
	[dreg:$0x0] =	wrdreg $0x0  }
0xa8: {  	s4 =	sshll.u32 s28, $0x1;
	[dreg:$0x2] =	wrdreg s2  }
0xa9: {  	[dreg:$0x3] =	wrdreg s4  }
0xaa: {  	[dreg:$0x4] =	wrdreg $0xC0  }
0xab: {  	_ =	task [dreg:s6], $0x5FFFF  }
0xac: {  	[dreg:$0x1] =	wrdreg $0xFFFFFFFF  }
0xad: {  	[dreg:$0x0] =	wrdreg $0x60  }
0xae: {  	[dreg:$0x2] =	wrdreg s24  }
0xaf: {  	[dreg:$0x3] =	wrdreg $0x40800  }
0xb0: {  	[dreg:$0x4] =	wrdreg $0x9  }
0xb1: {  	_ =	task.clear_ibuf [dreg:s6], $0x5FFFF;
	_ =	strace $0x90000046  }
0xb2: {  	s29 =	simm.s32 $0x9;
	_ =	strace $0x80000048  }
0xb3: {  	_ =	swait.ge [sflag:s29], $0x1  }
0xb4: {  	[sflag:s29] =	ssyncadd.s32 $0xFFFFFFFF  }
0xb5: {  	_ =	strace $0x90000048  }
0xb6: {  	_ =	sfence  }
0xb7: {  	s30 =	sld [smem:$0x0];
	_ =	sdelay $0x2  }
0xb8: {  	s31 =	sshll.u32 s1, $0xD;
	s1 =	sshrl.u32 s1, $0x2  }
0xb9: {  	s3 =	sand.u32 $0x4000, s31;
	s1 =	sadd.s32 s1, s30  }
0xba: {  	s0 =	sor.u32 s3, s0;
	s1 =	sshll.u32 s1, $0x11  }
0xbb: {  	s0 =	sor.u32 s1, s0  }
0xbc: {  	s0 =	sadd.s32 $0x8F2B, s0  }
0xbd: {  	[sflag:s0] =	ssyncadd.remote.s32 $0x1  }
0xbe: {  	_ =	sfence.sel $0xFFFF  }
0xbf: {  	[dreg:$0x0] =	wrdreg $0xFFFFFFFF;
	(pc) =	sbr.abs _section_cstart, $3  }
0xc0: {  	[dreg:$0x1] =	wrdreg $0xFFFFFFFF  }
0xc1: {  	_ =	task.clear_ibuf [dreg:s6], $0x2FFFF;
	_ =	strace $0x9FFFFFFF  }
0xc2: {  	(tm) =	ssettm $0x7FFFFFFF  }
0xc3: {  	_ =	shalt  }
tec
execute0_lowered:
.L_overlay_start_1:
0x0: {  	(tag) =	ssettag $0x1  }
0x1: {  	s5 =	rddreg [dreg:$0x0]  }
0x2: {  	s2 =	rddreg [dreg:$0x1]  }
0x3: {  	s1 =	stileid.u32;
	s0 =	rddreg [dreg:$0x2]  }
0x4: {  	s3 =	simm.s32 $0x0;
	s7 =	srdreg.scid;
	s4 =	smul.u32 $0x9E0, s1  }
0x5: {  	[smem:$0x7FF] =	sst s3;
	s6 =	smul.u32 $0x13C00, s1;
	s7 =	sand.u32 $0x1, s7  }
0x6: {  	s12 =	smul.u32 $0x4F000, s1;
	s31 =	sshll.u32 s1, $0x6;
	_ =	strace $0x80000047  }
0x7: {  	p0 =	seq.s32 s7, $0x1;
	s11 =	ssub.s32 $0x2, s7;
	s7 =	smul.u32 $0x4F0, s7  }
0x8: {  	s8 =	sadd.s32 s4, s5;
	s6 =	sshrl.u32 s6, $0x3;
	s4 =	sadd.s32 $0xCE00, s5  }
0x9: {  	s28 =	sshrl.u32 s11, $0x1;
	s30 =	sshrl.u32 s12, $0x2;
	s9 =	sadd.s32 s6, s5  }
0xa: {  	s10 =	sadd.s32 $0x27800, s6;
	s29 =	ssub.s32 s11, s28;
	s12 =	sadd.s32 s30, s2  }
0xb: {  	s8 =	sadd.s32 s7, s8;
	s11 =	sor.u32 $0x1C01, s31;
	s6 =	smov.u32 @p0 s10  }
0xc: {  	s8 =	sadd.s32 $0x3000, s8;
	s10 =	simm.s32 $0x1;
	s12 =	sshrl.u32 s12, $0x3  }
0xd: {  	s13 =	sadd.s32 s6, s5;
	s5 =	sadd.s32 $0xD600, s9;
	s6 =	smax.u32 s29, $0x1  }
0xe: {  	s9 =	simm.s32 $0x80;
	s7 =	sadd.s32 $0x34E00, s13;
	s13 =	simm.s32 $0x0  }
.LBB2_1:
0xf: {  	[tilespmem:s9], [sflag:$0x1] =	stream.linear.gather [hbm4b:s4+s3], $0x4000, $0x38;
	[tilespmem:$0x17C80] =	vst v63  }
0x10: {  	_ =	swait.ge [sflag:s10], $0x4000  }
0x11: {  	[sflag:s10] =	ssyncset.done $0x0  }
0x12: {  	[sflag:s10] =	ssyncadd.s32 $0xFFFFC000  }
0x13: {  	[spmem:s12], [sflag:s11] =	dma.local [hbm:s5], $0x2780  }
0x14: {  	_ =	swait.ge [sflag:s10], $0x2780  }
0x15: {  	[sflag:s10] =	ssyncset.done $0x0  }
0x16: {  	[sflag:s10] =	ssyncadd.s32 $0xFFFFD880  }
0x17: {  	s14 =	sadd.s32 $0x0, s8;
	[bflag:$0x0] =	sbarrier.arrive $0xFFFF  }
0x18: {  	[tilespmem:s3], [sflag:$0x1] =	stream.linear.gather [hbm4b:s14+s3], $0x80, $0x38;
	[tilespmem:$0x17C80] =	vst v63  }
0x19: {  	_ =	swait.ge [sflag:s10], $0x80  }
0x1a: {  	[sflag:s10] =	ssyncset.done $0x0  }
0x1b: {  	[sflag:s10] =	ssyncadd.s32 $0xFFFFFF80  }
0x1c: {  	[spmem:s2] =	stream.indirect.scatter.add.f32 [tilespmem:s9], [sflag:$0x1], $0x80, s3, s9, $0xb8;
	[tilespmem:$0x17C80] =	vst v63  }
0x1d: {  	_ =	swait.ge [sflag:s10], $0x4000  }
0x1e: {  	s15 =	simm.s32 $0x20;
	s14 =	simm.s32 $0x10;
	[sflag:s10] =	ssyncset.done $0x0  }
.LBB2_2:
0x1f: {  	s16 =	sadd.s32 s14, s8  }
0x20: {  	[sflag:s10] =	ssyncadd.s32 $0xFFFFC000;
	s14 =	smov.u32 s15;
	s17 =	sadd.s32 $0x10, s15  }
0x21: {  	[tilespmem:s3], [sflag:$0x1] =	stream.linear.gather [hbm4b:s16+s3], $0x80, $0x38;
	[tilespmem:$0x17C80] =	vst v63  }
0x22: {  	p0 =	sne.s32 s15, $0x4E0;
	_ =	swait.ge [sflag:s10], $0x80  }
.Ltmp0:
0x23: {  	[sflag:s10] =	ssyncset.done $0x0;
	(pc) =	sbr.rel @p0 .LBB2_2-.Ltmp0, $4  }
0x24: {  	[sflag:s10] =	ssyncadd.s32 $0xFFFFFF80  }
0x25: {  	[spmem:s2] =	stream.indirect.scatter.add.f32 [tilespmem:s9], [sflag:$0x1], $0x80, s3, s9, $0xb8;
	[tilespmem:$0x17C80] =	vst v63  }
0x26: {  	_ =	swait.ge [sflag:s10], $0x4000  }
0x27: {  	s15 =	smov.u32 s17;
	[sflag:s10] =	ssyncset.done $0x0  }
0x28: {  	s14 =	sadd.s32 s14, s8;
	[sflag:s10] =	ssyncadd.s32 $0xFFFFC000  }
0x29: {  	[tilespmem:s3], [sflag:$0x1] =	stream.linear.gather [hbm4b:s14+s3], $0x80, $0x38;
	[tilespmem:$0x17C80] =	vst v63  }
0x2a: {  	_ =	swait.ge [sflag:s10], $0x80  }
0x2b: {  	[sflag:s10] =	ssyncset.done $0x0  }
0x2c: {  	[sflag:s10] =	ssyncadd.s32 $0xFFFFFF80  }
0x2d: {  	[spmem:s2] =	stream.indirect.scatter.add.f32 [tilespmem:s9], [sflag:$0x1], $0x80, s3, s9, $0xb8;
	[tilespmem:$0x17C80] =	vst v63  }
0x2e: {  	_ =	swait.ge [sflag:s10], $0x4000  }
0x2f: {  	s13 =	sadd.s32 $0x1, s13;
	[sflag:s10] =	ssyncset.done $0x0  }
0x30: {  	p0 =	sne.s32 s13, s6;
	[sflag:s10] =	ssyncadd.s32 $0xFFFFC000  }
.Ltmp1:
0x31: {  	[bflag:$0x0] =	sbarrier.arrive $0xFFFF;
	(pc) =	sbr.rel @p0 .LBB2_1-.Ltmp1, $4  }
0x32: {  	[hbm:s7], [sflag:s11] =	dma.local [spmem:s12], $0x2780  }
0x33: {  	_ =	swait.ge [sflag:s10], $0x2780  }
0x34: {  	[sflag:s10] =	ssyncset.done $0x0  }
0x35: {  	[sflag:s10] =	ssyncadd.s32 $0xFFFFD880  }
0x36: {  	_ =	sfence.sel $0x180000  }
0x37: {  	[bflag:$0x0] =	sbarrier.arrive $0xFFFF  }
0x38: {  	p0 =	sne.s32 s1, $0x0;
	_ =	strace $0x90000047  }
0x39: {  	s0 =	sadd.s32 @!p0 $0x100000, s0;
	[bflag:$0x2] =	sbarrier.arrive $0xFFFF  }
0x3a: {  	[sflag:s0] =	ssyncadd.tile.s32 @!p0 $0x1;
	_ =	shalt  }
.Lfunc_end2:
_tile_overlayer_lowered:
.L_overlay_start_2:
0x3b: {  	(tag) =	ssettag $0x2  }
0x3c: {  	s0 =	rddreg [dreg:$0x0];
	s2 =	stileid.u32  }
0x3d: {  	s1 =	rddreg [dreg:$0x1];
	p0 =	sne.s32 s2, $0x0  }
0x3e: {  	s3 =	rddreg [dreg:$0x2];
	[bflag:$0x3] =	sbarrier.arrive $0xFFFF;
	s2 =	simm.s32 @!p0 $0x1C01  }
0x3f: {  	[timem:s3], [sflag:s2] =	dma.local @!p0 [hbm:s0], s1  }
0x40: {  	s0 =	simm.s32 @!p0 $0x1  }
0x41: {  	_ =	swait.ge @!p0 [sflag:s0], s1  }
0x42: {  	s1 =	ssub.s32 @!p0 $0x0, s1;
	[sflag:s0] =	ssyncset.done @!p0 $0x0  }
0x43: {  	[sflag:s0] =	ssyncadd.s32 @!p0 s1  }
0x44: {  	[bflag:$0x3] =	sbarrier.arrive $0xFFFF  }
0x45: {  	_ =	shalt  }

</sc_bundles>
